<compile_context>
chip_gen: v7x
topology: tpu7x:2x2x1
jax: 0.10.2.dev20260603
libtpu: 0.0.44.dev20260713+nightly
codegen_flags: <defaults>
</compile_context>

<pallas_src>
import functools

import jax
import jax.numpy as jnp
from jax import lax
from jax.experimental import pallas as pl
from jax.experimental.pallas import tpu as pltpu
from jax.experimental.pallas import tpu_sc as plsc

_B, _S, _D, _LD = 4, 8192, 1024, 48
_NC, _NS = 2, 16
_NW = _NC * _NS
_RPW = _B * _S // _NW
_CH = 32
_NCH = _RPW // _CH


def _gelu_exact(v):
    return 0.5 * v * (1.0 + jax.lax.erf(v * 0.7071067811865476))


def _head_body(xh_ref, lat_ref, wnt_ref, bnt_ref, lnw_ref, lnb_ref,
               we1_ref, be1_ref, we2_ref, be2_ref, wout_ref, bout_ref,
               wg_ref, bg_ref, out_ref):
    R = _B * _LD
    xl = xh_ref[...]
    h = jnp.dot(xl, wnt_ref[...], preferred_element_type=jnp.float32)
    h = h + bnt_ref[...]
    mu = jnp.mean(h, axis=-1, keepdims=True)
    var = jnp.mean((h - mu) ** 2, axis=-1, keepdims=True)
    h = (h - mu) / jnp.sqrt(var + 1e-5) * lnw_ref[...] + lnb_ref[...]
    h = _gelu_exact(h)

    lat = lat_ref[...]
    lat = lat - jnp.max(lat, axis=-1, keepdims=True)
    e = jnp.exp(lat)
    adj = e / jnp.sum(e, axis=-1, keepdims=True)
    w_masked = jnp.where(adj > 0.01, adj, 0.0)
    wtile = jnp.tile(w_masked, (_B, _B))
    rid = lax.broadcasted_iota(jnp.int32, (R, R), 0) // _LD
    cid = lax.broadcasted_iota(jnp.int32, (R, R), 1) // _LD
    wbig = jnp.where(rid == cid, wtile, 0.0)
    wn = jnp.dot(wbig, h, preferred_element_type=jnp.float32)

    msg = (jnp.dot(h, we1_ref[:_D, :], preferred_element_type=jnp.float32)
           + jnp.dot(wn, we1_ref[_D:, :], preferred_element_type=jnp.float32)
           + be1_ref[...])
    msg = _gelu_exact(msg)
    msg = jnp.dot(msg, we2_ref[...], preferred_element_type=jnp.float32) + be2_ref[...]

    g = jax.nn.sigmoid(
        jnp.dot(xl, wg_ref[:_D, :], preferred_element_type=jnp.float32)
        + jnp.dot(msg, wg_ref[_D:, :], preferred_element_type=jnp.float32)
        + bg_ref[...])
    out_ref[...] = g * (jnp.dot(msg, wout_ref[...], preferred_element_type=jnp.float32)
                        + bout_ref[...]) + (1.0 - g) * xl


def _compute_heads(xh, lattice_weights, W_nt, b_nt, ln_w, ln_b, W_e1, b_e1,
                   W_e2, b_e2, W_out, b_out, W_g, b_g):
    return pl.pallas_call(
        _head_body,
        out_shape=jax.ShapeDtypeStruct((_B * _LD, _D), jnp.float32),
    )(xh, lattice_weights, W_nt, b_nt, ln_w, ln_b, W_e1, b_e1, W_e2, b_e2,
      W_out, b_out, W_g, b_g)


_sc_mesh = plsc.VectorSubcoreMesh(core_axis_name="c", subcore_axis_name="s")


@functools.partial(
    pl.kernel, mesh=_sc_mesh,
    out_type=jax.ShapeDtypeStruct((_B * _S, _D), jnp.float32),
    scratch_types=[
        pltpu.VMEM((_CH, _D), jnp.float32),
        pltpu.VMEM((_LD, _D), jnp.float32),
    ],
)
def _sc_assemble(xf_hbm, uph_hbm, out_hbm, buf, hbuf):
    wid = lax.axis_index("s") * _NC + lax.axis_index("c")
    base = wid * _RPW
    for c in range(_NCH):
        pltpu.sync_copy(xf_hbm.at[pl.ds(base + c * _CH, _CH)], buf)
        pltpu.sync_copy(buf, out_hbm.at[pl.ds(base + c * _CH, _CH)])

    @pl.when(wid % (_NW // _B) == 0)
    def _head():
        b = wid // (_NW // _B)
        pltpu.sync_copy(uph_hbm.at[pl.ds(b * _LD, _LD)], hbuf)
        pltpu.sync_copy(hbuf, out_hbm.at[pl.ds(base, _LD)])


@jax.jit
def _run(x, lattice_weights, W_nt, b_nt, ln_w, ln_b, W_e1, b_e1, W_e2, b_e2,
         W_out, b_out, W_g, b_g):
    B, S, D = x.shape
    xf = x.reshape(B * S, D)
    xh = x[:, :_LD, :].reshape(B * _LD, D)
    uph = _compute_heads(xh, lattice_weights, W_nt, b_nt, ln_w, ln_b,
                         W_e1, b_e1, W_e2, b_e2, W_out, b_out, W_g, b_g)
    out = _sc_assemble(xf, uph)
    return out.reshape(B, S, D)


def kernel(x, lattice_weights, W_nt, b_nt, ln_w, ln_b, W_e1, b_e1, W_e2,
           b_e2, W_out, b_out, W_g, b_g):
    return _run(x, lattice_weights, W_nt, b_nt, ln_w, ln_b, W_e1, b_e1,
                W_e2, b_e2, W_out, b_out, W_g, b_g)

# --- scband reference (transcript-rebuilt; emitter-appended) ---
"""Pipeline reference for scband-hyper-lattice-block-46291157516390 (READ-ONLY COPY).

The authoritative reference and input builder live on the scoring server;
editing this copy changes nothing except your own understanding.
"""

import jax, jax.numpy as jnp
import numpy as np

B, S, D, LD = 4, 8192, 1024, 48


def _lin_init(k, fan_in, shape_w, shape_b):
    bound = 1.0 / np.sqrt(fan_in)
    kw, kb = jax.random.split(k)
    W = jax.random.uniform(kw, shape_w, minval=-bound, maxval=bound, dtype=jnp.float32)
    b = jax.random.uniform(kb, shape_b, minval=-bound, maxval=bound, dtype=jnp.float32)
    return W, b


def setup_inputs(seed: int = 0) -> dict:
    key = jax.random.key(seed)
    ks = jax.random.split(key, 8)
    x = jax.random.normal(ks[0], (B, S, D), dtype=jnp.float32)
    lattice_weights = jax.random.normal(ks[1], (LD, LD), dtype=jnp.float32) * 0.02
    W_nt, b_nt = _lin_init(ks[2], D, (D, D), (D,))
    ln_w = jnp.ones((D,), jnp.float32)
    ln_b = jnp.zeros((D,), jnp.float32)
    W_e1, b_e1 = _lin_init(ks[3], 2 * D, (2 * D, D), (D,))
    W_e2, b_e2 = _lin_init(ks[4], D, (D, D), (D,))
    W_out, b_out = _lin_init(ks[5], D, (D, D), (D,))
    W_g, b_g = _lin_init(ks[6], 2 * D, (2 * D, D), (D,))
    return dict(x=x, lattice_weights=lattice_weights, W_nt=W_nt, b_nt=b_nt,
                ln_w=ln_w, ln_b=ln_b, W_e1=W_e1, b_e1=b_e1, W_e2=W_e2, b_e2=b_e2,
                W_out=W_out, b_out=b_out, W_g=W_g, b_g=b_g)


def _layernorm(h, w, b, eps=1e-5):
    mu = jnp.mean(h, axis=-1, keepdims=True)
    var = jnp.mean((h - mu) ** 2, axis=-1, keepdims=True)
    return (h - mu) / jnp.sqrt(var + eps) * w + b


def reference(x, lattice_weights, W_nt, b_nt, ln_w, ln_b, W_e1, b_e1, W_e2, b_e2, W_out, b_out, W_g, b_g):
    Bb, Ss, Dd = x.shape
    L = min(Ss, lattice_weights.shape[0])
    adj = jax.nn.softmax(lattice_weights[:L, :L], axis=-1)
    xl = x[:, :L, :]
    h = xl @ W_nt + b_nt
    h = _layernorm(h, ln_w, ln_b)
    h = jax.nn.gelu(h, approximate=False)
    # With a softmax row over L<=48 entries, every row has max weight >= 1/48 > 0.01,
    # so the 'neighbors' branch always fires; thresholding is a multiplicative mask.
    w_masked = jnp.where(adj > 0.01, adj, 0.0)
    weighted_neighbors = jnp.einsum('ij,bjd->bid', w_masked, h)
    edge_in = jnp.concatenate([h, weighted_neighbors], axis=-1)
    msg = jax.nn.gelu(edge_in @ W_e1 + b_e1, approximate=False) @ W_e2 + b_e2
    gate_in = jnp.concatenate([xl, msg], axis=-1)
    g = jax.nn.sigmoid(gate_in @ W_g + b_g)
    updated = g * (msg @ W_out + b_out) + (1.0 - g) * xl
    if Ss > L:
        out = jnp.concatenate([updated, x[:, L:, :]], axis=1)
    else:
        out = updated
    return out

if __name__ == "__main__":
    import jax
    _d = setup_inputs()
    print(jax.jit(kernel)(*tuple(_d.values())))

</pallas_src>

<mosaic_0001>
#map = affine_map<(d0, d1) -> (0, 0)>
module attributes {stable_mosaic.version = 14 : i64} {
  func.func @_sc_assemble(%arg0: i32, %arg1: i32, %arg2: memref<32768x1024xf32, #tpu.memory_space<hbm>>, %arg3: memref<192x1024xf32, #tpu.memory_space<hbm>>, %arg4: memref<32768x1024xf32, #tpu.memory_space<hbm>>, %arg5: memref<32x1024xf32, #tpu.memory_space<vmem>>, %arg6: memref<48x1024xf32, #tpu.memory_space<vmem>>) attributes {dimension_semantics = [#tpu.dimension_semantics<core_parallel>, #tpu.dimension_semantics<subcore_parallel>], iteration_bounds = array<i64: 2, 16>, scalar_prefetch = 0 : i64, scratch_operands = 2 : i64, tpu.core_type = #tpu.core_type<sc_vector_subcore>, window_params = [{transform_indices = #map}, {transform_indices = #map}, {transform_indices = #map}]} {
    %mul3A = arith.constant 2 : i32
    %mul3A_0 = arith.muli %arg1, %mul3A : i32
    %add3A = arith.addi %mul3A_0, %arg0 : i32
    %mul3A_1 = arith.constant 1024 : i32
    %mul3A_2 = arith.muli %add3A, %mul3A_1 : i32
    %add3A_3 = arith.constant 0 : i32
    %add3A_4 = arith.addi %mul3A_2, %add3A_3 : i32
    "tpu.region"() ({
      %run_scoped3A = tpu.sem_alloc : memref<!tpu.dma_semaphore, #tpu.memory_space<semaphore_mem>>
      %dma_start3A = arith.constant 0 : i32
      %dma_start3A_143 = tpu.memref_slice %arg2[%add3A_4, %dma_start3A] : memref<32768x1024xf32, #tpu.memory_space<hbm>> -> memref<32x1024xf32, #tpu.memory_space<hbm>>
      %dma_start3A_144 = arith.constant 0 : i32
      %dma_start3A_145 = tpu.memref_slice %arg2[%add3A_4, %dma_start3A_144] : memref<32768x1024xf32, #tpu.memory_space<hbm>> -> memref<32x1024xf32, #tpu.memory_space<hbm>>
      tpu.enqueue_dma source(%dma_start3A_145 : memref<32x1024xf32, #tpu.memory_space<hbm>>) target(%arg5 : memref<32x1024xf32, #tpu.memory_space<vmem>>) target_semaphore(%run_scoped3A : memref<!tpu.dma_semaphore, #tpu.memory_space<semaphore_mem>>)
      %dma_wait3A = arith.constant 0 : i32
      %dma_wait3A_146 = tpu.memref_slice %arg2[%add3A_4, %dma_wait3A] : memref<32768x1024xf32, #tpu.memory_space<hbm>> -> memref<32x1024xf32, #tpu.memory_space<hbm>>
      %dma_wait3A_147 = arith.constant 0 : i32
      %dma_wait3A_148 = tpu.memref_slice %arg2[%add3A_4, %dma_wait3A_147] : memref<32768x1024xf32, #tpu.memory_space<hbm>> -> memref<32x1024xf32, #tpu.memory_space<hbm>>
      tpu.wait_dma2 semaphore(%run_scoped3A : memref<!tpu.dma_semaphore, #tpu.memory_space<semaphore_mem>>) src(%dma_wait3A_148 : memref<32x1024xf32, #tpu.memory_space<hbm>>) dst(%arg5 : memref<32x1024xf32, #tpu.memory_space<vmem>>)
      tpu.yield
    }) : () -> ()
    %add3A_5 = arith.constant 0 : i32
    %add3A_6 = arith.addi %mul3A_2, %add3A_5 : i32
    "tpu.region"() ({
      %run_scoped3A = tpu.sem_alloc : memref<!tpu.dma_semaphore, #tpu.memory_space<semaphore_mem>>
      %dma_start3A = arith.constant 0 : i32
      %dma_start3A_143 = tpu.memref_slice %arg4[%add3A_6, %dma_start3A] : memref<32768x1024xf32, #tpu.memory_space<hbm>> -> memref<32x1024xf32, #tpu.memory_space<hbm>>
      %dma_start3A_144 = arith.constant 0 : i32
      %dma_start3A_145 = tpu.memref_slice %arg4[%add3A_6, %dma_start3A_144] : memref<32768x1024xf32, #tpu.memory_space<hbm>> -> memref<32x1024xf32, #tpu.memory_space<hbm>>
      tpu.enqueue_dma source(%arg5 : memref<32x1024xf32, #tpu.memory_space<vmem>>) target(%dma_start3A_145 : memref<32x1024xf32, #tpu.memory_space<hbm>>) target_semaphore(%run_scoped3A : memref<!tpu.dma_semaphore, #tpu.memory_space<semaphore_mem>>)
      %dma_wait3A = arith.constant 0 : i32
      %dma_wait3A_146 = tpu.memref_slice %arg4[%add3A_6, %dma_wait3A] : memref<32768x1024xf32, #tpu.memory_space<hbm>> -> memref<32x1024xf32, #tpu.memory_space<hbm>>
      %dma_wait3A_147 = arith.constant 0 : i32
      %dma_wait3A_148 = tpu.memref_slice %arg4[%add3A_6, %dma_wait3A_147] : memref<32768x1024xf32, #tpu.memory_space<hbm>> -> memref<32x1024xf32, #tpu.memory_space<hbm>>
      tpu.wait_dma2 semaphore(%run_scoped3A : memref<!tpu.dma_semaphore, #tpu.memory_space<semaphore_mem>>) src(%arg5 : memref<32x1024xf32, #tpu.memory_space<vmem>>) dst(%dma_wait3A_148 : memref<32x1024xf32, #tpu.memory_space<hbm>>)
      tpu.yield
    }) : () -> ()
    %add3A_7 = arith.constant 32 : i32
    %add3A_8 = arith.addi %mul3A_2, %add3A_7 : i32
    "tpu.region"() ({
      %run_scoped3A = tpu.sem_alloc : memref<!tpu.dma_semaphore, #tpu.memory_space<semaphore_mem>>
      %dma_start3A = arith.constant 0 : i32
      %dma_start3A_143 = tpu.memref_slice %arg2[%add3A_8, %dma_start3A] : memref<32768x1024xf32, #tpu.memory_space<hbm>> -> memref<32x1024xf32, #tpu.memory_space<hbm>>
      %dma_start3A_144 = arith.constant 0 : i32
      %dma_start3A_145 = tpu.memref_slice %arg2[%add3A_8, %dma_start3A_144] : memref<32768x1024xf32, #tpu.memory_space<hbm>> -> memref<32x1024xf32, #tpu.memory_space<hbm>>
      tpu.enqueue_dma source(%dma_start3A_145 : memref<32x1024xf32, #tpu.memory_space<hbm>>) target(%arg5 : memref<32x1024xf32, #tpu.memory_space<vmem>>) target_semaphore(%run_scoped3A : memref<!tpu.dma_semaphore, #tpu.memory_space<semaphore_mem>>)
      %dma_wait3A = arith.constant 0 : i32
      %dma_wait3A_146 = tpu.memref_slice %arg2[%add3A_8, %dma_wait3A] : memref<32768x1024xf32, #tpu.memory_space<hbm>> -> memref<32x1024xf32, #tpu.memory_space<hbm>>
      %dma_wait3A_147 = arith.constant 0 : i32
      %dma_wait3A_148 = tpu.memref_slice %arg2[%add3A_8, %dma_wait3A_147] : memref<32768x1024xf32, #tpu.memory_space<hbm>> -> memref<32x1024xf32, #tpu.memory_space<hbm>>
      tpu.wait_dma2 semaphore(%run_scoped3A : memref<!tpu.dma_semaphore, #tpu.memory_space<semaphore_mem>>) src(%dma_wait3A_148 : memref<32x1024xf32, #tpu.memory_space<hbm>>) dst(%arg5 : memref<32x1024xf32, #tpu.memory_space<vmem>>)
      tpu.yield
    }) : () -> ()
    %add3A_9 = arith.constant 32 : i32
    %add3A_10 = arith.addi %mul3A_2, %add3A_9 : i32
    "tpu.region"() ({
      %run_scoped3A = tpu.sem_alloc : memref<!tpu.dma_semaphore, #tpu.memory_space<semaphore_mem>>
      %dma_start3A = arith.constant 0 : i32
      %dma_start3A_143 = tpu.memref_slice %arg4[%add3A_10, %dma_start3A] : memref<32768x1024xf32, #tpu.memory_space<hbm>> -> memref<32x1024xf32, #tpu.memory_space<hbm>>
      %dma_start3A_144 = arith.constant 0 : i32
      %dma_start3A_145 = tpu.memref_slice %arg4[%add3A_10, %dma_start3A_144] : memref<32768x1024xf32, #tpu.memory_space<hbm>> -> memref<32x1024xf32, #tpu.memory_space<hbm>>
      tpu.enqueue_dma source(%arg5 : memref<32x1024xf32, #tpu.memory_space<vmem>>) target(%dma_start3A_145 : memref<32x1024xf32, #tpu.memory_space<hbm>>) target_semaphore(%run_scoped3A : memref<!tpu.dma_semaphore, #tpu.memory_space<semaphore_mem>>)
      %dma_wait3A = arith.constant 0 : i32
      %dma_wait3A_146 = tpu.memref_slice %arg4[%add3A_10, %dma_wait3A] : memref<32768x1024xf32, #tpu.memory_space<hbm>> -> memref<32x1024xf32, #tpu.memory_space<hbm>>
      %dma_wait3A_147 = arith.constant 0 : i32
      %dma_wait3A_148 = tpu.memref_slice %arg4[%add3A_10, %dma_wait3A_147] : memref<32768x1024xf32, #tpu.memory_space<hbm>> -> memref<32x1024xf32, #tpu.memory_space<hbm>>
      tpu.wait_dma2 semaphore(%run_scoped3A : memref<!tpu.dma_semaphore, #tpu.memory_space<semaphore_mem>>) src(%arg5 : memref<32x1024xf32, #tpu.memory_space<vmem>>) dst(%dma_wait3A_148 : memref<32x1024xf32, #tpu.memory_space<hbm>>)
      tpu.yield
    }) : () -> ()
    %add3A_11 = arith.constant 64 : i32
    %add3A_12 = arith.addi %mul3A_2, %add3A_11 : i32
    "tpu.region"() ({
      %run_scoped3A = tpu.sem_alloc : memref<!tpu.dma_semaphore, #tpu.memory_space<semaphore_mem>>
      %dma_start3A = arith.constant 0 : i32
      %dma_start3A_143 = tpu.memref_slice %arg2[%add3A_12, %dma_start3A] : memref<32768x1024xf32, #tpu.memory_space<hbm>> -> memref<32x1024xf32, #tpu.memory_space<hbm>>
      %dma_start3A_144 = arith.constant 0 : i32
      %dma_start3A_145 = tpu.memref_slice %arg2[%add3A_12, %dma_start3A_144] : memref<32768x1024xf32, #tpu.memory_space<hbm>> -> memref<32x1024xf32, #tpu.memory_space<hbm>>
      tpu.enqueue_dma source(%dma_start3A_145 : memref<32x1024xf32, #tpu.memory_space<hbm>>) target(%arg5 : memref<32x1024xf32, #tpu.memory_space<vmem>>) target_semaphore(%run_scoped3A : memref<!tpu.dma_semaphore, #tpu.memory_space<semaphore_mem>>)
      %dma_wait3A = arith.constant 0 : i32
      %dma_wait3A_146 = tpu.memref_slice %arg2[%add3A_12, %dma_wait3A] : memref<32768x1024xf32, #tpu.memory_space<hbm>> -> memref<32x1024xf32, #tpu.memory_space<hbm>>
      %dma_wait3A_147 = arith.constant 0 : i32
      %dma_wait3A_148 = tpu.memref_slice %arg2[%add3A_12, %dma_wait3A_147] : memref<32768x1024xf32, #tpu.memory_space<hbm>> -> memref<32x1024xf32, #tpu.memory_space<hbm>>
      tpu.wait_dma2 semaphore(%run_scoped3A : memref<!tpu.dma_semaphore, #tpu.memory_space<semaphore_mem>>) src(%dma_wait3A_148 : memref<32x1024xf32, #tpu.memory_space<hbm>>) dst(%arg5 : memref<32x1024xf32, #tpu.memory_space<vmem>>)
      tpu.yield
    }) : () -> ()
    %add3A_13 = arith.constant 64 : i32
    %add3A_14 = arith.addi %mul3A_2, %add3A_13 : i32
    "tpu.region"() ({
      %run_scoped3A = tpu.sem_alloc : memref<!tpu.dma_semaphore, #tpu.memory_space<semaphore_mem>>
      %dma_start3A = arith.constant 0 : i32
      %dma_start3A_143 = tpu.memref_slice %arg4[%add3A_14, %dma_start3A] : memref<32768x1024xf32, #tpu.memory_space<hbm>> -> memref<32x1024xf32, #tpu.memory_space<hbm>>
      %dma_start3A_144 = arith.constant 0 : i32
      %dma_start3A_145 = tpu.memref_slice %arg4[%add3A_14, %dma_start3A_144] : memref<32768x1024xf32, #tpu.memory_space<hbm>> -> memref<32x1024xf32, #tpu.memory_space<hbm>>
      tpu.enqueue_dma source(%arg5 : memref<32x1024xf32, #tpu.memory_space<vmem>>) target(%dma_start3A_145 : memref<32x1024xf32, #tpu.memory_space<hbm>>) target_semaphore(%run_scoped3A : memref<!tpu.dma_semaphore, #tpu.memory_space<semaphore_mem>>)
      %dma_wait3A = arith.constant 0 : i32
      %dma_wait3A_146 = tpu.memref_slice %arg4[%add3A_14, %dma_wait3A] : memref<32768x1024xf32, #tpu.memory_space<hbm>> -> memref<32x1024xf32, #tpu.memory_space<hbm>>
      %dma_wait3A_147 = arith.constant 0 : i32
      %dma_wait3A_148 = tpu.memref_slice %arg4[%add3A_14, %dma_wait3A_147] : memref<32768x1024xf32, #tpu.memory_space<hbm>> -> memref<32x1024xf32, #tpu.memory_space<hbm>>
      tpu.wait_dma2 semaphore(%run_scoped3A : memref<!tpu.dma_semaphore, #tpu.memory_space<semaphore_mem>>) src(%arg5 : memref<32x1024xf32, #tpu.memory_space<vmem>>) dst(%dma_wait3A_148 : memref<32x1024xf32, #tpu.memory_space<hbm>>)
      tpu.yield
    }) : () -> ()
    %add3A_15 = arith.constant 96 : i32
    %add3A_16 = arith.addi %mul3A_2, %add3A_15 : i32
    "tpu.region"() ({
      %run_scoped3A = tpu.sem_alloc : memref<!tpu.dma_semaphore, #tpu.memory_space<semaphore_mem>>
      %dma_start3A = arith.constant 0 : i32
      %dma_start3A_143 = tpu.memref_slice %arg2[%add3A_16, %dma_start3A] : memref<32768x1024xf32, #tpu.memory_space<hbm>> -> memref<32x1024xf32, #tpu.memory_space<hbm>>
      %dma_start3A_144 = arith.constant 0 : i32
      %dma_start3A_145 = tpu.memref_slice %arg2[%add3A_16, %dma_start3A_144] : memref<32768x1024xf32, #tpu.memory_space<hbm>> -> memref<32x1024xf32, #tpu.memory_space<hbm>>
      tpu.enqueue_dma source(%dma_start3A_145 : memref<32x1024xf32, #tpu.memory_space<hbm>>) target(%arg5 : memref<32x1024xf32, #tpu.memory_space<vmem>>) target_semaphore(%run_scoped3A : memref<!tpu.dma_semaphore, #tpu.memory_space<semaphore_mem>>)
      %dma_wait3A = arith.constant 0 : i32
      %dma_wait3A_146 = tpu.memref_slice %arg2[%add3A_16, %dma_wait3A] : memref<32768x1024xf32, #tpu.memory_space<hbm>> -> memref<32x1024xf32, #tpu.memory_space<hbm>>
      %dma_wait3A_147 = arith.constant 0 : i32
      %dma_wait3A_148 = tpu.memref_slice %arg2[%add3A_16, %dma_wait3A_147] : memref<32768x1024xf32, #tpu.memory_space<hbm>> -> memref<32x1024xf32, #tpu.memory_space<hbm>>
      tpu.wait_dma2 semaphore(%run_scoped3A : memref<!tpu.dma_semaphore, #tpu.memory_space<semaphore_mem>>) src(%dma_wait3A_148 : memref<32x1024xf32, #tpu.memory_space<hbm>>) dst(%arg5 : memref<32x1024xf32, #tpu.memory_space<vmem>>)
      tpu.yield
    }) : () -> ()
    %add3A_17 = arith.constant 96 : i32
    %add3A_18 = arith.addi %mul3A_2, %add3A_17 : i32
    "tpu.region"() ({
      %run_scoped3A = tpu.sem_alloc : memref<!tpu.dma_semaphore, #tpu.memory_space<semaphore_mem>>
      %dma_start3A = arith.constant 0 : i32
      %dma_start3A_143 = tpu.memref_slice %arg4[%add3A_18, %dma_start3A] : memref<32768x1024xf32, #tpu.memory_space<hbm>> -> memref<32x1024xf32, #tpu.memory_space<hbm>>
      %dma_start3A_144 = arith.constant 0 : i32
      %dma_start3A_145 = tpu.memref_slice %arg4[%add3A_18, %dma_start3A_144] : memref<32768x1024xf32, #tpu.memory_space<hbm>> -> memref<32x1024xf32, #tpu.memory_space<hbm>>
      tpu.enqueue_dma source(%arg5 : memref<32x1024xf32, #tpu.memory_space<vmem>>) target(%dma_start3A_145 : memref<32x1024xf32, #tpu.memory_space<hbm>>) target_semaphore(%run_scoped3A : memref<!tpu.dma_semaphore, #tpu.memory_space<semaphore_mem>>)
      %dma_wait3A = arith.constant 0 : i32
      %dma_wait3A_146 = tpu.memref_slice %arg4[%add3A_18, %dma_wait3A] : memref<32768x1024xf32, #tpu.memory_space<hbm>> -> memref<32x1024xf32, #tpu.memory_space<hbm>>
      %dma_wait3A_147 = arith.constant 0 : i32
      %dma_wait3A_148 = tpu.memref_slice %arg4[%add3A_18, %dma_wait3A_147] : memref<32768x1024xf32, #tpu.memory_space<hbm>> -> memref<32x1024xf32, #tpu.memory_space<hbm>>
      tpu.wait_dma2 semaphore(%run_scoped3A : memref<!tpu.dma_semaphore, #tpu.memory_space<semaphore_mem>>) src(%arg5 : memref<32x1024xf32, #tpu.memory_space<vmem>>) dst(%dma_wait3A_148 : memref<32x1024xf32, #tpu.memory_space<hbm>>)
      tpu.yield
    }) : () -> ()
    %add3A_19 = arith.constant 128 : i32
    %add3A_20 = arith.addi %mul3A_2, %add3A_19 : i32
    "tpu.region"() ({
      %run_scoped3A = tpu.sem_alloc : memref<!tpu.dma_semaphore, #tpu.memory_space<semaphore_mem>>
      %dma_start3A = arith.constant 0 : i32
      %dma_start3A_143 = tpu.memref_slice %arg2[%add3A_20, %dma_start3A] : memref<32768x1024xf32, #tpu.memory_space<hbm>> -> memref<32x1024xf32, #tpu.memory_space<hbm>>
      %dma_start3A_144 = arith.constant 0 : i32
      %dma_start3A_145 = tpu.memref_slice %arg2[%add3A_20, %dma_start3A_144] : memref<32768x1024xf32, #tpu.memory_space<hbm>> -> memref<32x1024xf32, #tpu.memory_space<hbm>>
      tpu.enqueue_dma source(%dma_start3A_145 : memref<32x1024xf32, #tpu.memory_space<hbm>>) target(%arg5 : memref<32x1024xf32, #tpu.memory_space<vmem>>) target_semaphore(%run_scoped3A : memref<!tpu.dma_semaphore, #tpu.memory_space<semaphore_mem>>)
      %dma_wait3A = arith.constant 0 : i32
      %dma_wait3A_146 = tpu.memref_slice %arg2[%add3A_20, %dma_wait3A] : memref<32768x1024xf32, #tpu.memory_space<hbm>> -> memref<32x1024xf32, #tpu.memory_space<hbm>>
      %dma_wait3A_147 = arith.constant 0 : i32
      %dma_wait3A_148 = tpu.memref_slice %arg2[%add3A_20, %dma_wait3A_147] : memref<32768x1024xf32, #tpu.memory_space<hbm>> -> memref<32x1024xf32, #tpu.memory_space<hbm>>
      tpu.wait_dma2 semaphore(%run_scoped3A : memref<!tpu.dma_semaphore, #tpu.memory_space<semaphore_mem>>) src(%dma_wait3A_148 : memref<32x1024xf32, #tpu.memory_space<hbm>>) dst(%arg5 : memref<32x1024xf32, #tpu.memory_space<vmem>>)
      tpu.yield
    }) : () -> ()
    %add3A_21 = arith.constant 128 : i32
    %add3A_22 = arith.addi %mul3A_2, %add3A_21 : i32
    "tpu.region"() ({
      %run_scoped3A = tpu.sem_alloc : memref<!tpu.dma_semaphore, #tpu.memory_space<semaphore_mem>>
      %dma_start3A = arith.constant 0 : i32
      %dma_start3A_143 = tpu.memref_slice %arg4[%add3A_22, %dma_start3A] : memref<32768x1024xf32, #tpu.memory_space<hbm>> -> memref<32x1024xf32, #tpu.memory_space<hbm>>
      %dma_start3A_144 = arith.constant 0 : i32
      %dma_start3A_145 = tpu.memref_slice %arg4[%add3A_22, %dma_start3A_144] : memref<32768x1024xf32, #tpu.memory_space<hbm>> -> memref<32x1024xf32, #tpu.memory_space<hbm>>
      tpu.enqueue_dma source(%arg5 : memref<32x1024xf32, #tpu.memory_space<vmem>>) target(%dma_start3A_145 : memref<32x1024xf32, #tpu.memory_space<hbm>>) target_semaphore(%run_scoped3A : memref<!tpu.dma_semaphore, #tpu.memory_space<semaphore_mem>>)
      %dma_wait3A = arith.constant 0 : i32
      %dma_wait3A_146 = tpu.memref_slice %arg4[%add3A_22, %dma_wait3A] : memref<32768x1024xf32, #tpu.memory_space<hbm>> -> memref<32x1024xf32, #tpu.memory_space<hbm>>
      %dma_wait3A_147 = arith.constant 0 : i32
      %dma_wait3A_148 = tpu.memref_slice %arg4[%add3A_22, %dma_wait3A_147] : memref<32768x1024xf32, #tpu.memory_space<hbm>> -> memref<32x1024xf32, #tpu.memory_space<hbm>>
      tpu.wait_dma2 semaphore(%run_scoped3A : memref<!tpu.dma_semaphore, #tpu.memory_space<semaphore_mem>>) src(%arg5 : memref<32x1024xf32, #tpu.memory_space<vmem>>) dst(%dma_wait3A_148 : memref<32x1024xf32, #tpu.memory_space<hbm>>)
      tpu.yield
    }) : () -> ()
    %add3A_23 = arith.constant 160 : i32
    %add3A_24 = arith.addi %mul3A_2, %add3A_23 : i32
    "tpu.region"() ({
      %run_scoped3A = tpu.sem_alloc : memref<!tpu.dma_semaphore, #tpu.memory_space<semaphore_mem>>
      %dma_start3A = arith.constant 0 : i32
      %dma_start3A_143 = tpu.memref_slice %arg2[%add3A_24, %dma_start3A] : memref<32768x1024xf32, #tpu.memory_space<hbm>> -> memref<32x1024xf32, #tpu.memory_space<hbm>>
      %dma_start3A_144 = arith.constant 0 : i32
      %dma_start3A_145 = tpu.memref_slice %arg2[%add3A_24, %dma_start3A_144] : memref<32768x1024xf32, #tpu.memory_space<hbm>> -> memref<32x1024xf32, #tpu.memory_space<hbm>>
      tpu.enqueue_dma source(%dma_start3A_145 : memref<32x1024xf32, #tpu.memory_space<hbm>>) target(%arg5 : memref<32x1024xf32, #tpu.memory_space<vmem>>) target_semaphore(%run_scoped3A : memref<!tpu.dma_semaphore, #tpu.memory_space<semaphore_mem>>)
      %dma_wait3A = arith.constant 0 : i32
      %dma_wait3A_146 = tpu.memref_slice %arg2[%add3A_24, %dma_wait3A] : memref<32768x1024xf32, #tpu.memory_space<hbm>> -> memref<32x1024xf32, #tpu.memory_space<hbm>>
      %dma_wait3A_147 = arith.constant 0 : i32
      %dma_wait3A_148 = tpu.memref_slice %arg2[%add3A_24, %dma_wait3A_147] : memref<32768x1024xf32, #tpu.memory_space<hbm>> -> memref<32x1024xf32, #tpu.memory_space<hbm>>
      tpu.wait_dma2 semaphore(%run_scoped3A : memref<!tpu.dma_semaphore, #tpu.memory_space<semaphore_mem>>) src(%dma_wait3A_148 : memref<32x1024xf32, #tpu.memory_space<hbm>>) dst(%arg5 : memref<32x1024xf32, #tpu.memory_space<vmem>>)
      tpu.yield
    }) : () -> ()
    %add3A_25 = arith.constant 160 : i32
    %add3A_26 = arith.addi %mul3A_2, %add3A_25 : i32
    "tpu.region"() ({
      %run_scoped3A = tpu.sem_alloc : memref<!tpu.dma_semaphore, #tpu.memory_space<semaphore_mem>>
      %dma_start3A = arith.constant 0 : i32
      %dma_start3A_143 = tpu.memref_slice %arg4[%add3A_26, %dma_start3A] : memref<32768x1024xf32, #tpu.memory_space<hbm>> -> memref<32x1024xf32, #tpu.memory_space<hbm>>
      %dma_start3A_144 = arith.constant 0 : i32
      %dma_start3A_145 = tpu.memref_slice %arg4[%add3A_26, %dma_start3A_144] : memref<32768x1024xf32, #tpu.memory_space<hbm>> -> memref<32x1024xf32, #tpu.memory_space<hbm>>
      tpu.enqueue_dma source(%arg5 : memref<32x1024xf32, #tpu.memory_space<vmem>>) target(%dma_start3A_145 : memref<32x1024xf32, #tpu.memory_space<hbm>>) target_semaphore(%run_scoped3A : memref<!tpu.dma_semaphore, #tpu.memory_space<semaphore_mem>>)
      %dma_wait3A = arith.constant 0 : i32
      %dma_wait3A_146 = tpu.memref_slice %arg4[%add3A_26, %dma_wait3A] : memref<32768x1024xf32, #tpu.memory_space<hbm>> -> memref<32x1024xf32, #tpu.memory_space<hbm>>
      %dma_wait3A_147 = arith.constant 0 : i32
      %dma_wait3A_148 = tpu.memref_slice %arg4[%add3A_26, %dma_wait3A_147] : memref<32768x1024xf32, #tpu.memory_space<hbm>> -> memref<32x1024xf32, #tpu.memory_space<hbm>>
      tpu.wait_dma2 semaphore(%run_scoped3A : memref<!tpu.dma_semaphore, #tpu.memory_space<semaphore_mem>>) src(%arg5 : memref<32x1024xf32, #tpu.memory_space<vmem>>) dst(%dma_wait3A_148 : memref<32x1024xf32, #tpu.memory_space<hbm>>)
      tpu.yield
    }) : () -> ()
    %add3A_27 = arith.constant 192 : i32
    %add3A_28 = arith.addi %mul3A_2, %add3A_27 : i32
    "tpu.region"() ({
      %run_scoped3A = tpu.sem_alloc : memref<!tpu.dma_semaphore, #tpu.memory_space<semaphore_mem>>
      %dma_start3A = arith.constant 0 : i32
      %dma_start3A_143 = tpu.memref_slice %arg2[%add3A_28, %dma_start3A] : memref<32768x1024xf32, #tpu.memory_space<hbm>> -> memref<32x1024xf32, #tpu.memory_space<hbm>>
      %dma_start3A_144 = arith.constant 0 : i32
      %dma_start3A_145 = tpu.memref_slice %arg2[%add3A_28, %dma_start3A_144] : memref<32768x1024xf32, #tpu.memory_space<hbm>> -> memref<32x1024xf32, #tpu.memory_space<hbm>>
      tpu.enqueue_dma source(%dma_start3A_145 : memref<32x1024xf32, #tpu.memory_space<hbm>>) target(%arg5 : memref<32x1024xf32, #tpu.memory_space<vmem>>) target_semaphore(%run_scoped3A : memref<!tpu.dma_semaphore, #tpu.memory_space<semaphore_mem>>)
      %dma_wait3A = arith.constant 0 : i32
      %dma_wait3A_146 = tpu.memref_slice %arg2[%add3A_28, %dma_wait3A] : memref<32768x1024xf32, #tpu.memory_space<hbm>> -> memref<32x1024xf32, #tpu.memory_space<hbm>>
      %dma_wait3A_147 = arith.constant 0 : i32
      %dma_wait3A_148 = tpu.memref_slice %arg2[%add3A_28, %dma_wait3A_147] : memref<32768x1024xf32, #tpu.memory_space<hbm>> -> memref<32x1024xf32, #tpu.memory_space<hbm>>
      tpu.wait_dma2 semaphore(%run_scoped3A : memref<!tpu.dma_semaphore, #tpu.memory_space<semaphore_mem>>) src(%dma_wait3A_148 : memref<32x1024xf32, #tpu.memory_space<hbm>>) dst(%arg5 : memref<32x1024xf32, #tpu.memory_space<vmem>>)
      tpu.yield
    }) : () -> ()
    %add3A_29 = arith.constant 192 : i32
    %add3A_30 = arith.addi %mul3A_2, %add3A_29 : i32
    "tpu.region"() ({
      %run_scoped3A = tpu.sem_alloc : memref<!tpu.dma_semaphore, #tpu.memory_space<semaphore_mem>>
      %dma_start3A = arith.constant 0 : i32
      %dma_start3A_143 = tpu.memref_slice %arg4[%add3A_30, %dma_start3A] : memref<32768x1024xf32, #tpu.memory_space<hbm>> -> memref<32x1024xf32, #tpu.memory_space<hbm>>
      %dma_start3A_144 = arith.constant 0 : i32
      %dma_start3A_145 = tpu.memref_slice %arg4[%add3A_30, %dma_start3A_144] : memref<32768x1024xf32, #tpu.memory_space<hbm>> -> memref<32x1024xf32, #tpu.memory_space<hbm>>
      tpu.enqueue_dma source(%arg5 : memref<32x1024xf32, #tpu.memory_space<vmem>>) target(%dma_start3A_145 : memref<32x1024xf32, #tpu.memory_space<hbm>>) target_semaphore(%run_scoped3A : memref<!tpu.dma_semaphore, #tpu.memory_space<semaphore_mem>>)
      %dma_wait3A = arith.constant 0 : i32
      %dma_wait3A_146 = tpu.memref_slice %arg4[%add3A_30, %dma_wait3A] : memref<32768x1024xf32, #tpu.memory_space<hbm>> -> memref<32x1024xf32, #tpu.memory_space<hbm>>
      %dma_wait3A_147 = arith.constant 0 : i32
      %dma_wait3A_148 = tpu.memref_slice %arg4[%add3A_30, %dma_wait3A_147] : memref<32768x1024xf32, #tpu.memory_space<hbm>> -> memref<32x1024xf32, #tpu.memory_space<hbm>>
      tpu.wait_dma2 semaphore(%run_scoped3A : memref<!tpu.dma_semaphore, #tpu.memory_space<semaphore_mem>>) src(%arg5 : memref<32x1024xf32, #tpu.memory_space<vmem>>) dst(%dma_wait3A_148 : memref<32x1024xf32, #tpu.memory_space<hbm>>)
      tpu.yield
    }) : () -> ()
    %add3A_31 = arith.constant 224 : i32
    %add3A_32 = arith.addi %mul3A_2, %add3A_31 : i32
    "tpu.region"() ({
      %run_scoped3A = tpu.sem_alloc : memref<!tpu.dma_semaphore, #tpu.memory_space<semaphore_mem>>
      %dma_start3A = arith.constant 0 : i32
      %dma_start3A_143 = tpu.memref_slice %arg2[%add3A_32, %dma_start3A] : memref<32768x1024xf32, #tpu.memory_space<hbm>> -> memref<32x1024xf32, #tpu.memory_space<hbm>>
      %dma_start3A_144 = arith.constant 0 : i32
      %dma_start3A_145 = tpu.memref_slice %arg2[%add3A_32, %dma_start3A_144] : memref<32768x1024xf32, #tpu.memory_space<hbm>> -> memref<32x1024xf32, #tpu.memory_space<hbm>>
      tpu.enqueue_dma source(%dma_start3A_145 : memref<32x1024xf32, #tpu.memory_space<hbm>>) target(%arg5 : memref<32x1024xf32, #tpu.memory_space<vmem>>) target_semaphore(%run_scoped3A : memref<!tpu.dma_semaphore, #tpu.memory_space<semaphore_mem>>)
      %dma_wait3A = arith.constant 0 : i32
      %dma_wait3A_146 = tpu.memref_slice %arg2[%add3A_32, %dma_wait3A] : memref<32768x1024xf32, #tpu.memory_space<hbm>> -> memref<32x1024xf32, #tpu.memory_space<hbm>>
      %dma_wait3A_147 = arith.constant 0 : i32
      %dma_wait3A_148 = tpu.memref_slice %arg2[%add3A_32, %dma_wait3A_147] : memref<32768x1024xf32, #tpu.memory_space<hbm>> -> memref<32x1024xf32, #tpu.memory_space<hbm>>
      tpu.wait_dma2 semaphore(%run_scoped3A : memref<!tpu.dma_semaphore, #tpu.memory_space<semaphore_mem>>) src(%dma_wait3A_148 : memref<32x1024xf32, #tpu.memory_space<hbm>>) dst(%arg5 : memref<32x1024xf32, #tpu.memory_space<vmem>>)
      tpu.yield
    }) : () -> ()
    %add3A_33 = arith.constant 224 : i32
    %add3A_34 = arith.addi %mul3A_2, %add3A_33 : i32
    "tpu.region"() ({
      %run_scoped3A = tpu.sem_alloc : memref<!tpu.dma_semaphore, #tpu.memory_space<semaphore_mem>>
      %dma_start3A = arith.constant 0 : i32
      %dma_start3A_143 = tpu.memref_slice %arg4[%add3A_34, %dma_start3A] : memref<32768x1024xf32, #tpu.memory_space<hbm>> -> memref<32x1024xf32, #tpu.memory_space<hbm>>
      %dma_start3A_144 = arith.constant 0 : i32
      %dma_start3A_145 = tpu.memref_slice %arg4[%add3A_34, %dma_start3A_144] : memref<32768x1024xf32, #tpu.memory_space<hbm>> -> memref<32x1024xf32, #tpu.memory_space<hbm>>
      tpu.enqueue_dma source(%arg5 : memref<32x1024xf32, #tpu.memory_space<vmem>>) target(%dma_start3A_145 : memref<32x1024xf32, #tpu.memory_space<hbm>>) target_semaphore(%run_scoped3A : memref<!tpu.dma_semaphore, #tpu.memory_space<semaphore_mem>>)
      %dma_wait3A = arith.constant 0 : i32
      %dma_wait3A_146 = tpu.memref_slice %arg4[%add3A_34, %dma_wait3A] : memref<32768x1024xf32, #tpu.memory_space<hbm>> -> memref<32x1024xf32, #tpu.memory_space<hbm>>
      %dma_wait3A_147 = arith.constant 0 : i32
      %dma_wait3A_148 = tpu.memref_slice %arg4[%add3A_34, %dma_wait3A_147] : memref<32768x1024xf32, #tpu.memory_space<hbm>> -> memref<32x1024xf32, #tpu.memory_space<hbm>>
      tpu.wait_dma2 semaphore(%run_scoped3A : memref<!tpu.dma_semaphore, #tpu.memory_space<semaphore_mem>>) src(%arg5 : memref<32x1024xf32, #tpu.memory_space<vmem>>) dst(%dma_wait3A_148 : memref<32x1024xf32, #tpu.memory_space<hbm>>)
      tpu.yield
    }) : () -> ()
    %add3A_35 = arith.constant 256 : i32
    %add3A_36 = arith.addi %mul3A_2, %add3A_35 : i32
    "tpu.region"() ({
      %run_scoped3A = tpu.sem_alloc : memref<!tpu.dma_semaphore, #tpu.memory_space<semaphore_mem>>
      %dma_start3A = arith.constant 0 : i32
      %dma_start3A_143 = tpu.memref_slice %arg2[%add3A_36, %dma_start3A] : memref<32768x1024xf32, #tpu.memory_space<hbm>> -> memref<32x1024xf32, #tpu.memory_space<hbm>>
      %dma_start3A_144 = arith.constant 0 : i32
      %dma_start3A_145 = tpu.memref_slice %arg2[%add3A_36, %dma_start3A_144] : memref<32768x1024xf32, #tpu.memory_space<hbm>> -> memref<32x1024xf32, #tpu.memory_space<hbm>>
      tpu.enqueue_dma source(%dma_start3A_145 : memref<32x1024xf32, #tpu.memory_space<hbm>>) target(%arg5 : memref<32x1024xf32, #tpu.memory_space<vmem>>) target_semaphore(%run_scoped3A : memref<!tpu.dma_semaphore, #tpu.memory_space<semaphore_mem>>)
      %dma_wait3A = arith.constant 0 : i32
      %dma_wait3A_146 = tpu.memref_slice %arg2[%add3A_36, %dma_wait3A] : memref<32768x1024xf32, #tpu.memory_space<hbm>> -> memref<32x1024xf32, #tpu.memory_space<hbm>>
      %dma_wait3A_147 = arith.constant 0 : i32
      %dma_wait3A_148 = tpu.memref_slice %arg2[%add3A_36, %dma_wait3A_147] : memref<32768x1024xf32, #tpu.memory_space<hbm>> -> memref<32x1024xf32, #tpu.memory_space<hbm>>
      tpu.wait_dma2 semaphore(%run_scoped3A : memref<!tpu.dma_semaphore, #tpu.memory_space<semaphore_mem>>) src(%dma_wait3A_148 : memref<32x1024xf32, #tpu.memory_space<hbm>>) dst(%arg5 : memref<32x1024xf32, #tpu.memory_space<vmem>>)
      tpu.yield
    }) : () -> ()
    %add3A_37 = arith.constant 256 : i32
    %add3A_38 = arith.addi %mul3A_2, %add3A_37 : i32
    "tpu.region"() ({
      %run_scoped3A = tpu.sem_alloc : memref<!tpu.dma_semaphore, #tpu.memory_space<semaphore_mem>>
      %dma_start3A = arith.constant 0 : i32
      %dma_start3A_143 = tpu.memref_slice %arg4[%add3A_38, %dma_start3A] : memref<32768x1024xf32, #tpu.memory_space<hbm>> -> memref<32x1024xf32, #tpu.memory_space<hbm>>
      %dma_start3A_144 = arith.constant 0 : i32
      %dma_start3A_145 = tpu.memref_slice %arg4[%add3A_38, %dma_start3A_144] : memref<32768x1024xf32, #tpu.memory_space<hbm>> -> memref<32x1024xf32, #tpu.memory_space<hbm>>
      tpu.enqueue_dma source(%arg5 : memref<32x1024xf32, #tpu.memory_space<vmem>>) target(%dma_start3A_145 : memref<32x1024xf32, #tpu.memory_space<hbm>>) target_semaphore(%run_scoped3A : memref<!tpu.dma_semaphore, #tpu.memory_space<semaphore_mem>>)
      %dma_wait3A = arith.constant 0 : i32
      %dma_wait3A_146 = tpu.memref_slice %arg4[%add3A_38, %dma_wait3A] : memref<32768x1024xf32, #tpu.memory_space<hbm>> -> memref<32x1024xf32, #tpu.memory_space<hbm>>
      %dma_wait3A_147 = arith.constant 0 : i32
      %dma_wait3A_148 = tpu.memref_slice %arg4[%add3A_38, %dma_wait3A_147] : memref<32768x1024xf32, #tpu.memory_space<hbm>> -> memref<32x1024xf32, #tpu.memory_space<hbm>>
      tpu.wait_dma2 semaphore(%run_scoped3A : memref<!tpu.dma_semaphore, #tpu.memory_space<semaphore_mem>>) src(%arg5 : memref<32x1024xf32, #tpu.memory_space<vmem>>) dst(%dma_wait3A_148 : memref<32x1024xf32, #tpu.memory_space<hbm>>)
      tpu.yield
    }) : () -> ()
    %add3A_39 = arith.constant 288 : i32
    %add3A_40 = arith.addi %mul3A_2, %add3A_39 : i32
    "tpu.region"() ({
      %run_scoped3A = tpu.sem_alloc : memref<!tpu.dma_semaphore, #tpu.memory_space<semaphore_mem>>
      %dma_start3A = arith.constant 0 : i32
      %dma_start3A_143 = tpu.memref_slice %arg2[%add3A_40, %dma_start3A] : memref<32768x1024xf32, #tpu.memory_space<hbm>> -> memref<32x1024xf32, #tpu.memory_space<hbm>>
      %dma_start3A_144 = arith.constant 0 : i32
      %dma_start3A_145 = tpu.memref_slice %arg2[%add3A_40, %dma_start3A_144] : memref<32768x1024xf32, #tpu.memory_space<hbm>> -> memref<32x1024xf32, #tpu.memory_space<hbm>>
      tpu.enqueue_dma source(%dma_start3A_145 : memref<32x1024xf32, #tpu.memory_space<hbm>>) target(%arg5 : memref<32x1024xf32, #tpu.memory_space<vmem>>) target_semaphore(%run_scoped3A : memref<!tpu.dma_semaphore, #tpu.memory_space<semaphore_mem>>)
      %dma_wait3A = arith.constant 0 : i32
      %dma_wait3A_146 = tpu.memref_slice %arg2[%add3A_40, %dma_wait3A] : memref<32768x1024xf32, #tpu.memory_space<hbm>> -> memref<32x1024xf32, #tpu.memory_space<hbm>>
      %dma_wait3A_147 = arith.constant 0 : i32
      %dma_wait3A_148 = tpu.memref_slice %arg2[%add3A_40, %dma_wait3A_147] : memref<32768x1024xf32, #tpu.memory_space<hbm>> -> memref<32x1024xf32, #tpu.memory_space<hbm>>
      tpu.wait_dma2 semaphore(%run_scoped3A : memref<!tpu.dma_semaphore, #tpu.memory_space<semaphore_mem>>) src(%dma_wait3A_148 : memref<32x1024xf32, #tpu.memory_space<hbm>>) dst(%arg5 : memref<32x1024xf32, #tpu.memory_space<vmem>>)
      tpu.yield
    }) : () -> ()
    %add3A_41 = arith.constant 288 : i32
    %add3A_42 = arith.addi %mul3A_2, %add3A_41 : i32
    "tpu.region"() ({
      %run_scoped3A = tpu.sem_alloc : memref<!tpu.dma_semaphore, #tpu.memory_space<semaphore_mem>>
      %dma_start3A = arith.constant 0 : i32
      %dma_start3A_143 = tpu.memref_slice %arg4[%add3A_42, %dma_start3A] : memref<32768x1024xf32, #tpu.memory_space<hbm>> -> memref<32x1024xf32, #tpu.memory_space<hbm>>
      %dma_start3A_144 = arith.constant 0 : i32
      %dma_start3A_145 = tpu.memref_slice %arg4[%add3A_42, %dma_start3A_144] : memref<32768x1024xf32, #tpu.memory_space<hbm>> -> memref<32x1024xf32, #tpu.memory_space<hbm>>
      tpu.enqueue_dma source(%arg5 : memref<32x1024xf32, #tpu.memory_space<vmem>>) target(%dma_start3A_145 : memref<32x1024xf32, #tpu.memory_space<hbm>>) target_semaphore(%run_scoped3A : memref<!tpu.dma_semaphore, #tpu.memory_space<semaphore_mem>>)
      %dma_wait3A = arith.constant 0 : i32
      %dma_wait3A_146 = tpu.memref_slice %arg4[%add3A_42, %dma_wait3A] : memref<32768x1024xf32, #tpu.memory_space<hbm>> -> memref<32x1024xf32, #tpu.memory_space<hbm>>
      %dma_wait3A_147 = arith.constant 0 : i32
      %dma_wait3A_148 = tpu.memref_slice %arg4[%add3A_42, %dma_wait3A_147] : memref<32768x1024xf32, #tpu.memory_space<hbm>> -> memref<32x1024xf32, #tpu.memory_space<hbm>>
      tpu.wait_dma2 semaphore(%run_scoped3A : memref<!tpu.dma_semaphore, #tpu.memory_space<semaphore_mem>>) src(%arg5 : memref<32x1024xf32, #tpu.memory_space<vmem>>) dst(%dma_wait3A_148 : memref<32x1024xf32, #tpu.memory_space<hbm>>)
      tpu.yield
    }) : () -> ()
    %add3A_43 = arith.constant 320 : i32
    %add3A_44 = arith.addi %mul3A_2, %add3A_43 : i32
    "tpu.region"() ({
      %run_scoped3A = tpu.sem_alloc : memref<!tpu.dma_semaphore, #tpu.memory_space<semaphore_mem>>
      %dma_start3A = arith.constant 0 : i32
      %dma_start3A_143 = tpu.memref_slice %arg2[%add3A_44, %dma_start3A] : memref<32768x1024xf32, #tpu.memory_space<hbm>> -> memref<32x1024xf32, #tpu.memory_space<hbm>>
      %dma_start3A_144 = arith.constant 0 : i32
      %dma_start3A_145 = tpu.memref_slice %arg2[%add3A_44, %dma_start3A_144] : memref<32768x1024xf32, #tpu.memory_space<hbm>> -> memref<32x1024xf32, #tpu.memory_space<hbm>>
      tpu.enqueue_dma source(%dma_start3A_145 : memref<32x1024xf32, #tpu.memory_space<hbm>>) target(%arg5 : memref<32x1024xf32, #tpu.memory_space<vmem>>) target_semaphore(%run_scoped3A : memref<!tpu.dma_semaphore, #tpu.memory_space<semaphore_mem>>)
      %dma_wait3A = arith.constant 0 : i32
      %dma_wait3A_146 = tpu.memref_slice %arg2[%add3A_44, %dma_wait3A] : memref<32768x1024xf32, #tpu.memory_space<hbm>> -> memref<32x1024xf32, #tpu.memory_space<hbm>>
      %dma_wait3A_147 = arith.constant 0 : i32
      %dma_wait3A_148 = tpu.memref_slice %arg2[%add3A_44, %dma_wait3A_147] : memref<32768x1024xf32, #tpu.memory_space<hbm>> -> memref<32x1024xf32, #tpu.memory_space<hbm>>
      tpu.wait_dma2 semaphore(%run_scoped3A : memref<!tpu.dma_semaphore, #tpu.memory_space<semaphore_mem>>) src(%dma_wait3A_148 : memref<32x1024xf32, #tpu.memory_space<hbm>>) dst(%arg5 : memref<32x1024xf32, #tpu.memory_space<vmem>>)
      tpu.yield
    }) : () -> ()
    %add3A_45 = arith.constant 320 : i32
    %add3A_46 = arith.addi %mul3A_2, %add3A_45 : i32
    "tpu.region"() ({
      %run_scoped3A = tpu.sem_alloc : memref<!tpu.dma_semaphore, #tpu.memory_space<semaphore_mem>>
      %dma_start3A = arith.constant 0 : i32
      %dma_start3A_143 = tpu.memref_slice %arg4[%add3A_46, %dma_start3A] : memref<32768x1024xf32, #tpu.memory_space<hbm>> -> memref<32x1024xf32, #tpu.memory_space<hbm>>
      %dma_start3A_144 = arith.constant 0 : i32
      %dma_start3A_145 = tpu.memref_slice %arg4[%add3A_46, %dma_start3A_144] : memref<32768x1024xf32, #tpu.memory_space<hbm>> -> memref<32x1024xf32, #tpu.memory_space<hbm>>
      tpu.enqueue_dma source(%arg5 : memref<32x1024xf32, #tpu.memory_space<vmem>>) target(%dma_start3A_145 : memref<32x1024xf32, #tpu.memory_space<hbm>>) target_semaphore(%run_scoped3A : memref<!tpu.dma_semaphore, #tpu.memory_space<semaphore_mem>>)
      %dma_wait3A = arith.constant 0 : i32
      %dma_wait3A_146 = tpu.memref_slice %arg4[%add3A_46, %dma_wait3A] : memref<32768x1024xf32, #tpu.memory_space<hbm>> -> memref<32x1024xf32, #tpu.memory_space<hbm>>
      %dma_wait3A_147 = arith.constant 0 : i32
      %dma_wait3A_148 = tpu.memref_slice %arg4[%add3A_46, %dma_wait3A_147] : memref<32768x1024xf32, #tpu.memory_space<hbm>> -> memref<32x1024xf32, #tpu.memory_space<hbm>>
      tpu.wait_dma2 semaphore(%run_scoped3A : memref<!tpu.dma_semaphore, #tpu.memory_space<semaphore_mem>>) src(%arg5 : memref<32x1024xf32, #tpu.memory_space<vmem>>) dst(%dma_wait3A_148 : memref<32x1024xf32, #tpu.memory_space<hbm>>)
      tpu.yield
    }) : () -> ()
    %add3A_47 = arith.constant 352 : i32
    %add3A_48 = arith.addi %mul3A_2, %add3A_47 : i32
    "tpu.region"() ({
      %run_scoped3A = tpu.sem_alloc : memref<!tpu.dma_semaphore, #tpu.memory_space<semaphore_mem>>
      %dma_start3A = arith.constant 0 : i32
      %dma_start3A_143 = tpu.memref_slice %arg2[%add3A_48, %dma_start3A] : memref<32768x1024xf32, #tpu.memory_space<hbm>> -> memref<32x1024xf32, #tpu.memory_space<hbm>>
      %dma_start3A_144 = arith.constant 0 : i32
      %dma_start3A_145 = tpu.memref_slice %arg2[%add3A_48, %dma_start3A_144] : memref<32768x1024xf32, #tpu.memory_space<hbm>> -> memref<32x1024xf32, #tpu.memory_space<hbm>>
      tpu.enqueue_dma source(%dma_start3A_145 : memref<32x1024xf32, #tpu.memory_space<hbm>>) target(%arg5 : memref<32x1024xf32, #tpu.memory_space<vmem>>) target_semaphore(%run_scoped3A : memref<!tpu.dma_semaphore, #tpu.memory_space<semaphore_mem>>)
      %dma_wait3A = arith.constant 0 : i32
      %dma_wait3A_146 = tpu.memref_slice %arg2[%add3A_48, %dma_wait3A] : memref<32768x1024xf32, #tpu.memory_space<hbm>> -> memref<32x1024xf32, #tpu.memory_space<hbm>>
      %dma_wait3A_147 = arith.constant 0 : i32
      %dma_wait3A_148 = tpu.memref_slice %arg2[%add3A_48, %dma_wait3A_147] : memref<32768x1024xf32, #tpu.memory_space<hbm>> -> memref<32x1024xf32, #tpu.memory_space<hbm>>
      tpu.wait_dma2 semaphore(%run_scoped3A : memref<!tpu.dma_semaphore, #tpu.memory_space<semaphore_mem>>) src(%dma_wait3A_148 : memref<32x1024xf32, #tpu.memory_space<hbm>>) dst(%arg5 : memref<32x1024xf32, #tpu.memory_space<vmem>>)
      tpu.yield
    }) : () -> ()
    %add3A_49 = arith.constant 352 : i32
    %add3A_50 = arith.addi %mul3A_2, %add3A_49 : i32
    "tpu.region"() ({
      %run_scoped3A = tpu.sem_alloc : memref<!tpu.dma_semaphore, #tpu.memory_space<semaphore_mem>>
      %dma_start3A = arith.constant 0 : i32
      %dma_start3A_143 = tpu.memref_slice %arg4[%add3A_50, %dma_start3A] : memref<32768x1024xf32, #tpu.memory_space<hbm>> -> memref<32x1024xf32, #tpu.memory_space<hbm>>
      %dma_start3A_144 = arith.constant 0 : i32
      %dma_start3A_145 = tpu.memref_slice %arg4[%add3A_50, %dma_start3A_144] : memref<32768x1024xf32, #tpu.memory_space<hbm>> -> memref<32x1024xf32, #tpu.memory_space<hbm>>
      tpu.enqueue_dma source(%arg5 : memref<32x1024xf32, #tpu.memory_space<vmem>>) target(%dma_start3A_145 : memref<32x1024xf32, #tpu.memory_space<hbm>>) target_semaphore(%run_scoped3A : memref<!tpu.dma_semaphore, #tpu.memory_space<semaphore_mem>>)
      %dma_wait3A = arith.constant 0 : i32
      %dma_wait3A_146 = tpu.memref_slice %arg4[%add3A_50, %dma_wait3A] : memref<32768x1024xf32, #tpu.memory_space<hbm>> -> memref<32x1024xf32, #tpu.memory_space<hbm>>
      %dma_wait3A_147 = arith.constant 0 : i32
      %dma_wait3A_148 = tpu.memref_slice %arg4[%add3A_50, %dma_wait3A_147] : memref<32768x1024xf32, #tpu.memory_space<hbm>> -> memref<32x1024xf32, #tpu.memory_space<hbm>>
      tpu.wait_dma2 semaphore(%run_scoped3A : memref<!tpu.dma_semaphore, #tpu.memory_space<semaphore_mem>>) src(%arg5 : memref<32x1024xf32, #tpu.memory_space<vmem>>) dst(%dma_wait3A_148 : memref<32x1024xf32, #tpu.memory_space<hbm>>)
      tpu.yield
    }) : () -> ()
    %add3A_51 = arith.constant 384 : i32
    %add3A_52 = arith.addi %mul3A_2, %add3A_51 : i32
    "tpu.region"() ({
      %run_scoped3A = tpu.sem_alloc : memref<!tpu.dma_semaphore, #tpu.memory_space<semaphore_mem>>
      %dma_start3A = arith.constant 0 : i32
      %dma_start3A_143 = tpu.memref_slice %arg2[%add3A_52, %dma_start3A] : memref<32768x1024xf32, #tpu.memory_space<hbm>> -> memref<32x1024xf32, #tpu.memory_space<hbm>>
      %dma_start3A_144 = arith.constant 0 : i32
      %dma_start3A_145 = tpu.memref_slice %arg2[%add3A_52, %dma_start3A_144] : memref<32768x1024xf32, #tpu.memory_space<hbm>> -> memref<32x1024xf32, #tpu.memory_space<hbm>>
      tpu.enqueue_dma source(%dma_start3A_145 : memref<32x1024xf32, #tpu.memory_space<hbm>>) target(%arg5 : memref<32x1024xf32, #tpu.memory_space<vmem>>) target_semaphore(%run_scoped3A : memref<!tpu.dma_semaphore, #tpu.memory_space<semaphore_mem>>)
      %dma_wait3A = arith.constant 0 : i32
      %dma_wait3A_146 = tpu.memref_slice %arg2[%add3A_52, %dma_wait3A] : memref<32768x1024xf32, #tpu.memory_space<hbm>> -> memref<32x1024xf32, #tpu.memory_space<hbm>>
      %dma_wait3A_147 = arith.constant 0 : i32
      %dma_wait3A_148 = tpu.memref_slice %arg2[%add3A_52, %dma_wait3A_147] : memref<32768x1024xf32, #tpu.memory_space<hbm>> -> memref<32x1024xf32, #tpu.memory_space<hbm>>
      tpu.wait_dma2 semaphore(%run_scoped3A : memref<!tpu.dma_semaphore, #tpu.memory_space<semaphore_mem>>) src(%dma_wait3A_148 : memref<32x1024xf32, #tpu.memory_space<hbm>>) dst(%arg5 : memref<32x1024xf32, #tpu.memory_space<vmem>>)
      tpu.yield
    }) : () -> ()
    %add3A_53 = arith.constant 384 : i32
    %add3A_54 = arith.addi %mul3A_2, %add3A_53 : i32
    "tpu.region"() ({
      %run_scoped3A = tpu.sem_alloc : memref<!tpu.dma_semaphore, #tpu.memory_space<semaphore_mem>>
      %dma_start3A = arith.constant 0 : i32
      %dma_start3A_143 = tpu.memref_slice %arg4[%add3A_54, %dma_start3A] : memref<32768x1024xf32, #tpu.memory_space<hbm>> -> memref<32x1024xf32, #tpu.memory_space<hbm>>
      %dma_start3A_144 = arith.constant 0 : i32
      %dma_start3A_145 = tpu.memref_slice %arg4[%add3A_54, %dma_start3A_144] : memref<32768x1024xf32, #tpu.memory_space<hbm>> -> memref<32x1024xf32, #tpu.memory_space<hbm>>
      tpu.enqueue_dma source(%arg5 : memref<32x1024xf32, #tpu.memory_space<vmem>>) target(%dma_start3A_145 : memref<32x1024xf32, #tpu.memory_space<hbm>>) target_semaphore(%run_scoped3A : memref<!tpu.dma_semaphore, #tpu.memory_space<semaphore_mem>>)
      %dma_wait3A = arith.constant 0 : i32
      %dma_wait3A_146 = tpu.memref_slice %arg4[%add3A_54, %dma_wait3A] : memref<32768x1024xf32, #tpu.memory_space<hbm>> -> memref<32x1024xf32, #tpu.memory_space<hbm>>
      %dma_wait3A_147 = arith.constant 0 : i32
      %dma_wait3A_148 = tpu.memref_slice %arg4[%add3A_54, %dma_wait3A_147] : memref<32768x1024xf32, #tpu.memory_space<hbm>> -> memref<32x1024xf32, #tpu.memory_space<hbm>>
      tpu.wait_dma2 semaphore(%run_scoped3A : memref<!tpu.dma_semaphore, #tpu.memory_space<semaphore_mem>>) src(%arg5 : memref<32x1024xf32, #tpu.memory_space<vmem>>) dst(%dma_wait3A_148 : memref<32x1024xf32, #tpu.memory_space<hbm>>)
      tpu.yield
    }) : () -> ()
    %add3A_55 = arith.constant 416 : i32
    %add3A_56 = arith.addi %mul3A_2, %add3A_55 : i32
    "tpu.region"() ({
      %run_scoped3A = tpu.sem_alloc : memref<!tpu.dma_semaphore, #tpu.memory_space<semaphore_mem>>
      %dma_start3A = arith.constant 0 : i32
      %dma_start3A_143 = tpu.memref_slice %arg2[%add3A_56, %dma_start3A] : memref<32768x1024xf32, #tpu.memory_space<hbm>> -> memref<32x1024xf32, #tpu.memory_space<hbm>>
      %dma_start3A_144 = arith.constant 0 : i32
      %dma_start3A_145 = tpu.memref_slice %arg2[%add3A_56, %dma_start3A_144] : memref<32768x1024xf32, #tpu.memory_space<hbm>> -> memref<32x1024xf32, #tpu.memory_space<hbm>>
      tpu.enqueue_dma source(%dma_start3A_145 : memref<32x1024xf32, #tpu.memory_space<hbm>>) target(%arg5 : memref<32x1024xf32, #tpu.memory_space<vmem>>) target_semaphore(%run_scoped3A : memref<!tpu.dma_semaphore, #tpu.memory_space<semaphore_mem>>)
      %dma_wait3A = arith.constant 0 : i32
      %dma_wait3A_146 = tpu.memref_slice %arg2[%add3A_56, %dma_wait3A] : memref<32768x1024xf32, #tpu.memory_space<hbm>> -> memref<32x1024xf32, #tpu.memory_space<hbm>>
      %dma_wait3A_147 = arith.constant 0 : i32
      %dma_wait3A_148 = tpu.memref_slice %arg2[%add3A_56, %dma_wait3A_147] : memref<32768x1024xf32, #tpu.memory_space<hbm>> -> memref<32x1024xf32, #tpu.memory_space<hbm>>
      tpu.wait_dma2 semaphore(%run_scoped3A : memref<!tpu.dma_semaphore, #tpu.memory_space<semaphore_mem>>) src(%dma_wait3A_148 : memref<32x1024xf32, #tpu.memory_space<hbm>>) dst(%arg5 : memref<32x1024xf32, #tpu.memory_space<vmem>>)
      tpu.yield
    }) : () -> ()
    %add3A_57 = arith.constant 416 : i32
    %add3A_58 = arith.addi %mul3A_2, %add3A_57 : i32
    "tpu.region"() ({
      %run_scoped3A = tpu.sem_alloc : memref<!tpu.dma_semaphore, #tpu.memory_space<semaphore_mem>>
      %dma_start3A = arith.constant 0 : i32
      %dma_start3A_143 = tpu.memref_slice %arg4[%add3A_58, %dma_start3A] : memref<32768x1024xf32, #tpu.memory_space<hbm>> -> memref<32x1024xf32, #tpu.memory_space<hbm>>
      %dma_start3A_144 = arith.constant 0 : i32
      %dma_start3A_145 = tpu.memref_slice %arg4[%add3A_58, %dma_start3A_144] : memref<32768x1024xf32, #tpu.memory_space<hbm>> -> memref<32x1024xf32, #tpu.memory_space<hbm>>
      tpu.enqueue_dma source(%arg5 : memref<32x1024xf32, #tpu.memory_space<vmem>>) target(%dma_start3A_145 : memref<32x1024xf32, #tpu.memory_space<hbm>>) target_semaphore(%run_scoped3A : memref<!tpu.dma_semaphore, #tpu.memory_space<semaphore_mem>>)
      %dma_wait3A = arith.constant 0 : i32
      %dma_wait3A_146 = tpu.memref_slice %arg4[%add3A_58, %dma_wait3A] : memref<32768x1024xf32, #tpu.memory_space<hbm>> -> memref<32x1024xf32, #tpu.memory_space<hbm>>
      %dma_wait3A_147 = arith.constant 0 : i32
      %dma_wait3A_148 = tpu.memref_slice %arg4[%add3A_58, %dma_wait3A_147] : memref<32768x1024xf32, #tpu.memory_space<hbm>> -> memref<32x1024xf32, #tpu.memory_space<hbm>>
      tpu.wait_dma2 semaphore(%run_scoped3A : memref<!tpu.dma_semaphore, #tpu.memory_space<semaphore_mem>>) src(%arg5 : memref<32x1024xf32, #tpu.memory_space<vmem>>) dst(%dma_wait3A_148 : memref<32x1024xf32, #tpu.memory_space<hbm>>)
      tpu.yield
    }) : () -> ()
    %add3A_59 = arith.constant 448 : i32
    %add3A_60 = arith.addi %mul3A_2, %add3A_59 : i32
    "tpu.region"() ({
      %run_scoped3A = tpu.sem_alloc : memref<!tpu.dma_semaphore, #tpu.memory_space<semaphore_mem>>
      %dma_start3A = arith.constant 0 : i32
      %dma_start3A_143 = tpu.memref_slice %arg2[%add3A_60, %dma_start3A] : memref<32768x1024xf32, #tpu.memory_space<hbm>> -> memref<32x1024xf32, #tpu.memory_space<hbm>>
      %dma_start3A_144 = arith.constant 0 : i32
      %dma_start3A_145 = tpu.memref_slice %arg2[%add3A_60, %dma_start3A_144] : memref<32768x1024xf32, #tpu.memory_space<hbm>> -> memref<32x1024xf32, #tpu.memory_space<hbm>>
      tpu.enqueue_dma source(%dma_start3A_145 : memref<32x1024xf32, #tpu.memory_space<hbm>>) target(%arg5 : memref<32x1024xf32, #tpu.memory_space<vmem>>) target_semaphore(%run_scoped3A : memref<!tpu.dma_semaphore, #tpu.memory_space<semaphore_mem>>)
      %dma_wait3A = arith.constant 0 : i32
      %dma_wait3A_146 = tpu.memref_slice %arg2[%add3A_60, %dma_wait3A] : memref<32768x1024xf32, #tpu.memory_space<hbm>> -> memref<32x1024xf32, #tpu.memory_space<hbm>>
      %dma_wait3A_147 = arith.constant 0 : i32
      %dma_wait3A_148 = tpu.memref_slice %arg2[%add3A_60, %dma_wait3A_147] : memref<32768x1024xf32, #tpu.memory_space<hbm>> -> memref<32x1024xf32, #tpu.memory_space<hbm>>
      tpu.wait_dma2 semaphore(%run_scoped3A : memref<!tpu.dma_semaphore, #tpu.memory_space<semaphore_mem>>) src(%dma_wait3A_148 : memref<32x1024xf32, #tpu.memory_space<hbm>>) dst(%arg5 : memref<32x1024xf32, #tpu.memory_space<vmem>>)
      tpu.yield
    }) : () -> ()
    %add3A_61 = arith.constant 448 : i32
    %add3A_62 = arith.addi %mul3A_2, %add3A_61 : i32
    "tpu.region"() ({
      %run_scoped3A = tpu.sem_alloc : memref<!tpu.dma_semaphore, #tpu.memory_space<semaphore_mem>>
      %dma_start3A = arith.constant 0 : i32
      %dma_start3A_143 = tpu.memref_slice %arg4[%add3A_62, %dma_start3A] : memref<32768x1024xf32, #tpu.memory_space<hbm>> -> memref<32x1024xf32, #tpu.memory_space<hbm>>
      %dma_start3A_144 = arith.constant 0 : i32
      %dma_start3A_145 = tpu.memref_slice %arg4[%add3A_62, %dma_start3A_144] : memref<32768x1024xf32, #tpu.memory_space<hbm>> -> memref<32x1024xf32, #tpu.memory_space<hbm>>
      tpu.enqueue_dma source(%arg5 : memref<32x1024xf32, #tpu.memory_space<vmem>>) target(%dma_start3A_145 : memref<32x1024xf32, #tpu.memory_space<hbm>>) target_semaphore(%run_scoped3A : memref<!tpu.dma_semaphore, #tpu.memory_space<semaphore_mem>>)
      %dma_wait3A = arith.constant 0 : i32
      %dma_wait3A_146 = tpu.memref_slice %arg4[%add3A_62, %dma_wait3A] : memref<32768x1024xf32, #tpu.memory_space<hbm>> -> memref<32x1024xf32, #tpu.memory_space<hbm>>
      %dma_wait3A_147 = arith.constant 0 : i32
      %dma_wait3A_148 = tpu.memref_slice %arg4[%add3A_62, %dma_wait3A_147] : memref<32768x1024xf32, #tpu.memory_space<hbm>> -> memref<32x1024xf32, #tpu.memory_space<hbm>>
      tpu.wait_dma2 semaphore(%run_scoped3A : memref<!tpu.dma_semaphore, #tpu.memory_space<semaphore_mem>>) src(%arg5 : memref<32x1024xf32, #tpu.memory_space<vmem>>) dst(%dma_wait3A_148 : memref<32x1024xf32, #tpu.memory_space<hbm>>)
      tpu.yield
    }) : () -> ()
    %add3A_63 = arith.constant 480 : i32
    %add3A_64 = arith.addi %mul3A_2, %add3A_63 : i32
    "tpu.region"() ({
      %run_scoped3A = tpu.sem_alloc : memref<!tpu.dma_semaphore, #tpu.memory_space<semaphore_mem>>
      %dma_start3A = arith.constant 0 : i32
      %dma_start3A_143 = tpu.memref_slice %arg2[%add3A_64, %dma_start3A] : memref<32768x1024xf32, #tpu.memory_space<hbm>> -> memref<32x1024xf32, #tpu.memory_space<hbm>>
      %dma_start3A_144 = arith.constant 0 : i32
      %dma_start3A_145 = tpu.memref_slice %arg2[%add3A_64, %dma_start3A_144] : memref<32768x1024xf32, #tpu.memory_space<hbm>> -> memref<32x1024xf32, #tpu.memory_space<hbm>>
      tpu.enqueue_dma source(%dma_start3A_145 : memref<32x1024xf32, #tpu.memory_space<hbm>>) target(%arg5 : memref<32x1024xf32, #tpu.memory_space<vmem>>) target_semaphore(%run_scoped3A : memref<!tpu.dma_semaphore, #tpu.memory_space<semaphore_mem>>)
      %dma_wait3A = arith.constant 0 : i32
      %dma_wait3A_146 = tpu.memref_slice %arg2[%add3A_64, %dma_wait3A] : memref<32768x1024xf32, #tpu.memory_space<hbm>> -> memref<32x1024xf32, #tpu.memory_space<hbm>>
      %dma_wait3A_147 = arith.constant 0 : i32
      %dma_wait3A_148 = tpu.memref_slice %arg2[%add3A_64, %dma_wait3A_147] : memref<32768x1024xf32, #tpu.memory_space<hbm>> -> memref<32x1024xf32, #tpu.memory_space<hbm>>
      tpu.wait_dma2 semaphore(%run_scoped3A : memref<!tpu.dma_semaphore, #tpu.memory_space<semaphore_mem>>) src(%dma_wait3A_148 : memref<32x1024xf32, #tpu.memory_space<hbm>>) dst(%arg5 : memref<32x1024xf32, #tpu.memory_space<vmem>>)
      tpu.yield
    }) : () -> ()
    %add3A_65 = arith.constant 480 : i32
    %add3A_66 = arith.addi %mul3A_2, %add3A_65 : i32
    "tpu.region"() ({
      %run_scoped3A = tpu.sem_alloc : memref<!tpu.dma_semaphore, #tpu.memory_space<semaphore_mem>>
      %dma_start3A = arith.constant 0 : i32
      %dma_start3A_143 = tpu.memref_slice %arg4[%add3A_66, %dma_start3A] : memref<32768x1024xf32, #tpu.memory_space<hbm>> -> memref<32x1024xf32, #tpu.memory_space<hbm>>
      %dma_start3A_144 = arith.constant 0 : i32
      %dma_start3A_145 = tpu.memref_slice %arg4[%add3A_66, %dma_start3A_144] : memref<32768x1024xf32, #tpu.memory_space<hbm>> -> memref<32x1024xf32, #tpu.memory_space<hbm>>
      tpu.enqueue_dma source(%arg5 : memref<32x1024xf32, #tpu.memory_space<vmem>>) target(%dma_start3A_145 : memref<32x1024xf32, #tpu.memory_space<hbm>>) target_semaphore(%run_scoped3A : memref<!tpu.dma_semaphore, #tpu.memory_space<semaphore_mem>>)
      %dma_wait3A = arith.constant 0 : i32
      %dma_wait3A_146 = tpu.memref_slice %arg4[%add3A_66, %dma_wait3A] : memref<32768x1024xf32, #tpu.memory_space<hbm>> -> memref<32x1024xf32, #tpu.memory_space<hbm>>
      %dma_wait3A_147 = arith.constant 0 : i32
      %dma_wait3A_148 = tpu.memref_slice %arg4[%add3A_66, %dma_wait3A_147] : memref<32768x1024xf32, #tpu.memory_space<hbm>> -> memref<32x1024xf32, #tpu.memory_space<hbm>>
      tpu.wait_dma2 semaphore(%run_scoped3A : memref<!tpu.dma_semaphore, #tpu.memory_space<semaphore_mem>>) src(%arg5 : memref<32x1024xf32, #tpu.memory_space<vmem>>) dst(%dma_wait3A_148 : memref<32x1024xf32, #tpu.memory_space<hbm>>)
      tpu.yield
    }) : () -> ()
    %add3A_67 = arith.constant 512 : i32
    %add3A_68 = arith.addi %mul3A_2, %add3A_67 : i32
    "tpu.region"() ({
      %run_scoped3A = tpu.sem_alloc : memref<!tpu.dma_semaphore, #tpu.memory_space<semaphore_mem>>
      %dma_start3A = arith.constant 0 : i32
      %dma_start3A_143 = tpu.memref_slice %arg2[%add3A_68, %dma_start3A] : memref<32768x1024xf32, #tpu.memory_space<hbm>> -> memref<32x1024xf32, #tpu.memory_space<hbm>>
      %dma_start3A_144 = arith.constant 0 : i32
      %dma_start3A_145 = tpu.memref_slice %arg2[%add3A_68, %dma_start3A_144] : memref<32768x1024xf32, #tpu.memory_space<hbm>> -> memref<32x1024xf32, #tpu.memory_space<hbm>>
      tpu.enqueue_dma source(%dma_start3A_145 : memref<32x1024xf32, #tpu.memory_space<hbm>>) target(%arg5 : memref<32x1024xf32, #tpu.memory_space<vmem>>) target_semaphore(%run_scoped3A : memref<!tpu.dma_semaphore, #tpu.memory_space<semaphore_mem>>)
      %dma_wait3A = arith.constant 0 : i32
      %dma_wait3A_146 = tpu.memref_slice %arg2[%add3A_68, %dma_wait3A] : memref<32768x1024xf32, #tpu.memory_space<hbm>> -> memref<32x1024xf32, #tpu.memory_space<hbm>>
      %dma_wait3A_147 = arith.constant 0 : i32
      %dma_wait3A_148 = tpu.memref_slice %arg2[%add3A_68, %dma_wait3A_147] : memref<32768x1024xf32, #tpu.memory_space<hbm>> -> memref<32x1024xf32, #tpu.memory_space<hbm>>
      tpu.wait_dma2 semaphore(%run_scoped3A : memref<!tpu.dma_semaphore, #tpu.memory_space<semaphore_mem>>) src(%dma_wait3A_148 : memref<32x1024xf32, #tpu.memory_space<hbm>>) dst(%arg5 : memref<32x1024xf32, #tpu.memory_space<vmem>>)
      tpu.yield
    }) : () -> ()
    %add3A_69 = arith.constant 512 : i32
    %add3A_70 = arith.addi %mul3A_2, %add3A_69 : i32
    "tpu.region"() ({
      %run_scoped3A = tpu.sem_alloc : memref<!tpu.dma_semaphore, #tpu.memory_space<semaphore_mem>>
      %dma_start3A = arith.constant 0 : i32
      %dma_start3A_143 = tpu.memref_slice %arg4[%add3A_70, %dma_start3A] : memref<32768x1024xf32, #tpu.memory_space<hbm>> -> memref<32x1024xf32, #tpu.memory_space<hbm>>
      %dma_start3A_144 = arith.constant 0 : i32
      %dma_start3A_145 = tpu.memref_slice %arg4[%add3A_70, %dma_start3A_144] : memref<32768x1024xf32, #tpu.memory_space<hbm>> -> memref<32x1024xf32, #tpu.memory_space<hbm>>
      tpu.enqueue_dma source(%arg5 : memref<32x1024xf32, #tpu.memory_space<vmem>>) target(%dma_start3A_145 : memref<32x1024xf32, #tpu.memory_space<hbm>>) target_semaphore(%run_scoped3A : memref<!tpu.dma_semaphore, #tpu.memory_space<semaphore_mem>>)
      %dma_wait3A = arith.constant 0 : i32
      %dma_wait3A_146 = tpu.memref_slice %arg4[%add3A_70, %dma_wait3A] : memref<32768x1024xf32, #tpu.memory_space<hbm>> -> memref<32x1024xf32, #tpu.memory_space<hbm>>
      %dma_wait3A_147 = arith.constant 0 : i32
      %dma_wait3A_148 = tpu.memref_slice %arg4[%add3A_70, %dma_wait3A_147] : memref<32768x1024xf32, #tpu.memory_space<hbm>> -> memref<32x1024xf32, #tpu.memory_space<hbm>>
      tpu.wait_dma2 semaphore(%run_scoped3A : memref<!tpu.dma_semaphore, #tpu.memory_space<semaphore_mem>>) src(%arg5 : memref<32x1024xf32, #tpu.memory_space<vmem>>) dst(%dma_wait3A_148 : memref<32x1024xf32, #tpu.memory_space<hbm>>)
      tpu.yield
    }) : () -> ()
    %add3A_71 = arith.constant 544 : i32
    %add3A_72 = arith.addi %mul3A_2, %add3A_71 : i32
    "tpu.region"() ({
      %run_scoped3A = tpu.sem_alloc : memref<!tpu.dma_semaphore, #tpu.memory_space<semaphore_mem>>
      %dma_start3A = arith.constant 0 : i32
      %dma_start3A_143 = tpu.memref_slice %arg2[%add3A_72, %dma_start3A] : memref<32768x1024xf32, #tpu.memory_space<hbm>> -> memref<32x1024xf32, #tpu.memory_space<hbm>>
      %dma_start3A_144 = arith.constant 0 : i32
      %dma_start3A_145 = tpu.memref_slice %arg2[%add3A_72, %dma_start3A_144] : memref<32768x1024xf32, #tpu.memory_space<hbm>> -> memref<32x1024xf32, #tpu.memory_space<hbm>>
      tpu.enqueue_dma source(%dma_start3A_145 : memref<32x1024xf32, #tpu.memory_space<hbm>>) target(%arg5 : memref<32x1024xf32, #tpu.memory_space<vmem>>) target_semaphore(%run_scoped3A : memref<!tpu.dma_semaphore, #tpu.memory_space<semaphore_mem>>)
      %dma_wait3A = arith.constant 0 : i32
      %dma_wait3A_146 = tpu.memref_slice %arg2[%add3A_72, %dma_wait3A] : memref<32768x1024xf32, #tpu.memory_space<hbm>> -> memref<32x1024xf32, #tpu.memory_space<hbm>>
      %dma_wait3A_147 = arith.constant 0 : i32
      %dma_wait3A_148 = tpu.memref_slice %arg2[%add3A_72, %dma_wait3A_147] : memref<32768x1024xf32, #tpu.memory_space<hbm>> -> memref<32x1024xf32, #tpu.memory_space<hbm>>
      tpu.wait_dma2 semaphore(%run_scoped3A : memref<!tpu.dma_semaphore, #tpu.memory_space<semaphore_mem>>) src(%dma_wait3A_148 : memref<32x1024xf32, #tpu.memory_space<hbm>>) dst(%arg5 : memref<32x1024xf32, #tpu.memory_space<vmem>>)
      tpu.yield
    }) : () -> ()
    %add3A_73 = arith.constant 544 : i32
    %add3A_74 = arith.addi %mul3A_2, %add3A_73 : i32
    "tpu.region"() ({
      %run_scoped3A = tpu.sem_alloc : memref<!tpu.dma_semaphore, #tpu.memory_space<semaphore_mem>>
      %dma_start3A = arith.constant 0 : i32
      %dma_start3A_143 = tpu.memref_slice %arg4[%add3A_74, %dma_start3A] : memref<32768x1024xf32, #tpu.memory_space<hbm>> -> memref<32x1024xf32, #tpu.memory_space<hbm>>
      %dma_start3A_144 = arith.constant 0 : i32
      %dma_start3A_145 = tpu.memref_slice %arg4[%add3A_74, %dma_start3A_144] : memref<32768x1024xf32, #tpu.memory_space<hbm>> -> memref<32x1024xf32, #tpu.memory_space<hbm>>
      tpu.enqueue_dma source(%arg5 : memref<32x1024xf32, #tpu.memory_space<vmem>>) target(%dma_start3A_145 : memref<32x1024xf32, #tpu.memory_space<hbm>>) target_semaphore(%run_scoped3A : memref<!tpu.dma_semaphore, #tpu.memory_space<semaphore_mem>>)
      %dma_wait3A = arith.constant 0 : i32
      %dma_wait3A_146 = tpu.memref_slice %arg4[%add3A_74, %dma_wait3A] : memref<32768x1024xf32, #tpu.memory_space<hbm>> -> memref<32x1024xf32, #tpu.memory_space<hbm>>
      %dma_wait3A_147 = arith.constant 0 : i32
      %dma_wait3A_148 = tpu.memref_slice %arg4[%add3A_74, %dma_wait3A_147] : memref<32768x1024xf32, #tpu.memory_space<hbm>> -> memref<32x1024xf32, #tpu.memory_space<hbm>>
      tpu.wait_dma2 semaphore(%run_scoped3A : memref<!tpu.dma_semaphore, #tpu.memory_space<semaphore_mem>>) src(%arg5 : memref<32x1024xf32, #tpu.memory_space<vmem>>) dst(%dma_wait3A_148 : memref<32x1024xf32, #tpu.memory_space<hbm>>)
      tpu.yield
    }) : () -> ()
    %add3A_75 = arith.constant 576 : i32
    %add3A_76 = arith.addi %mul3A_2, %add3A_75 : i32
    "tpu.region"() ({
      %run_scoped3A = tpu.sem_alloc : memref<!tpu.dma_semaphore, #tpu.memory_space<semaphore_mem>>
      %dma_start3A = arith.constant 0 : i32
      %dma_start3A_143 = tpu.memref_slice %arg2[%add3A_76, %dma_start3A] : memref<32768x1024xf32, #tpu.memory_space<hbm>> -> memref<32x1024xf32, #tpu.memory_space<hbm>>
      %dma_start3A_144 = arith.constant 0 : i32
      %dma_start3A_145 = tpu.memref_slice %arg2[%add3A_76, %dma_start3A_144] : memref<32768x1024xf32, #tpu.memory_space<hbm>> -> memref<32x1024xf32, #tpu.memory_space<hbm>>
      tpu.enqueue_dma source(%dma_start3A_145 : memref<32x1024xf32, #tpu.memory_space<hbm>>) target(%arg5 : memref<32x1024xf32, #tpu.memory_space<vmem>>) target_semaphore(%run_scoped3A : memref<!tpu.dma_semaphore, #tpu.memory_space<semaphore_mem>>)
      %dma_wait3A = arith.constant 0 : i32
      %dma_wait3A_146 = tpu.memref_slice %arg2[%add3A_76, %dma_wait3A] : memref<32768x1024xf32, #tpu.memory_space<hbm>> -> memref<32x1024xf32, #tpu.memory_space<hbm>>
      %dma_wait3A_147 = arith.constant 0 : i32
      %dma_wait3A_148 = tpu.memref_slice %arg2[%add3A_76, %dma_wait3A_147] : memref<32768x1024xf32, #tpu.memory_space<hbm>> -> memref<32x1024xf32, #tpu.memory_space<hbm>>
      tpu.wait_dma2 semaphore(%run_scoped3A : memref<!tpu.dma_semaphore, #tpu.memory_space<semaphore_mem>>) src(%dma_wait3A_148 : memref<32x1024xf32, #tpu.memory_space<hbm>>) dst(%arg5 : memref<32x1024xf32, #tpu.memory_space<vmem>>)
      tpu.yield
    }) : () -> ()
    %add3A_77 = arith.constant 576 : i32
    %add3A_78 = arith.addi %mul3A_2, %add3A_77 : i32
    "tpu.region"() ({
      %run_scoped3A = tpu.sem_alloc : memref<!tpu.dma_semaphore, #tpu.memory_space<semaphore_mem>>
      %dma_start3A = arith.constant 0 : i32
      %dma_start3A_143 = tpu.memref_slice %arg4[%add3A_78, %dma_start3A] : memref<32768x1024xf32, #tpu.memory_space<hbm>> -> memref<32x1024xf32, #tpu.memory_space<hbm>>
      %dma_start3A_144 = arith.constant 0 : i32
      %dma_start3A_145 = tpu.memref_slice %arg4[%add3A_78, %dma_start3A_144] : memref<32768x1024xf32, #tpu.memory_space<hbm>> -> memref<32x1024xf32, #tpu.memory_space<hbm>>
      tpu.enqueue_dma source(%arg5 : memref<32x1024xf32, #tpu.memory_space<vmem>>) target(%dma_start3A_145 : memref<32x1024xf32, #tpu.memory_space<hbm>>) target_semaphore(%run_scoped3A : memref<!tpu.dma_semaphore, #tpu.memory_space<semaphore_mem>>)
      %dma_wait3A = arith.constant 0 : i32
      %dma_wait3A_146 = tpu.memref_slice %arg4[%add3A_78, %dma_wait3A] : memref<32768x1024xf32, #tpu.memory_space<hbm>> -> memref<32x1024xf32, #tpu.memory_space<hbm>>
      %dma_wait3A_147 = arith.constant 0 : i32
      %dma_wait3A_148 = tpu.memref_slice %arg4[%add3A_78, %dma_wait3A_147] : memref<32768x1024xf32, #tpu.memory_space<hbm>> -> memref<32x1024xf32, #tpu.memory_space<hbm>>
      tpu.wait_dma2 semaphore(%run_scoped3A : memref<!tpu.dma_semaphore, #tpu.memory_space<semaphore_mem>>) src(%arg5 : memref<32x1024xf32, #tpu.memory_space<vmem>>) dst(%dma_wait3A_148 : memref<32x1024xf32, #tpu.memory_space<hbm>>)
      tpu.yield
    }) : () -> ()
    %add3A_79 = arith.constant 608 : i32
    %add3A_80 = arith.addi %mul3A_2, %add3A_79 : i32
    "tpu.region"() ({
      %run_scoped3A = tpu.sem_alloc : memref<!tpu.dma_semaphore, #tpu.memory_space<semaphore_mem>>
      %dma_start3A = arith.constant 0 : i32
      %dma_start3A_143 = tpu.memref_slice %arg2[%add3A_80, %dma_start3A] : memref<32768x1024xf32, #tpu.memory_space<hbm>> -> memref<32x1024xf32, #tpu.memory_space<hbm>>
      %dma_start3A_144 = arith.constant 0 : i32
      %dma_start3A_145 = tpu.memref_slice %arg2[%add3A_80, %dma_start3A_144] : memref<32768x1024xf32, #tpu.memory_space<hbm>> -> memref<32x1024xf32, #tpu.memory_space<hbm>>
      tpu.enqueue_dma source(%dma_start3A_145 : memref<32x1024xf32, #tpu.memory_space<hbm>>) target(%arg5 : memref<32x1024xf32, #tpu.memory_space<vmem>>) target_semaphore(%run_scoped3A : memref<!tpu.dma_semaphore, #tpu.memory_space<semaphore_mem>>)
      %dma_wait3A = arith.constant 0 : i32
      %dma_wait3A_146 = tpu.memref_slice %arg2[%add3A_80, %dma_wait3A] : memref<32768x1024xf32, #tpu.memory_space<hbm>> -> memref<32x1024xf32, #tpu.memory_space<hbm>>
      %dma_wait3A_147 = arith.constant 0 : i32
      %dma_wait3A_148 = tpu.memref_slice %arg2[%add3A_80, %dma_wait3A_147] : memref<32768x1024xf32, #tpu.memory_space<hbm>> -> memref<32x1024xf32, #tpu.memory_space<hbm>>
      tpu.wait_dma2 semaphore(%run_scoped3A : memref<!tpu.dma_semaphore, #tpu.memory_space<semaphore_mem>>) src(%dma_wait3A_148 : memref<32x1024xf32, #tpu.memory_space<hbm>>) dst(%arg5 : memref<32x1024xf32, #tpu.memory_space<vmem>>)
      tpu.yield
    }) : () -> ()
    %add3A_81 = arith.constant 608 : i32
    %add3A_82 = arith.addi %mul3A_2, %add3A_81 : i32
    "tpu.region"() ({
      %run_scoped3A = tpu.sem_alloc : memref<!tpu.dma_semaphore, #tpu.memory_space<semaphore_mem>>
      %dma_start3A = arith.constant 0 : i32
      %dma_start3A_143 = tpu.memref_slice %arg4[%add3A_82, %dma_start3A] : memref<32768x1024xf32, #tpu.memory_space<hbm>> -> memref<32x1024xf32, #tpu.memory_space<hbm>>
      %dma_start3A_144 = arith.constant 0 : i32
      %dma_start3A_145 = tpu.memref_slice %arg4[%add3A_82, %dma_start3A_144] : memref<32768x1024xf32, #tpu.memory_space<hbm>> -> memref<32x1024xf32, #tpu.memory_space<hbm>>
      tpu.enqueue_dma source(%arg5 : memref<32x1024xf32, #tpu.memory_space<vmem>>) target(%dma_start3A_145 : memref<32x1024xf32, #tpu.memory_space<hbm>>) target_semaphore(%run_scoped3A : memref<!tpu.dma_semaphore, #tpu.memory_space<semaphore_mem>>)
      %dma_wait3A = arith.constant 0 : i32
      %dma_wait3A_146 = tpu.memref_slice %arg4[%add3A_82, %dma_wait3A] : memref<32768x1024xf32, #tpu.memory_space<hbm>> -> memref<32x1024xf32, #tpu.memory_space<hbm>>
      %dma_wait3A_147 = arith.constant 0 : i32
      %dma_wait3A_148 = tpu.memref_slice %arg4[%add3A_82, %dma_wait3A_147] : memref<32768x1024xf32, #tpu.memory_space<hbm>> -> memref<32x1024xf32, #tpu.memory_space<hbm>>
      tpu.wait_dma2 semaphore(%run_scoped3A : memref<!tpu.dma_semaphore, #tpu.memory_space<semaphore_mem>>) src(%arg5 : memref<32x1024xf32, #tpu.memory_space<vmem>>) dst(%dma_wait3A_148 : memref<32x1024xf32, #tpu.memory_space<hbm>>)
      tpu.yield
    }) : () -> ()
    %add3A_83 = arith.constant 640 : i32
    %add3A_84 = arith.addi %mul3A_2, %add3A_83 : i32
    "tpu.region"() ({
      %run_scoped3A = tpu.sem_alloc : memref<!tpu.dma_semaphore, #tpu.memory_space<semaphore_mem>>
      %dma_start3A = arith.constant 0 : i32
      %dma_start3A_143 = tpu.memref_slice %arg2[%add3A_84, %dma_start3A] : memref<32768x1024xf32, #tpu.memory_space<hbm>> -> memref<32x1024xf32, #tpu.memory_space<hbm>>
      %dma_start3A_144 = arith.constant 0 : i32
      %dma_start3A_145 = tpu.memref_slice %arg2[%add3A_84, %dma_start3A_144] : memref<32768x1024xf32, #tpu.memory_space<hbm>> -> memref<32x1024xf32, #tpu.memory_space<hbm>>
      tpu.enqueue_dma source(%dma_start3A_145 : memref<32x1024xf32, #tpu.memory_space<hbm>>) target(%arg5 : memref<32x1024xf32, #tpu.memory_space<vmem>>) target_semaphore(%run_scoped3A : memref<!tpu.dma_semaphore, #tpu.memory_space<semaphore_mem>>)
      %dma_wait3A = arith.constant 0 : i32
      %dma_wait3A_146 = tpu.memref_slice %arg2[%add3A_84, %dma_wait3A] : memref<32768x1024xf32, #tpu.memory_space<hbm>> -> memref<32x1024xf32, #tpu.memory_space<hbm>>
      %dma_wait3A_147 = arith.constant 0 : i32
      %dma_wait3A_148 = tpu.memref_slice %arg2[%add3A_84, %dma_wait3A_147] : memref<32768x1024xf32, #tpu.memory_space<hbm>> -> memref<32x1024xf32, #tpu.memory_space<hbm>>
      tpu.wait_dma2 semaphore(%run_scoped3A : memref<!tpu.dma_semaphore, #tpu.memory_space<semaphore_mem>>) src(%dma_wait3A_148 : memref<32x1024xf32, #tpu.memory_space<hbm>>) dst(%arg5 : memref<32x1024xf32, #tpu.memory_space<vmem>>)
      tpu.yield
    }) : () -> ()
    %add3A_85 = arith.constant 640 : i32
    %add3A_86 = arith.addi %mul3A_2, %add3A_85 : i32
    "tpu.region"() ({
      %run_scoped3A = tpu.sem_alloc : memref<!tpu.dma_semaphore, #tpu.memory_space<semaphore_mem>>
      %dma_start3A = arith.constant 0 : i32
      %dma_start3A_143 = tpu.memref_slice %arg4[%add3A_86, %dma_start3A] : memref<32768x1024xf32, #tpu.memory_space<hbm>> -> memref<32x1024xf32, #tpu.memory_space<hbm>>
      %dma_start3A_144 = arith.constant 0 : i32
      %dma_start3A_145 = tpu.memref_slice %arg4[%add3A_86, %dma_start3A_144] : memref<32768x1024xf32, #tpu.memory_space<hbm>> -> memref<32x1024xf32, #tpu.memory_space<hbm>>
      tpu.enqueue_dma source(%arg5 : memref<32x1024xf32, #tpu.memory_space<vmem>>) target(%dma_start3A_145 : memref<32x1024xf32, #tpu.memory_space<hbm>>) target_semaphore(%run_scoped3A : memref<!tpu.dma_semaphore, #tpu.memory_space<semaphore_mem>>)
      %dma_wait3A = arith.constant 0 : i32
      %dma_wait3A_146 = tpu.memref_slice %arg4[%add3A_86, %dma_wait3A] : memref<32768x1024xf32, #tpu.memory_space<hbm>> -> memref<32x1024xf32, #tpu.memory_space<hbm>>
      %dma_wait3A_147 = arith.constant 0 : i32
      %dma_wait3A_148 = tpu.memref_slice %arg4[%add3A_86, %dma_wait3A_147] : memref<32768x1024xf32, #tpu.memory_space<hbm>> -> memref<32x1024xf32, #tpu.memory_space<hbm>>
      tpu.wait_dma2 semaphore(%run_scoped3A : memref<!tpu.dma_semaphore, #tpu.memory_space<semaphore_mem>>) src(%arg5 : memref<32x1024xf32, #tpu.memory_space<vmem>>) dst(%dma_wait3A_148 : memref<32x1024xf32, #tpu.memory_space<hbm>>)
      tpu.yield
    }) : () -> ()
    %add3A_87 = arith.constant 672 : i32
    %add3A_88 = arith.addi %mul3A_2, %add3A_87 : i32
    "tpu.region"() ({
      %run_scoped3A = tpu.sem_alloc : memref<!tpu.dma_semaphore, #tpu.memory_space<semaphore_mem>>
      %dma_start3A = arith.constant 0 : i32
      %dma_start3A_143 = tpu.memref_slice %arg2[%add3A_88, %dma_start3A] : memref<32768x1024xf32, #tpu.memory_space<hbm>> -> memref<32x1024xf32, #tpu.memory_space<hbm>>
      %dma_start3A_144 = arith.constant 0 : i32
      %dma_start3A_145 = tpu.memref_slice %arg2[%add3A_88, %dma_start3A_144] : memref<32768x1024xf32, #tpu.memory_space<hbm>> -> memref<32x1024xf32, #tpu.memory_space<hbm>>
      tpu.enqueue_dma source(%dma_start3A_145 : memref<32x1024xf32, #tpu.memory_space<hbm>>) target(%arg5 : memref<32x1024xf32, #tpu.memory_space<vmem>>) target_semaphore(%run_scoped3A : memref<!tpu.dma_semaphore, #tpu.memory_space<semaphore_mem>>)
      %dma_wait3A = arith.constant 0 : i32
      %dma_wait3A_146 = tpu.memref_slice %arg2[%add3A_88, %dma_wait3A] : memref<32768x1024xf32, #tpu.memory_space<hbm>> -> memref<32x1024xf32, #tpu.memory_space<hbm>>
      %dma_wait3A_147 = arith.constant 0 : i32
      %dma_wait3A_148 = tpu.memref_slice %arg2[%add3A_88, %dma_wait3A_147] : memref<32768x1024xf32, #tpu.memory_space<hbm>> -> memref<32x1024xf32, #tpu.memory_space<hbm>>
      tpu.wait_dma2 semaphore(%run_scoped3A : memref<!tpu.dma_semaphore, #tpu.memory_space<semaphore_mem>>) src(%dma_wait3A_148 : memref<32x1024xf32, #tpu.memory_space<hbm>>) dst(%arg5 : memref<32x1024xf32, #tpu.memory_space<vmem>>)
      tpu.yield
    }) : () -> ()
    %add3A_89 = arith.constant 672 : i32
    %add3A_90 = arith.addi %mul3A_2, %add3A_89 : i32
    "tpu.region"() ({
      %run_scoped3A = tpu.sem_alloc : memref<!tpu.dma_semaphore, #tpu.memory_space<semaphore_mem>>
      %dma_start3A = arith.constant 0 : i32
      %dma_start3A_143 = tpu.memref_slice %arg4[%add3A_90, %dma_start3A] : memref<32768x1024xf32, #tpu.memory_space<hbm>> -> memref<32x1024xf32, #tpu.memory_space<hbm>>
      %dma_start3A_144 = arith.constant 0 : i32
      %dma_start3A_145 = tpu.memref_slice %arg4[%add3A_90, %dma_start3A_144] : memref<32768x1024xf32, #tpu.memory_space<hbm>> -> memref<32x1024xf32, #tpu.memory_space<hbm>>
      tpu.enqueue_dma source(%arg5 : memref<32x1024xf32, #tpu.memory_space<vmem>>) target(%dma_start3A_145 : memref<32x1024xf32, #tpu.memory_space<hbm>>) target_semaphore(%run_scoped3A : memref<!tpu.dma_semaphore, #tpu.memory_space<semaphore_mem>>)
      %dma_wait3A = arith.constant 0 : i32
      %dma_wait3A_146 = tpu.memref_slice %arg4[%add3A_90, %dma_wait3A] : memref<32768x1024xf32, #tpu.memory_space<hbm>> -> memref<32x1024xf32, #tpu.memory_space<hbm>>
      %dma_wait3A_147 = arith.constant 0 : i32
      %dma_wait3A_148 = tpu.memref_slice %arg4[%add3A_90, %dma_wait3A_147] : memref<32768x1024xf32, #tpu.memory_space<hbm>> -> memref<32x1024xf32, #tpu.memory_space<hbm>>
      tpu.wait_dma2 semaphore(%run_scoped3A : memref<!tpu.dma_semaphore, #tpu.memory_space<semaphore_mem>>) src(%arg5 : memref<32x1024xf32, #tpu.memory_space<vmem>>) dst(%dma_wait3A_148 : memref<32x1024xf32, #tpu.memory_space<hbm>>)
      tpu.yield
    }) : () -> ()
    %add3A_91 = arith.constant 704 : i32
    %add3A_92 = arith.addi %mul3A_2, %add3A_91 : i32
    "tpu.region"() ({
      %run_scoped3A = tpu.sem_alloc : memref<!tpu.dma_semaphore, #tpu.memory_space<semaphore_mem>>
      %dma_start3A = arith.constant 0 : i32
      %dma_start3A_143 = tpu.memref_slice %arg2[%add3A_92, %dma_start3A] : memref<32768x1024xf32, #tpu.memory_space<hbm>> -> memref<32x1024xf32, #tpu.memory_space<hbm>>
      %dma_start3A_144 = arith.constant 0 : i32
      %dma_start3A_145 = tpu.memref_slice %arg2[%add3A_92, %dma_start3A_144] : memref<32768x1024xf32, #tpu.memory_space<hbm>> -> memref<32x1024xf32, #tpu.memory_space<hbm>>
      tpu.enqueue_dma source(%dma_start3A_145 : memref<32x1024xf32, #tpu.memory_space<hbm>>) target(%arg5 : memref<32x1024xf32, #tpu.memory_space<vmem>>) target_semaphore(%run_scoped3A : memref<!tpu.dma_semaphore, #tpu.memory_space<semaphore_mem>>)
      %dma_wait3A = arith.constant 0 : i32
      %dma_wait3A_146 = tpu.memref_slice %arg2[%add3A_92, %dma_wait3A] : memref<32768x1024xf32, #tpu.memory_space<hbm>> -> memref<32x1024xf32, #tpu.memory_space<hbm>>
      %dma_wait3A_147 = arith.constant 0 : i32
      %dma_wait3A_148 = tpu.memref_slice %arg2[%add3A_92, %dma_wait3A_147] : memref<32768x1024xf32, #tpu.memory_space<hbm>> -> memref<32x1024xf32, #tpu.memory_space<hbm>>
      tpu.wait_dma2 semaphore(%run_scoped3A : memref<!tpu.dma_semaphore, #tpu.memory_space<semaphore_mem>>) src(%dma_wait3A_148 : memref<32x1024xf32, #tpu.memory_space<hbm>>) dst(%arg5 : memref<32x1024xf32, #tpu.memory_space<vmem>>)
      tpu.yield
    }) : () -> ()
    %add3A_93 = arith.constant 704 : i32
    %add3A_94 = arith.addi %mul3A_2, %add3A_93 : i32
    "tpu.region"() ({
      %run_scoped3A = tpu.sem_alloc : memref<!tpu.dma_semaphore, #tpu.memory_space<semaphore_mem>>
      %dma_start3A = arith.constant 0 : i32
      %dma_start3A_143 = tpu.memref_slice %arg4[%add3A_94, %dma_start3A] : memref<32768x1024xf32, #tpu.memory_space<hbm>> -> memref<32x1024xf32, #tpu.memory_space<hbm>>
      %dma_start3A_144 = arith.constant 0 : i32
      %dma_start3A_145 = tpu.memref_slice %arg4[%add3A_94, %dma_start3A_144] : memref<32768x1024xf32, #tpu.memory_space<hbm>> -> memref<32x1024xf32, #tpu.memory_space<hbm>>
      tpu.enqueue_dma source(%arg5 : memref<32x1024xf32, #tpu.memory_space<vmem>>) target(%dma_start3A_145 : memref<32x1024xf32, #tpu.memory_space<hbm>>) target_semaphore(%run_scoped3A : memref<!tpu.dma_semaphore, #tpu.memory_space<semaphore_mem>>)
      %dma_wait3A = arith.constant 0 : i32
      %dma_wait3A_146 = tpu.memref_slice %arg4[%add3A_94, %dma_wait3A] : memref<32768x1024xf32, #tpu.memory_space<hbm>> -> memref<32x1024xf32, #tpu.memory_space<hbm>>
      %dma_wait3A_147 = arith.constant 0 : i32
      %dma_wait3A_148 = tpu.memref_slice %arg4[%add3A_94, %dma_wait3A_147] : memref<32768x1024xf32, #tpu.memory_space<hbm>> -> memref<32x1024xf32, #tpu.memory_space<hbm>>
      tpu.wait_dma2 semaphore(%run_scoped3A : memref<!tpu.dma_semaphore, #tpu.memory_space<semaphore_mem>>) src(%arg5 : memref<32x1024xf32, #tpu.memory_space<vmem>>) dst(%dma_wait3A_148 : memref<32x1024xf32, #tpu.memory_space<hbm>>)
      tpu.yield
    }) : () -> ()
    %add3A_95 = arith.constant 736 : i32
    %add3A_96 = arith.addi %mul3A_2, %add3A_95 : i32
    "tpu.region"() ({
      %run_scoped3A = tpu.sem_alloc : memref<!tpu.dma_semaphore, #tpu.memory_space<semaphore_mem>>
      %dma_start3A = arith.constant 0 : i32
      %dma_start3A_143 = tpu.memref_slice %arg2[%add3A_96, %dma_start3A] : memref<32768x1024xf32, #tpu.memory_space<hbm>> -> memref<32x1024xf32, #tpu.memory_space<hbm>>
      %dma_start3A_144 = arith.constant 0 : i32
      %dma_start3A_145 = tpu.memref_slice %arg2[%add3A_96, %dma_start3A_144] : memref<32768x1024xf32, #tpu.memory_space<hbm>> -> memref<32x1024xf32, #tpu.memory_space<hbm>>
      tpu.enqueue_dma source(%dma_start3A_145 : memref<32x1024xf32, #tpu.memory_space<hbm>>) target(%arg5 : memref<32x1024xf32, #tpu.memory_space<vmem>>) target_semaphore(%run_scoped3A : memref<!tpu.dma_semaphore, #tpu.memory_space<semaphore_mem>>)
      %dma_wait3A = arith.constant 0 : i32
      %dma_wait3A_146 = tpu.memref_slice %arg2[%add3A_96, %dma_wait3A] : memref<32768x1024xf32, #tpu.memory_space<hbm>> -> memref<32x1024xf32, #tpu.memory_space<hbm>>
      %dma_wait3A_147 = arith.constant 0 : i32
      %dma_wait3A_148 = tpu.memref_slice %arg2[%add3A_96, %dma_wait3A_147] : memref<32768x1024xf32, #tpu.memory_space<hbm>> -> memref<32x1024xf32, #tpu.memory_space<hbm>>
      tpu.wait_dma2 semaphore(%run_scoped3A : memref<!tpu.dma_semaphore, #tpu.memory_space<semaphore_mem>>) src(%dma_wait3A_148 : memref<32x1024xf32, #tpu.memory_space<hbm>>) dst(%arg5 : memref<32x1024xf32, #tpu.memory_space<vmem>>)
      tpu.yield
    }) : () -> ()
    %add3A_97 = arith.constant 736 : i32
    %add3A_98 = arith.addi %mul3A_2, %add3A_97 : i32
    "tpu.region"() ({
      %run_scoped3A = tpu.sem_alloc : memref<!tpu.dma_semaphore, #tpu.memory_space<semaphore_mem>>
      %dma_start3A = arith.constant 0 : i32
      %dma_start3A_143 = tpu.memref_slice %arg4[%add3A_98, %dma_start3A] : memref<32768x1024xf32, #tpu.memory_space<hbm>> -> memref<32x1024xf32, #tpu.memory_space<hbm>>
      %dma_start3A_144 = arith.constant 0 : i32
      %dma_start3A_145 = tpu.memref_slice %arg4[%add3A_98, %dma_start3A_144] : memref<32768x1024xf32, #tpu.memory_space<hbm>> -> memref<32x1024xf32, #tpu.memory_space<hbm>>
      tpu.enqueue_dma source(%arg5 : memref<32x1024xf32, #tpu.memory_space<vmem>>) target(%dma_start3A_145 : memref<32x1024xf32, #tpu.memory_space<hbm>>) target_semaphore(%run_scoped3A : memref<!tpu.dma_semaphore, #tpu.memory_space<semaphore_mem>>)
      %dma_wait3A = arith.constant 0 : i32
      %dma_wait3A_146 = tpu.memref_slice %arg4[%add3A_98, %dma_wait3A] : memref<32768x1024xf32, #tpu.memory_space<hbm>> -> memref<32x1024xf32, #tpu.memory_space<hbm>>
      %dma_wait3A_147 = arith.constant 0 : i32
      %dma_wait3A_148 = tpu.memref_slice %arg4[%add3A_98, %dma_wait3A_147] : memref<32768x1024xf32, #tpu.memory_space<hbm>> -> memref<32x1024xf32, #tpu.memory_space<hbm>>
      tpu.wait_dma2 semaphore(%run_scoped3A : memref<!tpu.dma_semaphore, #tpu.memory_space<semaphore_mem>>) src(%arg5 : memref<32x1024xf32, #tpu.memory_space<vmem>>) dst(%dma_wait3A_148 : memref<32x1024xf32, #tpu.memory_space<hbm>>)
      tpu.yield
    }) : () -> ()
    %add3A_99 = arith.constant 768 : i32
    %add3A_100 = arith.addi %mul3A_2, %add3A_99 : i32
    "tpu.region"() ({
      %run_scoped3A = tpu.sem_alloc : memref<!tpu.dma_semaphore, #tpu.memory_space<semaphore_mem>>
      %dma_start3A = arith.constant 0 : i32
      %dma_start3A_143 = tpu.memref_slice %arg2[%add3A_100, %dma_start3A] : memref<32768x1024xf32, #tpu.memory_space<hbm>> -> memref<32x1024xf32, #tpu.memory_space<hbm>>
      %dma_start3A_144 = arith.constant 0 : i32
      %dma_start3A_145 = tpu.memref_slice %arg2[%add3A_100, %dma_start3A_144] : memref<32768x1024xf32, #tpu.memory_space<hbm>> -> memref<32x1024xf32, #tpu.memory_space<hbm>>
      tpu.enqueue_dma source(%dma_start3A_145 : memref<32x1024xf32, #tpu.memory_space<hbm>>) target(%arg5 : memref<32x1024xf32, #tpu.memory_space<vmem>>) target_semaphore(%run_scoped3A : memref<!tpu.dma_semaphore, #tpu.memory_space<semaphore_mem>>)
      %dma_wait3A = arith.constant 0 : i32
      %dma_wait3A_146 = tpu.memref_slice %arg2[%add3A_100, %dma_wait3A] : memref<32768x1024xf32, #tpu.memory_space<hbm>> -> memref<32x1024xf32, #tpu.memory_space<hbm>>
      %dma_wait3A_147 = arith.constant 0 : i32
      %dma_wait3A_148 = tpu.memref_slice %arg2[%add3A_100, %dma_wait3A_147] : memref<32768x1024xf32, #tpu.memory_space<hbm>> -> memref<32x1024xf32, #tpu.memory_space<hbm>>
      tpu.wait_dma2 semaphore(%run_scoped3A : memref<!tpu.dma_semaphore, #tpu.memory_space<semaphore_mem>>) src(%dma_wait3A_148 : memref<32x1024xf32, #tpu.memory_space<hbm>>) dst(%arg5 : memref<32x1024xf32, #tpu.memory_space<vmem>>)
      tpu.yield
    }) : () -> ()
    %add3A_101 = arith.constant 768 : i32
    %add3A_102 = arith.addi %mul3A_2, %add3A_101 : i32
    "tpu.region"() ({
      %run_scoped3A = tpu.sem_alloc : memref<!tpu.dma_semaphore, #tpu.memory_space<semaphore_mem>>
      %dma_start3A = arith.constant 0 : i32
      %dma_start3A_143 = tpu.memref_slice %arg4[%add3A_102, %dma_start3A] : memref<32768x1024xf32, #tpu.memory_space<hbm>> -> memref<32x1024xf32, #tpu.memory_space<hbm>>
      %dma_start3A_144 = arith.constant 0 : i32
      %dma_start3A_145 = tpu.memref_slice %arg4[%add3A_102, %dma_start3A_144] : memref<32768x1024xf32, #tpu.memory_space<hbm>> -> memref<32x1024xf32, #tpu.memory_space<hbm>>
      tpu.enqueue_dma source(%arg5 : memref<32x1024xf32, #tpu.memory_space<vmem>>) target(%dma_start3A_145 : memref<32x1024xf32, #tpu.memory_space<hbm>>) target_semaphore(%run_scoped3A : memref<!tpu.dma_semaphore, #tpu.memory_space<semaphore_mem>>)
      %dma_wait3A = arith.constant 0 : i32
      %dma_wait3A_146 = tpu.memref_slice %arg4[%add3A_102, %dma_wait3A] : memref<32768x1024xf32, #tpu.memory_space<hbm>> -> memref<32x1024xf32, #tpu.memory_space<hbm>>
      %dma_wait3A_147 = arith.constant 0 : i32
      %dma_wait3A_148 = tpu.memref_slice %arg4[%add3A_102, %dma_wait3A_147] : memref<32768x1024xf32, #tpu.memory_space<hbm>> -> memref<32x1024xf32, #tpu.memory_space<hbm>>
      tpu.wait_dma2 semaphore(%run_scoped3A : memref<!tpu.dma_semaphore, #tpu.memory_space<semaphore_mem>>) src(%arg5 : memref<32x1024xf32, #tpu.memory_space<vmem>>) dst(%dma_wait3A_148 : memref<32x1024xf32, #tpu.memory_space<hbm>>)
      tpu.yield
    }) : () -> ()
    %add3A_103 = arith.constant 800 : i32
    %add3A_104 = arith.addi %mul3A_2, %add3A_103 : i32
    "tpu.region"() ({
      %run_scoped3A = tpu.sem_alloc : memref<!tpu.dma_semaphore, #tpu.memory_space<semaphore_mem>>
      %dma_start3A = arith.constant 0 : i32
      %dma_start3A_143 = tpu.memref_slice %arg2[%add3A_104, %dma_start3A] : memref<32768x1024xf32, #tpu.memory_space<hbm>> -> memref<32x1024xf32, #tpu.memory_space<hbm>>
      %dma_start3A_144 = arith.constant 0 : i32
      %dma_start3A_145 = tpu.memref_slice %arg2[%add3A_104, %dma_start3A_144] : memref<32768x1024xf32, #tpu.memory_space<hbm>> -> memref<32x1024xf32, #tpu.memory_space<hbm>>
      tpu.enqueue_dma source(%dma_start3A_145 : memref<32x1024xf32, #tpu.memory_space<hbm>>) target(%arg5 : memref<32x1024xf32, #tpu.memory_space<vmem>>) target_semaphore(%run_scoped3A : memref<!tpu.dma_semaphore, #tpu.memory_space<semaphore_mem>>)
      %dma_wait3A = arith.constant 0 : i32
      %dma_wait3A_146 = tpu.memref_slice %arg2[%add3A_104, %dma_wait3A] : memref<32768x1024xf32, #tpu.memory_space<hbm>> -> memref<32x1024xf32, #tpu.memory_space<hbm>>
      %dma_wait3A_147 = arith.constant 0 : i32
      %dma_wait3A_148 = tpu.memref_slice %arg2[%add3A_104, %dma_wait3A_147] : memref<32768x1024xf32, #tpu.memory_space<hbm>> -> memref<32x1024xf32, #tpu.memory_space<hbm>>
      tpu.wait_dma2 semaphore(%run_scoped3A : memref<!tpu.dma_semaphore, #tpu.memory_space<semaphore_mem>>) src(%dma_wait3A_148 : memref<32x1024xf32, #tpu.memory_space<hbm>>) dst(%arg5 : memref<32x1024xf32, #tpu.memory_space<vmem>>)
      tpu.yield
    }) : () -> ()
    %add3A_105 = arith.constant 800 : i32
    %add3A_106 = arith.addi %mul3A_2, %add3A_105 : i32
    "tpu.region"() ({
      %run_scoped3A = tpu.sem_alloc : memref<!tpu.dma_semaphore, #tpu.memory_space<semaphore_mem>>
      %dma_start3A = arith.constant 0 : i32
      %dma_start3A_143 = tpu.memref_slice %arg4[%add3A_106, %dma_start3A] : memref<32768x1024xf32, #tpu.memory_space<hbm>> -> memref<32x1024xf32, #tpu.memory_space<hbm>>
      %dma_start3A_144 = arith.constant 0 : i32
      %dma_start3A_145 = tpu.memref_slice %arg4[%add3A_106, %dma_start3A_144] : memref<32768x1024xf32, #tpu.memory_space<hbm>> -> memref<32x1024xf32, #tpu.memory_space<hbm>>
      tpu.enqueue_dma source(%arg5 : memref<32x1024xf32, #tpu.memory_space<vmem>>) target(%dma_start3A_145 : memref<32x1024xf32, #tpu.memory_space<hbm>>) target_semaphore(%run_scoped3A : memref<!tpu.dma_semaphore, #tpu.memory_space<semaphore_mem>>)
      %dma_wait3A = arith.constant 0 : i32
      %dma_wait3A_146 = tpu.memref_slice %arg4[%add3A_106, %dma_wait3A] : memref<32768x1024xf32, #tpu.memory_space<hbm>> -> memref<32x1024xf32, #tpu.memory_space<hbm>>
      %dma_wait3A_147 = arith.constant 0 : i32
      %dma_wait3A_148 = tpu.memref_slice %arg4[%add3A_106, %dma_wait3A_147] : memref<32768x1024xf32, #tpu.memory_space<hbm>> -> memref<32x1024xf32, #tpu.memory_space<hbm>>
      tpu.wait_dma2 semaphore(%run_scoped3A : memref<!tpu.dma_semaphore, #tpu.memory_space<semaphore_mem>>) src(%arg5 : memref<32x1024xf32, #tpu.memory_space<vmem>>) dst(%dma_wait3A_148 : memref<32x1024xf32, #tpu.memory_space<hbm>>)
      tpu.yield
    }) : () -> ()
    %add3A_107 = arith.constant 832 : i32
    %add3A_108 = arith.addi %mul3A_2, %add3A_107 : i32
    "tpu.region"() ({
      %run_scoped3A = tpu.sem_alloc : memref<!tpu.dma_semaphore, #tpu.memory_space<semaphore_mem>>
      %dma_start3A = arith.constant 0 : i32
      %dma_start3A_143 = tpu.memref_slice %arg2[%add3A_108, %dma_start3A] : memref<32768x1024xf32, #tpu.memory_space<hbm>> -> memref<32x1024xf32, #tpu.memory_space<hbm>>
      %dma_start3A_144 = arith.constant 0 : i32
      %dma_start3A_145 = tpu.memref_slice %arg2[%add3A_108, %dma_start3A_144] : memref<32768x1024xf32, #tpu.memory_space<hbm>> -> memref<32x1024xf32, #tpu.memory_space<hbm>>
      tpu.enqueue_dma source(%dma_start3A_145 : memref<32x1024xf32, #tpu.memory_space<hbm>>) target(%arg5 : memref<32x1024xf32, #tpu.memory_space<vmem>>) target_semaphore(%run_scoped3A : memref<!tpu.dma_semaphore, #tpu.memory_space<semaphore_mem>>)
      %dma_wait3A = arith.constant 0 : i32
      %dma_wait3A_146 = tpu.memref_slice %arg2[%add3A_108, %dma_wait3A] : memref<32768x1024xf32, #tpu.memory_space<hbm>> -> memref<32x1024xf32, #tpu.memory_space<hbm>>
      %dma_wait3A_147 = arith.constant 0 : i32
      %dma_wait3A_148 = tpu.memref_slice %arg2[%add3A_108, %dma_wait3A_147] : memref<32768x1024xf32, #tpu.memory_space<hbm>> -> memref<32x1024xf32, #tpu.memory_space<hbm>>
      tpu.wait_dma2 semaphore(%run_scoped3A : memref<!tpu.dma_semaphore, #tpu.memory_space<semaphore_mem>>) src(%dma_wait3A_148 : memref<32x1024xf32, #tpu.memory_space<hbm>>) dst(%arg5 : memref<32x1024xf32, #tpu.memory_space<vmem>>)
      tpu.yield
    }) : () -> ()
    %add3A_109 = arith.constant 832 : i32
    %add3A_110 = arith.addi %mul3A_2, %add3A_109 : i32
    "tpu.region"() ({
      %run_scoped3A = tpu.sem_alloc : memref<!tpu.dma_semaphore, #tpu.memory_space<semaphore_mem>>
      %dma_start3A = arith.constant 0 : i32
      %dma_start3A_143 = tpu.memref_slice %arg4[%add3A_110, %dma_start3A] : memref<32768x1024xf32, #tpu.memory_space<hbm>> -> memref<32x1024xf32, #tpu.memory_space<hbm>>
      %dma_start3A_144 = arith.constant 0 : i32
      %dma_start3A_145 = tpu.memref_slice %arg4[%add3A_110, %dma_start3A_144] : memref<32768x1024xf32, #tpu.memory_space<hbm>> -> memref<32x1024xf32, #tpu.memory_space<hbm>>
      tpu.enqueue_dma source(%arg5 : memref<32x1024xf32, #tpu.memory_space<vmem>>) target(%dma_start3A_145 : memref<32x1024xf32, #tpu.memory_space<hbm>>) target_semaphore(%run_scoped3A : memref<!tpu.dma_semaphore, #tpu.memory_space<semaphore_mem>>)
      %dma_wait3A = arith.constant 0 : i32
      %dma_wait3A_146 = tpu.memref_slice %arg4[%add3A_110, %dma_wait3A] : memref<32768x1024xf32, #tpu.memory_space<hbm>> -> memref<32x1024xf32, #tpu.memory_space<hbm>>
      %dma_wait3A_147 = arith.constant 0 : i32
      %dma_wait3A_148 = tpu.memref_slice %arg4[%add3A_110, %dma_wait3A_147] : memref<32768x1024xf32, #tpu.memory_space<hbm>> -> memref<32x1024xf32, #tpu.memory_space<hbm>>
      tpu.wait_dma2 semaphore(%run_scoped3A : memref<!tpu.dma_semaphore, #tpu.memory_space<semaphore_mem>>) src(%arg5 : memref<32x1024xf32, #tpu.memory_space<vmem>>) dst(%dma_wait3A_148 : memref<32x1024xf32, #tpu.memory_space<hbm>>)
      tpu.yield
    }) : () -> ()
    %add3A_111 = arith.constant 864 : i32
    %add3A_112 = arith.addi %mul3A_2, %add3A_111 : i32
    "tpu.region"() ({
      %run_scoped3A = tpu.sem_alloc : memref<!tpu.dma_semaphore, #tpu.memory_space<semaphore_mem>>
      %dma_start3A = arith.constant 0 : i32
      %dma_start3A_143 = tpu.memref_slice %arg2[%add3A_112, %dma_start3A] : memref<32768x1024xf32, #tpu.memory_space<hbm>> -> memref<32x1024xf32, #tpu.memory_space<hbm>>
      %dma_start3A_144 = arith.constant 0 : i32
      %dma_start3A_145 = tpu.memref_slice %arg2[%add3A_112, %dma_start3A_144] : memref<32768x1024xf32, #tpu.memory_space<hbm>> -> memref<32x1024xf32, #tpu.memory_space<hbm>>
      tpu.enqueue_dma source(%dma_start3A_145 : memref<32x1024xf32, #tpu.memory_space<hbm>>) target(%arg5 : memref<32x1024xf32, #tpu.memory_space<vmem>>) target_semaphore(%run_scoped3A : memref<!tpu.dma_semaphore, #tpu.memory_space<semaphore_mem>>)
      %dma_wait3A = arith.constant 0 : i32
      %dma_wait3A_146 = tpu.memref_slice %arg2[%add3A_112, %dma_wait3A] : memref<32768x1024xf32, #tpu.memory_space<hbm>> -> memref<32x1024xf32, #tpu.memory_space<hbm>>
      %dma_wait3A_147 = arith.constant 0 : i32
      %dma_wait3A_148 = tpu.memref_slice %arg2[%add3A_112, %dma_wait3A_147] : memref<32768x1024xf32, #tpu.memory_space<hbm>> -> memref<32x1024xf32, #tpu.memory_space<hbm>>
      tpu.wait_dma2 semaphore(%run_scoped3A : memref<!tpu.dma_semaphore, #tpu.memory_space<semaphore_mem>>) src(%dma_wait3A_148 : memref<32x1024xf32, #tpu.memory_space<hbm>>) dst(%arg5 : memref<32x1024xf32, #tpu.memory_space<vmem>>)
      tpu.yield
    }) : () -> ()
    %add3A_113 = arith.constant 864 : i32
    %add3A_114 = arith.addi %mul3A_2, %add3A_113 : i32
    "tpu.region"() ({
      %run_scoped3A = tpu.sem_alloc : memref<!tpu.dma_semaphore, #tpu.memory_space<semaphore_mem>>
      %dma_start3A = arith.constant 0 : i32
      %dma_start3A_143 = tpu.memref_slice %arg4[%add3A_114, %dma_start3A] : memref<32768x1024xf32, #tpu.memory_space<hbm>> -> memref<32x1024xf32, #tpu.memory_space<hbm>>
      %dma_start3A_144 = arith.constant 0 : i32
      %dma_start3A_145 = tpu.memref_slice %arg4[%add3A_114, %dma_start3A_144] : memref<32768x1024xf32, #tpu.memory_space<hbm>> -> memref<32x1024xf32, #tpu.memory_space<hbm>>
      tpu.enqueue_dma source(%arg5 : memref<32x1024xf32, #tpu.memory_space<vmem>>) target(%dma_start3A_145 : memref<32x1024xf32, #tpu.memory_space<hbm>>) target_semaphore(%run_scoped3A : memref<!tpu.dma_semaphore, #tpu.memory_space<semaphore_mem>>)
      %dma_wait3A = arith.constant 0 : i32
      %dma_wait3A_146 = tpu.memref_slice %arg4[%add3A_114, %dma_wait3A] : memref<32768x1024xf32, #tpu.memory_space<hbm>> -> memref<32x1024xf32, #tpu.memory_space<hbm>>
      %dma_wait3A_147 = arith.constant 0 : i32
      %dma_wait3A_148 = tpu.memref_slice %arg4[%add3A_114, %dma_wait3A_147] : memref<32768x1024xf32, #tpu.memory_space<hbm>> -> memref<32x1024xf32, #tpu.memory_space<hbm>>
      tpu.wait_dma2 semaphore(%run_scoped3A : memref<!tpu.dma_semaphore, #tpu.memory_space<semaphore_mem>>) src(%arg5 : memref<32x1024xf32, #tpu.memory_space<vmem>>) dst(%dma_wait3A_148 : memref<32x1024xf32, #tpu.memory_space<hbm>>)
      tpu.yield
    }) : () -> ()
    %add3A_115 = arith.constant 896 : i32
    %add3A_116 = arith.addi %mul3A_2, %add3A_115 : i32
    "tpu.region"() ({
      %run_scoped3A = tpu.sem_alloc : memref<!tpu.dma_semaphore, #tpu.memory_space<semaphore_mem>>
      %dma_start3A = arith.constant 0 : i32
      %dma_start3A_143 = tpu.memref_slice %arg2[%add3A_116, %dma_start3A] : memref<32768x1024xf32, #tpu.memory_space<hbm>> -> memref<32x1024xf32, #tpu.memory_space<hbm>>
      %dma_start3A_144 = arith.constant 0 : i32
      %dma_start3A_145 = tpu.memref_slice %arg2[%add3A_116, %dma_start3A_144] : memref<32768x1024xf32, #tpu.memory_space<hbm>> -> memref<32x1024xf32, #tpu.memory_space<hbm>>
      tpu.enqueue_dma source(%dma_start3A_145 : memref<32x1024xf32, #tpu.memory_space<hbm>>) target(%arg5 : memref<32x1024xf32, #tpu.memory_space<vmem>>) target_semaphore(%run_scoped3A : memref<!tpu.dma_semaphore, #tpu.memory_space<semaphore_mem>>)
      %dma_wait3A = arith.constant 0 : i32
      %dma_wait3A_146 = tpu.memref_slice %arg2[%add3A_116, %dma_wait3A] : memref<32768x1024xf32, #tpu.memory_space<hbm>> -> memref<32x1024xf32, #tpu.memory_space<hbm>>
      %dma_wait3A_147 = arith.constant 0 : i32
      %dma_wait3A_148 = tpu.memref_slice %arg2[%add3A_116, %dma_wait3A_147] : memref<32768x1024xf32, #tpu.memory_space<hbm>> -> memref<32x1024xf32, #tpu.memory_space<hbm>>
      tpu.wait_dma2 semaphore(%run_scoped3A : memref<!tpu.dma_semaphore, #tpu.memory_space<semaphore_mem>>) src(%dma_wait3A_148 : memref<32x1024xf32, #tpu.memory_space<hbm>>) dst(%arg5 : memref<32x1024xf32, #tpu.memory_space<vmem>>)
      tpu.yield
    }) : () -> ()
    %add3A_117 = arith.constant 896 : i32
    %add3A_118 = arith.addi %mul3A_2, %add3A_117 : i32
    "tpu.region"() ({
      %run_scoped3A = tpu.sem_alloc : memref<!tpu.dma_semaphore, #tpu.memory_space<semaphore_mem>>
      %dma_start3A = arith.constant 0 : i32
      %dma_start3A_143 = tpu.memref_slice %arg4[%add3A_118, %dma_start3A] : memref<32768x1024xf32, #tpu.memory_space<hbm>> -> memref<32x1024xf32, #tpu.memory_space<hbm>>
      %dma_start3A_144 = arith.constant 0 : i32
      %dma_start3A_145 = tpu.memref_slice %arg4[%add3A_118, %dma_start3A_144] : memref<32768x1024xf32, #tpu.memory_space<hbm>> -> memref<32x1024xf32, #tpu.memory_space<hbm>>
      tpu.enqueue_dma source(%arg5 : memref<32x1024xf32, #tpu.memory_space<vmem>>) target(%dma_start3A_145 : memref<32x1024xf32, #tpu.memory_space<hbm>>) target_semaphore(%run_scoped3A : memref<!tpu.dma_semaphore, #tpu.memory_space<semaphore_mem>>)
      %dma_wait3A = arith.constant 0 : i32
      %dma_wait3A_146 = tpu.memref_slice %arg4[%add3A_118, %dma_wait3A] : memref<32768x1024xf32, #tpu.memory_space<hbm>> -> memref<32x1024xf32, #tpu.memory_space<hbm>>
      %dma_wait3A_147 = arith.constant 0 : i32
      %dma_wait3A_148 = tpu.memref_slice %arg4[%add3A_118, %dma_wait3A_147] : memref<32768x1024xf32, #tpu.memory_space<hbm>> -> memref<32x1024xf32, #tpu.memory_space<hbm>>
      tpu.wait_dma2 semaphore(%run_scoped3A : memref<!tpu.dma_semaphore, #tpu.memory_space<semaphore_mem>>) src(%arg5 : memref<32x1024xf32, #tpu.memory_space<vmem>>) dst(%dma_wait3A_148 : memref<32x1024xf32, #tpu.memory_space<hbm>>)
      tpu.yield
    }) : () -> ()
    %add3A_119 = arith.constant 928 : i32
    %add3A_120 = arith.addi %mul3A_2, %add3A_119 : i32
    "tpu.region"() ({
      %run_scoped3A = tpu.sem_alloc : memref<!tpu.dma_semaphore, #tpu.memory_space<semaphore_mem>>
      %dma_start3A = arith.constant 0 : i32
      %dma_start3A_143 = tpu.memref_slice %arg2[%add3A_120, %dma_start3A] : memref<32768x1024xf32, #tpu.memory_space<hbm>> -> memref<32x1024xf32, #tpu.memory_space<hbm>>
      %dma_start3A_144 = arith.constant 0 : i32
      %dma_start3A_145 = tpu.memref_slice %arg2[%add3A_120, %dma_start3A_144] : memref<32768x1024xf32, #tpu.memory_space<hbm>> -> memref<32x1024xf32, #tpu.memory_space<hbm>>
      tpu.enqueue_dma source(%dma_start3A_145 : memref<32x1024xf32, #tpu.memory_space<hbm>>) target(%arg5 : memref<32x1024xf32, #tpu.memory_space<vmem>>) target_semaphore(%run_scoped3A : memref<!tpu.dma_semaphore, #tpu.memory_space<semaphore_mem>>)
      %dma_wait3A = arith.constant 0 : i32
      %dma_wait3A_146 = tpu.memref_slice %arg2[%add3A_120, %dma_wait3A] : memref<32768x1024xf32, #tpu.memory_space<hbm>> -> memref<32x1024xf32, #tpu.memory_space<hbm>>
      %dma_wait3A_147 = arith.constant 0 : i32
      %dma_wait3A_148 = tpu.memref_slice %arg2[%add3A_120, %dma_wait3A_147] : memref<32768x1024xf32, #tpu.memory_space<hbm>> -> memref<32x1024xf32, #tpu.memory_space<hbm>>
      tpu.wait_dma2 semaphore(%run_scoped3A : memref<!tpu.dma_semaphore, #tpu.memory_space<semaphore_mem>>) src(%dma_wait3A_148 : memref<32x1024xf32, #tpu.memory_space<hbm>>) dst(%arg5 : memref<32x1024xf32, #tpu.memory_space<vmem>>)
      tpu.yield
    }) : () -> ()
    %add3A_121 = arith.constant 928 : i32
    %add3A_122 = arith.addi %mul3A_2, %add3A_121 : i32
    "tpu.region"() ({
      %run_scoped3A = tpu.sem_alloc : memref<!tpu.dma_semaphore, #tpu.memory_space<semaphore_mem>>
      %dma_start3A = arith.constant 0 : i32
      %dma_start3A_143 = tpu.memref_slice %arg4[%add3A_122, %dma_start3A] : memref<32768x1024xf32, #tpu.memory_space<hbm>> -> memref<32x1024xf32, #tpu.memory_space<hbm>>
      %dma_start3A_144 = arith.constant 0 : i32
      %dma_start3A_145 = tpu.memref_slice %arg4[%add3A_122, %dma_start3A_144] : memref<32768x1024xf32, #tpu.memory_space<hbm>> -> memref<32x1024xf32, #tpu.memory_space<hbm>>
      tpu.enqueue_dma source(%arg5 : memref<32x1024xf32, #tpu.memory_space<vmem>>) target(%dma_start3A_145 : memref<32x1024xf32, #tpu.memory_space<hbm>>) target_semaphore(%run_scoped3A : memref<!tpu.dma_semaphore, #tpu.memory_space<semaphore_mem>>)
      %dma_wait3A = arith.constant 0 : i32
      %dma_wait3A_146 = tpu.memref_slice %arg4[%add3A_122, %dma_wait3A] : memref<32768x1024xf32, #tpu.memory_space<hbm>> -> memref<32x1024xf32, #tpu.memory_space<hbm>>
      %dma_wait3A_147 = arith.constant 0 : i32
      %dma_wait3A_148 = tpu.memref_slice %arg4[%add3A_122, %dma_wait3A_147] : memref<32768x1024xf32, #tpu.memory_space<hbm>> -> memref<32x1024xf32, #tpu.memory_space<hbm>>
      tpu.wait_dma2 semaphore(%run_scoped3A : memref<!tpu.dma_semaphore, #tpu.memory_space<semaphore_mem>>) src(%arg5 : memref<32x1024xf32, #tpu.memory_space<vmem>>) dst(%dma_wait3A_148 : memref<32x1024xf32, #tpu.memory_space<hbm>>)
      tpu.yield
    }) : () -> ()
    %add3A_123 = arith.constant 960 : i32
    %add3A_124 = arith.addi %mul3A_2, %add3A_123 : i32
    "tpu.region"() ({
      %run_scoped3A = tpu.sem_alloc : memref<!tpu.dma_semaphore, #tpu.memory_space<semaphore_mem>>
      %dma_start3A = arith.constant 0 : i32
      %dma_start3A_143 = tpu.memref_slice %arg2[%add3A_124, %dma_start3A] : memref<32768x1024xf32, #tpu.memory_space<hbm>> -> memref<32x1024xf32, #tpu.memory_space<hbm>>
      %dma_start3A_144 = arith.constant 0 : i32
      %dma_start3A_145 = tpu.memref_slice %arg2[%add3A_124, %dma_start3A_144] : memref<32768x1024xf32, #tpu.memory_space<hbm>> -> memref<32x1024xf32, #tpu.memory_space<hbm>>
      tpu.enqueue_dma source(%dma_start3A_145 : memref<32x1024xf32, #tpu.memory_space<hbm>>) target(%arg5 : memref<32x1024xf32, #tpu.memory_space<vmem>>) target_semaphore(%run_scoped3A : memref<!tpu.dma_semaphore, #tpu.memory_space<semaphore_mem>>)
      %dma_wait3A = arith.constant 0 : i32
      %dma_wait3A_146 = tpu.memref_slice %arg2[%add3A_124, %dma_wait3A] : memref<32768x1024xf32, #tpu.memory_space<hbm>> -> memref<32x1024xf32, #tpu.memory_space<hbm>>
      %dma_wait3A_147 = arith.constant 0 : i32
      %dma_wait3A_148 = tpu.memref_slice %arg2[%add3A_124, %dma_wait3A_147] : memref<32768x1024xf32, #tpu.memory_space<hbm>> -> memref<32x1024xf32, #tpu.memory_space<hbm>>
      tpu.wait_dma2 semaphore(%run_scoped3A : memref<!tpu.dma_semaphore, #tpu.memory_space<semaphore_mem>>) src(%dma_wait3A_148 : memref<32x1024xf32, #tpu.memory_space<hbm>>) dst(%arg5 : memref<32x1024xf32, #tpu.memory_space<vmem>>)
      tpu.yield
    }) : () -> ()
    %add3A_125 = arith.constant 960 : i32
    %add3A_126 = arith.addi %mul3A_2, %add3A_125 : i32
    "tpu.region"() ({
      %run_scoped3A = tpu.sem_alloc : memref<!tpu.dma_semaphore, #tpu.memory_space<semaphore_mem>>
      %dma_start3A = arith.constant 0 : i32
      %dma_start3A_143 = tpu.memref_slice %arg4[%add3A_126, %dma_start3A] : memref<32768x1024xf32, #tpu.memory_space<hbm>> -> memref<32x1024xf32, #tpu.memory_space<hbm>>
      %dma_start3A_144 = arith.constant 0 : i32
      %dma_start3A_145 = tpu.memref_slice %arg4[%add3A_126, %dma_start3A_144] : memref<32768x1024xf32, #tpu.memory_space<hbm>> -> memref<32x1024xf32, #tpu.memory_space<hbm>>
      tpu.enqueue_dma source(%arg5 : memref<32x1024xf32, #tpu.memory_space<vmem>>) target(%dma_start3A_145 : memref<32x1024xf32, #tpu.memory_space<hbm>>) target_semaphore(%run_scoped3A : memref<!tpu.dma_semaphore, #tpu.memory_space<semaphore_mem>>)
      %dma_wait3A = arith.constant 0 : i32
      %dma_wait3A_146 = tpu.memref_slice %arg4[%add3A_126, %dma_wait3A] : memref<32768x1024xf32, #tpu.memory_space<hbm>> -> memref<32x1024xf32, #tpu.memory_space<hbm>>
      %dma_wait3A_147 = arith.constant 0 : i32
      %dma_wait3A_148 = tpu.memref_slice %arg4[%add3A_126, %dma_wait3A_147] : memref<32768x1024xf32, #tpu.memory_space<hbm>> -> memref<32x1024xf32, #tpu.memory_space<hbm>>
      tpu.wait_dma2 semaphore(%run_scoped3A : memref<!tpu.dma_semaphore, #tpu.memory_space<semaphore_mem>>) src(%arg5 : memref<32x1024xf32, #tpu.memory_space<vmem>>) dst(%dma_wait3A_148 : memref<32x1024xf32, #tpu.memory_space<hbm>>)
      tpu.yield
    }) : () -> ()
    %add3A_127 = arith.constant 992 : i32
    %add3A_128 = arith.addi %mul3A_2, %add3A_127 : i32
    "tpu.region"() ({
      %run_scoped3A = tpu.sem_alloc : memref<!tpu.dma_semaphore, #tpu.memory_space<semaphore_mem>>
      %dma_start3A = arith.constant 0 : i32
      %dma_start3A_143 = tpu.memref_slice %arg2[%add3A_128, %dma_start3A] : memref<32768x1024xf32, #tpu.memory_space<hbm>> -> memref<32x1024xf32, #tpu.memory_space<hbm>>
      %dma_start3A_144 = arith.constant 0 : i32
      %dma_start3A_145 = tpu.memref_slice %arg2[%add3A_128, %dma_start3A_144] : memref<32768x1024xf32, #tpu.memory_space<hbm>> -> memref<32x1024xf32, #tpu.memory_space<hbm>>
      tpu.enqueue_dma source(%dma_start3A_145 : memref<32x1024xf32, #tpu.memory_space<hbm>>) target(%arg5 : memref<32x1024xf32, #tpu.memory_space<vmem>>) target_semaphore(%run_scoped3A : memref<!tpu.dma_semaphore, #tpu.memory_space<semaphore_mem>>)
      %dma_wait3A = arith.constant 0 : i32
      %dma_wait3A_146 = tpu.memref_slice %arg2[%add3A_128, %dma_wait3A] : memref<32768x1024xf32, #tpu.memory_space<hbm>> -> memref<32x1024xf32, #tpu.memory_space<hbm>>
      %dma_wait3A_147 = arith.constant 0 : i32
      %dma_wait3A_148 = tpu.memref_slice %arg2[%add3A_128, %dma_wait3A_147] : memref<32768x1024xf32, #tpu.memory_space<hbm>> -> memref<32x1024xf32, #tpu.memory_space<hbm>>
      tpu.wait_dma2 semaphore(%run_scoped3A : memref<!tpu.dma_semaphore, #tpu.memory_space<semaphore_mem>>) src(%dma_wait3A_148 : memref<32x1024xf32, #tpu.memory_space<hbm>>) dst(%arg5 : memref<32x1024xf32, #tpu.memory_space<vmem>>)
      tpu.yield
    }) : () -> ()
    %add3A_129 = arith.constant 992 : i32
    %add3A_130 = arith.addi %mul3A_2, %add3A_129 : i32
    "tpu.region"() ({
      %run_scoped3A = tpu.sem_alloc : memref<!tpu.dma_semaphore, #tpu.memory_space<semaphore_mem>>
      %dma_start3A = arith.constant 0 : i32
      %dma_start3A_143 = tpu.memref_slice %arg4[%add3A_130, %dma_start3A] : memref<32768x1024xf32, #tpu.memory_space<hbm>> -> memref<32x1024xf32, #tpu.memory_space<hbm>>
      %dma_start3A_144 = arith.constant 0 : i32
      %dma_start3A_145 = tpu.memref_slice %arg4[%add3A_130, %dma_start3A_144] : memref<32768x1024xf32, #tpu.memory_space<hbm>> -> memref<32x1024xf32, #tpu.memory_space<hbm>>
      tpu.enqueue_dma source(%arg5 : memref<32x1024xf32, #tpu.memory_space<vmem>>) target(%dma_start3A_145 : memref<32x1024xf32, #tpu.memory_space<hbm>>) target_semaphore(%run_scoped3A : memref<!tpu.dma_semaphore, #tpu.memory_space<semaphore_mem>>)
      %dma_wait3A = arith.constant 0 : i32
      %dma_wait3A_146 = tpu.memref_slice %arg4[%add3A_130, %dma_wait3A] : memref<32768x1024xf32, #tpu.memory_space<hbm>> -> memref<32x1024xf32, #tpu.memory_space<hbm>>
      %dma_wait3A_147 = arith.constant 0 : i32
      %dma_wait3A_148 = tpu.memref_slice %arg4[%add3A_130, %dma_wait3A_147] : memref<32768x1024xf32, #tpu.memory_space<hbm>> -> memref<32x1024xf32, #tpu.memory_space<hbm>>
      tpu.wait_dma2 semaphore(%run_scoped3A : memref<!tpu.dma_semaphore, #tpu.memory_space<semaphore_mem>>) src(%arg5 : memref<32x1024xf32, #tpu.memory_space<vmem>>) dst(%dma_wait3A_148 : memref<32x1024xf32, #tpu.memory_space<hbm>>)
      tpu.yield
    }) : () -> ()
    %jit3A = arith.constant 8 : i32
    %eq3A = arith.constant 0 : i32
    %eq3A_131 = arith.cmpi eq, %jit3A, %eq3A : i32
    %jit3A_132 = arith.constant 1 : i32
    %select_n3A = arith.select %eq3A_131, %jit3A_132, %jit3A : i32
    %rem3A = arith.remsi %add3A, %select_n3A : i32
    %ne3A = arith.constant 0 : i32
    %ne3A_133 = arith.cmpi ne, %rem3A, %ne3A : i32
    %lt3A = arith.constant 0 : i32
    %lt3A_134 = arith.cmpi slt, %rem3A, %lt3A : i32
    %lt3A_135 = arith.constant 0 : i32
    %lt3A_136 = arith.cmpi slt, %select_n3A, %lt3A_135 : i32
    %ne3A_137 = arith.xori %lt3A_134, %lt3A_136 : i1
    %and3A = arith.andi %ne3A_137, %ne3A_133 : i1
    %add3A_138 = arith.addi %rem3A, %select_n3A : i32
    %select_n3A_139 = arith.select %and3A, %add3A_138, %rem3A : i32
    %eq3A_140 = arith.constant 0 : i32
    %eq3A_141 = arith.cmpi eq, %select_n3A_139, %eq3A_140 : i32
    %convert_element_type3A = arith.extui %eq3A_141 : i1 to i32
    %cond3A = arith.constant 0 : i32
    %cond3A_142 = arith.cmpi ne, %convert_element_type3A, %cond3A : i32
    scf.if %cond3A_142 {
      %jit3A_143 = arith.constant 8 : i32
      %div3A = arith.divsi %add3A, %jit3A_143 : i32
      %sign3A = arith.constant 0 : i32
      %sign3A_144 = arith.cmpi sgt, %add3A, %sign3A : i32
      %sign3A_145 = arith.extui %sign3A_144 : i1 to i32
      %sign3A_146 = arith.constant 0 : i32
      %sign3A_147 = arith.cmpi slt, %add3A, %sign3A_146 : i32
      %sign3A_148 = arith.extui %sign3A_147 : i1 to i32
      %sign3A_149 = arith.subi %sign3A_145, %sign3A_148 : i32
      %sign3A_150 = arith.constant 0 : i32
      %sign3A_151 = arith.cmpi sgt, %jit3A_143, %sign3A_150 : i32
      %sign3A_152 = arith.extui %sign3A_151 : i1 to i32
      %sign3A_153 = arith.constant 0 : i32
      %sign3A_154 = arith.cmpi slt, %jit3A_143, %sign3A_153 : i32
      %sign3A_155 = arith.extui %sign3A_154 : i1 to i32
      %sign3A_156 = arith.subi %sign3A_152, %sign3A_155 : i32
      %ne3A_157 = arith.cmpi ne, %sign3A_149, %sign3A_156 : i32
      %rem3A_158 = arith.remsi %add3A, %jit3A_143 : i32
      %ne3A_159 = arith.constant 0 : i32
      %ne3A_160 = arith.cmpi ne, %rem3A_158, %ne3A_159 : i32
      %and3A_161 = arith.andi %ne3A_157, %ne3A_160 : i1
      %sub3A = arith.constant 1 : i32
      %sub3A_162 = arith.subi %div3A, %sub3A : i32
      %select_n3A_163 = arith.select %and3A_161, %sub3A_162, %div3A : i32
      %mul3A_164 = arith.constant 48 : i32
      %mul3A_165 = arith.muli %select_n3A_163, %mul3A_164 : i32
      "tpu.region"() ({
        %run_scoped3A = tpu.sem_alloc : memref<!tpu.dma_semaphore, #tpu.memory_space<semaphore_mem>>
        %dma_start3A = arith.constant 0 : i32
        %dma_start3A_166 = tpu.memref_slice %arg3[%mul3A_165, %dma_start3A] : memref<192x1024xf32, #tpu.memory_space<hbm>> -> memref<48x1024xf32, #tpu.memory_space<hbm>>
        %dma_start3A_167 = arith.constant 0 : i32
        %dma_start3A_168 = tpu.memref_slice %arg3[%mul3A_165, %dma_start3A_167] : memref<192x1024xf32, #tpu.memory_space<hbm>> -> memref<48x1024xf32, #tpu.memory_space<hbm>>
        tpu.enqueue_dma source(%dma_start3A_168 : memref<48x1024xf32, #tpu.memory_space<hbm>>) target(%arg6 : memref<48x1024xf32, #tpu.memory_space<vmem>>) target_semaphore(%run_scoped3A : memref<!tpu.dma_semaphore, #tpu.memory_space<semaphore_mem>>)
        %dma_wait3A = arith.constant 0 : i32
        %dma_wait3A_169 = tpu.memref_slice %arg3[%mul3A_165, %dma_wait3A] : memref<192x1024xf32, #tpu.memory_space<hbm>> -> memref<48x1024xf32, #tpu.memory_space<hbm>>
        %dma_wait3A_170 = arith.constant 0 : i32
        %dma_wait3A_171 = tpu.memref_slice %arg3[%mul3A_165, %dma_wait3A_170] : memref<192x1024xf32, #tpu.memory_space<hbm>> -> memref<48x1024xf32, #tpu.memory_space<hbm>>
        tpu.wait_dma2 semaphore(%run_scoped3A : memref<!tpu.dma_semaphore, #tpu.memory_space<semaphore_mem>>) src(%dma_wait3A_171 : memref<48x1024xf32, #tpu.memory_space<hbm>>) dst(%arg6 : memref<48x1024xf32, #tpu.memory_space<vmem>>)
        tpu.yield
      }) : () -> ()
      "tpu.region"() ({
        %run_scoped3A = tpu.sem_alloc : memref<!tpu.dma_semaphore, #tpu.memory_space<semaphore_mem>>
        %dma_start3A = arith.constant 0 : i32
        %dma_start3A_166 = tpu.memref_slice %arg4[%mul3A_2, %dma_start3A] : memref<32768x1024xf32, #tpu.memory_space<hbm>> -> memref<48x1024xf32, #tpu.memory_space<hbm>>
        %dma_start3A_167 = arith.constant 0 : i32
        %dma_start3A_168 = tpu.memref_slice %arg4[%mul3A_2, %dma_start3A_167] : memref<32768x1024xf32, #tpu.memory_space<hbm>> -> memref<48x1024xf32, #tpu.memory_space<hbm>>
        tpu.enqueue_dma source(%arg6 : memref<48x1024xf32, #tpu.memory_space<vmem>>) target(%dma_start3A_168 : memref<48x1024xf32, #tpu.memory_space<hbm>>) target_semaphore(%run_scoped3A : memref<!tpu.dma_semaphore, #tpu.memory_space<semaphore_mem>>)
        %dma_wait3A = arith.constant 0 : i32
        %dma_wait3A_169 = tpu.memref_slice %arg4[%mul3A_2, %dma_wait3A] : memref<32768x1024xf32, #tpu.memory_space<hbm>> -> memref<48x1024xf32, #tpu.memory_space<hbm>>
        %dma_wait3A_170 = arith.constant 0 : i32
        %dma_wait3A_171 = tpu.memref_slice %arg4[%mul3A_2, %dma_wait3A_170] : memref<32768x1024xf32, #tpu.memory_space<hbm>> -> memref<48x1024xf32, #tpu.memory_space<hbm>>
        tpu.wait_dma2 semaphore(%run_scoped3A : memref<!tpu.dma_semaphore, #tpu.memory_space<semaphore_mem>>) src(%arg6 : memref<48x1024xf32, #tpu.memory_space<vmem>>) dst(%dma_wait3A_171 : memref<48x1024xf32, #tpu.memory_space<hbm>>)
        tpu.yield
      }) : () -> ()
    } else {
    }
    return
  }
}

module attributes {stable_mosaic.version = 14 : i64} {
  func.func @_head_body(%arg0: memref<192x1024xf32, #tpu.memory_space<vmem>>, %arg1: memref<48x48xf32, #tpu.memory_space<vmem>>, %arg2: memref<1024x1024xf32, #tpu.memory_space<vmem>>, %arg3: memref<1024xf32, #tpu.memory_space<vmem>>, %arg4: memref<1024xf32, #tpu.memory_space<vmem>>, %arg5: memref<1024xf32, #tpu.memory_space<vmem>>, %arg6: memref<2048x1024xf32, #tpu.memory_space<vmem>>, %arg7: memref<1024xf32, #tpu.memory_space<vmem>>, %arg8: memref<1024x1024xf32, #tpu.memory_space<vmem>>, %arg9: memref<1024xf32, #tpu.memory_space<vmem>>, %arg10: memref<1024x1024xf32, #tpu.memory_space<vmem>>, %arg11: memref<1024xf32, #tpu.memory_space<vmem>>, %arg12: memref<2048x1024xf32, #tpu.memory_space<vmem>>, %arg13: memref<1024xf32, #tpu.memory_space<vmem>>, %arg14: memref<192x1024xf32, #tpu.memory_space<vmem>>) attributes {dimension_semantics = [], scalar_prefetch = 0 : i64, scratch_operands = 0 : i64, tpu.core_type = #tpu.core_type<tc>} {
    %get3A = arith.constant 0 : index
    %get3A_0 = arith.constant 0 : index
    %get3A_1 = vector.load %arg0[%get3A, %get3A_0] : memref<192x1024xf32, #tpu.memory_space<vmem>>, vector<192x1024xf32>
    %get3A_2 = arith.constant 0 : index
    %get3A_3 = arith.constant 0 : index
    %get3A_4 = vector.load %arg2[%get3A_2, %get3A_3] : memref<1024x1024xf32, #tpu.memory_space<vmem>>, vector<1024x1024xf32>
    %dot_general3A = arith.constant dense<0.000000e+00> : vector<192x1024xf32>
    %dot_general3A_5 = tpu.matmul %get3A_1, %get3A_4, %dot_general3A {dimension_numbers = #tpu.dot_dimension_numbers<[1], [0], [0], [1], [0, 0, 1, 1], [], []>, transpose_lhs_hint = false} : vector<192x1024xf32>, vector<1024x1024xf32>, vector<192x1024xf32> -> vector<192x1024xf32>
    %get3A_6 = arith.constant 0 : index
    %get3A_7 = vector.load %arg3[%get3A_6] : memref<1024xf32, #tpu.memory_space<vmem>>, vector<1024xf32>
    %broadcast_in_dim3A = vector.shape_cast %get3A_7 : vector<1024xf32> to vector<1x1024xf32>
    %add3A = vector.broadcast %broadcast_in_dim3A : vector<1x1024xf32> to vector<192x1024xf32>
    %add3A_8 = arith.addf %dot_general3A_5, %add3A : vector<192x1024xf32>
    %reduce_sum3A = arith.constant dense<0.000000e+00> : vector<192xf32>
    %reduce_sum3A_9 = vector.multi_reduction <add>, %add3A_8, %reduce_sum3A [1] : vector<192x1024xf32> to vector<192xf32>
    %broadcast_in_dim3A_10 = vector.shape_cast %reduce_sum3A_9 : vector<192xf32> to vector<192x1xf32>
    %div3A = arith.constant 1.024000e+03 : f32
    %div3A_11 = vector.broadcast %div3A : f32 to vector<192x1xf32>
    %div3A_12 = arith.divf %broadcast_in_dim3A_10, %div3A_11 : vector<192x1xf32>
    %sub3A = vector.broadcast %div3A_12 : vector<192x1xf32> to vector<192x1024xf32>
    %sub3A_13 = arith.subf %add3A_8, %sub3A : vector<192x1024xf32>
    %integer_pow3A = arith.mulf %sub3A_13, %sub3A_13 : vector<192x1024xf32>
    %reduce_sum3A_14 = arith.constant dense<0.000000e+00> : vector<192xf32>
    %reduce_sum3A_15 = vector.multi_reduction <add>, %integer_pow3A, %reduce_sum3A_14 [1] : vector<192x1024xf32> to vector<192xf32>
    %broadcast_in_dim3A_16 = vector.shape_cast %reduce_sum3A_15 : vector<192xf32> to vector<192x1xf32>
    %div3A_17 = arith.constant 1.024000e+03 : f32
    %div3A_18 = vector.broadcast %div3A_17 : f32 to vector<192x1xf32>
    %div3A_19 = arith.divf %broadcast_in_dim3A_16, %div3A_18 : vector<192x1xf32>
    %sub3A_20 = vector.broadcast %div3A_12 : vector<192x1xf32> to vector<192x1024xf32>
    %sub3A_21 = arith.subf %add3A_8, %sub3A_20 : vector<192x1024xf32>
    %add3A_22 = arith.constant 9.99999974E-6 : f32
    %add3A_23 = vector.broadcast %add3A_22 : f32 to vector<192x1xf32>
    %add3A_24 = arith.addf %div3A_19, %add3A_23 : vector<192x1xf32>
    %sqrt3A = math.sqrt %add3A_24 : vector<192x1xf32>
    %div3A_25 = vector.broadcast %sqrt3A : vector<192x1xf32> to vector<192x1024xf32>
    %div3A_26 = arith.divf %sub3A_21, %div3A_25 : vector<192x1024xf32>
    %get3A_27 = arith.constant 0 : index
    %get3A_28 = vector.load %arg4[%get3A_27] : memref<1024xf32, #tpu.memory_space<vmem>>, vector<1024xf32>
    %broadcast_in_dim3A_29 = vector.shape_cast %get3A_28 : vector<1024xf32> to vector<1x1024xf32>
    %mul3A = vector.broadcast %broadcast_in_dim3A_29 : vector<1x1024xf32> to vector<192x1024xf32>
    %mul3A_30 = arith.mulf %div3A_26, %mul3A : vector<192x1024xf32>
    %get3A_31 = arith.constant 0 : index
    %get3A_32 = vector.load %arg5[%get3A_31] : memref<1024xf32, #tpu.memory_space<vmem>>, vector<1024xf32>
    %broadcast_in_dim3A_33 = vector.shape_cast %get3A_32 : vector<1024xf32> to vector<1x1024xf32>
    %add3A_34 = vector.broadcast %broadcast_in_dim3A_33 : vector<1x1024xf32> to vector<192x1024xf32>
    %add3A_35 = arith.addf %mul3A_30, %add3A_34 : vector<192x1024xf32>
    %mul3A_36 = arith.constant 5.000000e-01 : f32
    %mul3A_37 = vector.broadcast %mul3A_36 : f32 to vector<192x1024xf32>
    %mul3A_38 = arith.mulf %mul3A_37, %add3A_35 : vector<192x1024xf32>
    %mul3A_39 = arith.constant 0.707106769 : f32
    %mul3A_40 = vector.broadcast %mul3A_39 : f32 to vector<192x1024xf32>
    %mul3A_41 = arith.mulf %add3A_35, %mul3A_40 : vector<192x1024xf32>
    %erf3A = math.erf %mul3A_41 : vector<192x1024xf32>
    %add3A_42 = arith.constant 1.000000e+00 : f32
    %add3A_43 = vector.broadcast %add3A_42 : f32 to vector<192x1024xf32>
    %add3A_44 = arith.addf %add3A_43, %erf3A : vector<192x1024xf32>
    %mul3A_45 = arith.mulf %mul3A_38, %add3A_44 : vector<192x1024xf32>
    %get3A_46 = arith.constant 0 : index
    %get3A_47 = arith.constant 0 : index
    %get3A_48 = vector.load %arg1[%get3A_46, %get3A_47] : memref<48x48xf32, #tpu.memory_space<vmem>>, vector<48x48xf32>
    %reduce_max3A = arith.constant dense<0xFF800000> : vector<48xf32>
    %reduce_max3A_49 = vector.multi_reduction <maximumf>, %get3A_48, %reduce_max3A [1] : vector<48x48xf32> to vector<48xf32>
    %broadcast_in_dim3A_50 = vector.shape_cast %reduce_max3A_49 : vector<48xf32> to vector<48x1xf32>
    %sub3A_51 = vector.broadcast %broadcast_in_dim3A_50 : vector<48x1xf32> to vector<48x48xf32>
    %sub3A_52 = arith.subf %get3A_48, %sub3A_51 : vector<48x48xf32>
    %exp3A = math.exp %sub3A_52 : vector<48x48xf32>
    %reduce_sum3A_53 = arith.constant dense<0.000000e+00> : vector<48xf32>
    %reduce_sum3A_54 = vector.multi_reduction <add>, %exp3A, %reduce_sum3A_53 [1] : vector<48x48xf32> to vector<48xf32>
    %broadcast_in_dim3A_55 = vector.shape_cast %reduce_sum3A_54 : vector<48xf32> to vector<48x1xf32>
    %div3A_56 = vector.broadcast %broadcast_in_dim3A_55 : vector<48x1xf32> to vector<48x48xf32>
    %div3A_57 = arith.divf %exp3A, %div3A_56 : vector<48x48xf32>
    %gt3A = arith.constant 0.00999999977 : f32
    %gt3A_58 = vector.broadcast %gt3A : f32 to vector<48x48xf32>
    %gt3A_59 = arith.cmpf ogt, %div3A_57, %gt3A_58 : vector<48x48xf32>
    %jit3A = arith.constant 0.000000e+00 : f32
    %broadcast_in_dim3A_60 = vector.broadcast %jit3A : f32 to vector<48x48xf32>
    %select_n3A = arith.select %gt3A_59, %div3A_57, %broadcast_in_dim3A_60 : vector<48x48xi1>, vector<48x48xf32>
    %tile3A = tpu.concatenate %select_n3A, %select_n3A, %select_n3A, %select_n3A in 0 : vector<48x48xf32>, vector<48x48xf32>, vector<48x48xf32>, vector<48x48xf32> -> vector<192x48xf32>
    %tile3A_61 = tpu.concatenate %tile3A, %tile3A, %tile3A, %tile3A in 1 : vector<192x48xf32>, vector<192x48xf32>, vector<192x48xf32>, vector<192x48xf32> -> vector<192x192xf32>
    %iota3A = tpu.iota {dimensions = array<i32: 0>} : vector<192x192xi32>
    %jit3A_62 = arith.constant 48 : i32
    %div3A_63 = vector.broadcast %jit3A_62 : i32 to vector<192x192xi32>
    %div3A_64 = arith.divsi %iota3A, %div3A_63 : vector<192x192xi32>
    %sign3A = arith.constant 0 : i32
    %sign3A_65 = vector.broadcast %sign3A : i32 to vector<192x192xi32>
    %sign3A_66 = arith.cmpi sgt, %iota3A, %sign3A_65 : vector<192x192xi32>
    %sign3A_67 = arith.extui %sign3A_66 : vector<192x192xi1> to vector<192x192xi32>
    %sign3A_68 = arith.constant 0 : i32
    %sign3A_69 = vector.broadcast %sign3A_68 : i32 to vector<192x192xi32>
    %sign3A_70 = arith.cmpi slt, %iota3A, %sign3A_69 : vector<192x192xi32>
    %sign3A_71 = arith.extui %sign3A_70 : vector<192x192xi1> to vector<192x192xi32>
    %sign3A_72 = arith.subi %sign3A_67, %sign3A_71 : vector<192x192xi32>
    %sign3A_73 = arith.constant 0 : i32
    %sign3A_74 = arith.cmpi sgt, %jit3A_62, %sign3A_73 : i32
    %sign3A_75 = arith.extui %sign3A_74 : i1 to i32
    %sign3A_76 = arith.constant 0 : i32
    %sign3A_77 = arith.cmpi slt, %jit3A_62, %sign3A_76 : i32
    %sign3A_78 = arith.extui %sign3A_77 : i1 to i32
    %sign3A_79 = arith.subi %sign3A_75, %sign3A_78 : i32
    %ne3A = vector.broadcast %sign3A_79 : i32 to vector<192x192xi32>
    %ne3A_80 = arith.cmpi ne, %sign3A_72, %ne3A : vector<192x192xi32>
    %rem3A = vector.broadcast %jit3A_62 : i32 to vector<192x192xi32>
    %rem3A_81 = arith.remsi %iota3A, %rem3A : vector<192x192xi32>
    %ne3A_82 = arith.constant 0 : i32
    %ne3A_83 = vector.broadcast %ne3A_82 : i32 to vector<192x192xi32>
    %ne3A_84 = arith.cmpi ne, %rem3A_81, %ne3A_83 : vector<192x192xi32>
    %and3A = arith.andi %ne3A_80, %ne3A_84 : vector<192x192xi1>
    %sub3A_85 = arith.constant 1 : i32
    %sub3A_86 = vector.broadcast %sub3A_85 : i32 to vector<192x192xi32>
    %sub3A_87 = arith.subi %div3A_64, %sub3A_86 : vector<192x192xi32>
    %select_n3A_88 = arith.select %and3A, %sub3A_87, %div3A_64 : vector<192x192xi1>, vector<192x192xi32>
    %iota3A_89 = tpu.iota {dimensions = array<i32: 1>} : vector<192x192xi32>
    %jit3A_90 = arith.constant 48 : i32
    %div3A_91 = vector.broadcast %jit3A_90 : i32 to vector<192x192xi32>
    %div3A_92 = arith.divsi %iota3A_89, %div3A_91 : vector<192x192xi32>
    %sign3A_93 = arith.constant 0 : i32
    %sign3A_94 = vector.broadcast %sign3A_93 : i32 to vector<192x192xi32>
    %sign3A_95 = arith.cmpi sgt, %iota3A_89, %sign3A_94 : vector<192x192xi32>
    %sign3A_96 = arith.extui %sign3A_95 : vector<192x192xi1> to vector<192x192xi32>
    %sign3A_97 = arith.constant 0 : i32
    %sign3A_98 = vector.broadcast %sign3A_97 : i32 to vector<192x192xi32>
    %sign3A_99 = arith.cmpi slt, %iota3A_89, %sign3A_98 : vector<192x192xi32>
    %sign3A_100 = arith.extui %sign3A_99 : vector<192x192xi1> to vector<192x192xi32>
    %sign3A_101 = arith.subi %sign3A_96, %sign3A_100 : vector<192x192xi32>
    %sign3A_102 = arith.constant 0 : i32
    %sign3A_103 = arith.cmpi sgt, %jit3A_90, %sign3A_102 : i32
    %sign3A_104 = arith.extui %sign3A_103 : i1 to i32
    %sign3A_105 = arith.constant 0 : i32
    %sign3A_106 = arith.cmpi slt, %jit3A_90, %sign3A_105 : i32
    %sign3A_107 = arith.extui %sign3A_106 : i1 to i32
    %sign3A_108 = arith.subi %sign3A_104, %sign3A_107 : i32
    %ne3A_109 = vector.broadcast %sign3A_108 : i32 to vector<192x192xi32>
    %ne3A_110 = arith.cmpi ne, %sign3A_101, %ne3A_109 : vector<192x192xi32>
    %rem3A_111 = vector.broadcast %jit3A_90 : i32 to vector<192x192xi32>
    %rem3A_112 = arith.remsi %iota3A_89, %rem3A_111 : vector<192x192xi32>
    %ne3A_113 = arith.constant 0 : i32
    %ne3A_114 = vector.broadcast %ne3A_113 : i32 to vector<192x192xi32>
    %ne3A_115 = arith.cmpi ne, %rem3A_112, %ne3A_114 : vector<192x192xi32>
    %and3A_116 = arith.andi %ne3A_110, %ne3A_115 : vector<192x192xi1>
    %sub3A_117 = arith.constant 1 : i32
    %sub3A_118 = vector.broadcast %sub3A_117 : i32 to vector<192x192xi32>
    %sub3A_119 = arith.subi %div3A_92, %sub3A_118 : vector<192x192xi32>
    %select_n3A_120 = arith.select %and3A_116, %sub3A_119, %div3A_92 : vector<192x192xi1>, vector<192x192xi32>
    %eq3A = arith.cmpi eq, %select_n3A_88, %select_n3A_120 : vector<192x192xi32>
    %jit3A_121 = arith.constant 0.000000e+00 : f32
    %broadcast_in_dim3A_122 = vector.broadcast %jit3A_121 : f32 to vector<192x192xf32>
    %select_n3A_123 = arith.select %eq3A, %tile3A_61, %broadcast_in_dim3A_122 : vector<192x192xi1>, vector<192x192xf32>
    %dot_general3A_124 = arith.constant dense<0.000000e+00> : vector<192x1024xf32>
    %dot_general3A_125 = tpu.matmul %select_n3A_123, %mul3A_45, %dot_general3A_124 {dimension_numbers = #tpu.dot_dimension_numbers<[1], [0], [0], [1], [0, 0, 1, 1], [], []>, transpose_lhs_hint = false} : vector<192x192xf32>, vector<192x1024xf32>, vector<192x1024xf32> -> vector<192x1024xf32>
    %get3A_126 = arith.constant 0 : index
    %get3A_127 = arith.constant 0 : index
    %get3A_128 = vector.load %arg6[%get3A_126, %get3A_127] : memref<2048x1024xf32, #tpu.memory_space<vmem>>, vector<1024x1024xf32>
    %dot_general3A_129 = arith.constant dense<0.000000e+00> : vector<192x1024xf32>
    %dot_general3A_130 = tpu.matmul %mul3A_45, %get3A_128, %dot_general3A_129 {dimension_numbers = #tpu.dot_dimension_numbers<[1], [0], [0], [1], [0, 0, 1, 1], [], []>, transpose_lhs_hint = false} : vector<192x1024xf32>, vector<1024x1024xf32>, vector<192x1024xf32> -> vector<192x1024xf32>
    %get3A_131 = arith.constant 1024 : index
    %get3A_132 = arith.constant 0 : index
    %get3A_133 = vector.load %arg6[%get3A_131, %get3A_132] : memref<2048x1024xf32, #tpu.memory_space<vmem>>, vector<1024x1024xf32>
    %dot_general3A_134 = arith.constant dense<0.000000e+00> : vector<192x1024xf32>
    %dot_general3A_135 = tpu.matmul %dot_general3A_125, %get3A_133, %dot_general3A_134 {dimension_numbers = #tpu.dot_dimension_numbers<[1], [0], [0], [1], [0, 0, 1, 1], [], []>, transpose_lhs_hint = false} : vector<192x1024xf32>, vector<1024x1024xf32>, vector<192x1024xf32> -> vector<192x1024xf32>
    %add3A_136 = arith.addf %dot_general3A_130, %dot_general3A_135 : vector<192x1024xf32>
    %get3A_137 = arith.constant 0 : index
    %get3A_138 = vector.load %arg7[%get3A_137] : memref<1024xf32, #tpu.memory_space<vmem>>, vector<1024xf32>
    %broadcast_in_dim3A_139 = vector.shape_cast %get3A_138 : vector<1024xf32> to vector<1x1024xf32>
    %add3A_140 = vector.broadcast %broadcast_in_dim3A_139 : vector<1x1024xf32> to vector<192x1024xf32>
    %add3A_141 = arith.addf %add3A_136, %add3A_140 : vector<192x1024xf32>
    %mul3A_142 = arith.constant 5.000000e-01 : f32
    %mul3A_143 = vector.broadcast %mul3A_142 : f32 to vector<192x1024xf32>
    %mul3A_144 = arith.mulf %mul3A_143, %add3A_141 : vector<192x1024xf32>
    %mul3A_145 = arith.constant 0.707106769 : f32
    %mul3A_146 = vector.broadcast %mul3A_145 : f32 to vector<192x1024xf32>
    %mul3A_147 = arith.mulf %add3A_141, %mul3A_146 : vector<192x1024xf32>
    %erf3A_148 = math.erf %mul3A_147 : vector<192x1024xf32>
    %add3A_149 = arith.constant 1.000000e+00 : f32
    %add3A_150 = vector.broadcast %add3A_149 : f32 to vector<192x1024xf32>
    %add3A_151 = arith.addf %add3A_150, %erf3A_148 : vector<192x1024xf32>
    %mul3A_152 = arith.mulf %mul3A_144, %add3A_151 : vector<192x1024xf32>
    %get3A_153 = arith.constant 0 : index
    %get3A_154 = arith.constant 0 : index
    %get3A_155 = vector.load %arg8[%get3A_153, %get3A_154] : memref<1024x1024xf32, #tpu.memory_space<vmem>>, vector<1024x1024xf32>
    %dot_general3A_156 = arith.constant dense<0.000000e+00> : vector<192x1024xf32>
    %dot_general3A_157 = tpu.matmul %mul3A_152, %get3A_155, %dot_general3A_156 {dimension_numbers = #tpu.dot_dimension_numbers<[1], [0], [0], [1], [0, 0, 1, 1], [], []>, transpose_lhs_hint = false} : vector<192x1024xf32>, vector<1024x1024xf32>, vector<192x1024xf32> -> vector<192x1024xf32>
    %get3A_158 = arith.constant 0 : index
    %get3A_159 = vector.load %arg9[%get3A_158] : memref<1024xf32, #tpu.memory_space<vmem>>, vector<1024xf32>
    %broadcast_in_dim3A_160 = vector.shape_cast %get3A_159 : vector<1024xf32> to vector<1x1024xf32>
    %add3A_161 = vector.broadcast %broadcast_in_dim3A_160 : vector<1x1024xf32> to vector<192x1024xf32>
    %add3A_162 = arith.addf %dot_general3A_157, %add3A_161 : vector<192x1024xf32>
    %get3A_163 = arith.constant 0 : index
    %get3A_164 = arith.constant 0 : index
    %get3A_165 = vector.load %arg12[%get3A_163, %get3A_164] : memref<2048x1024xf32, #tpu.memory_space<vmem>>, vector<1024x1024xf32>
    %dot_general3A_166 = arith.constant dense<0.000000e+00> : vector<192x1024xf32>
    %dot_general3A_167 = tpu.matmul %get3A_1, %get3A_165, %dot_general3A_166 {dimension_numbers = #tpu.dot_dimension_numbers<[1], [0], [0], [1], [0, 0, 1, 1], [], []>, transpose_lhs_hint = false} : vector<192x1024xf32>, vector<1024x1024xf32>, vector<192x1024xf32> -> vector<192x1024xf32>
    %get3A_168 = arith.constant 1024 : index
    %get3A_169 = arith.constant 0 : index
    %get3A_170 = vector.load %arg12[%get3A_168, %get3A_169] : memref<2048x1024xf32, #tpu.memory_space<vmem>>, vector<1024x1024xf32>
    %dot_general3A_171 = arith.constant dense<0.000000e+00> : vector<192x1024xf32>
    %dot_general3A_172 = tpu.matmul %add3A_162, %get3A_170, %dot_general3A_171 {dimension_numbers = #tpu.dot_dimension_numbers<[1], [0], [0], [1], [0, 0, 1, 1], [], []>, transpose_lhs_hint = false} : vector<192x1024xf32>, vector<1024x1024xf32>, vector<192x1024xf32> -> vector<192x1024xf32>
    %add3A_173 = arith.addf %dot_general3A_167, %dot_general3A_172 : vector<192x1024xf32>
    %get3A_174 = arith.constant 0 : index
    %get3A_175 = vector.load %arg13[%get3A_174] : memref<1024xf32, #tpu.memory_space<vmem>>, vector<1024xf32>
    %broadcast_in_dim3A_176 = vector.shape_cast %get3A_175 : vector<1024xf32> to vector<1x1024xf32>
    %add3A_177 = vector.broadcast %broadcast_in_dim3A_176 : vector<1x1024xf32> to vector<192x1024xf32>
    %add3A_178 = arith.addf %add3A_173, %add3A_177 : vector<192x1024xf32>
    %logistic3A = arith.negf %add3A_178 : vector<192x1024xf32>
    %logistic3A_179 = math.exp %logistic3A : vector<192x1024xf32>
    %logistic3A_180 = arith.constant 1.000000e+00 : f32
    %logistic3A_181 = vector.broadcast %logistic3A_180 : f32 to vector<192x1024xf32>
    %logistic3A_182 = arith.addf %logistic3A_181, %logistic3A_179 : vector<192x1024xf32>
    %logistic3A_183 = arith.divf %logistic3A_181, %logistic3A_182 : vector<192x1024xf32>
    %get3A_184 = arith.constant 0 : index
    %get3A_185 = arith.constant 0 : index
    %get3A_186 = vector.load %arg10[%get3A_184, %get3A_185] : memref<1024x1024xf32, #tpu.memory_space<vmem>>, vector<1024x1024xf32>
    %dot_general3A_187 = arith.constant dense<0.000000e+00> : vector<192x1024xf32>
    %dot_general3A_188 = tpu.matmul %add3A_162, %get3A_186, %dot_general3A_187 {dimension_numbers = #tpu.dot_dimension_numbers<[1], [0], [0], [1], [0, 0, 1, 1], [], []>, transpose_lhs_hint = false} : vector<192x1024xf32>, vector<1024x1024xf32>, vector<192x1024xf32> -> vector<192x1024xf32>
    %get3A_189 = arith.constant 0 : index
    %get3A_190 = vector.load %arg11[%get3A_189] : memref<1024xf32, #tpu.memory_space<vmem>>, vector<1024xf32>
    %broadcast_in_dim3A_191 = vector.shape_cast %get3A_190 : vector<1024xf32> to vector<1x1024xf32>
    %add3A_192 = vector.broadcast %broadcast_in_dim3A_191 : vector<1x1024xf32> to vector<192x1024xf32>
    %add3A_193 = arith.addf %dot_general3A_188, %add3A_192 : vector<192x1024xf32>
    %mul3A_194 = arith.mulf %logistic3A_183, %add3A_193 : vector<192x1024xf32>
    %sub3A_195 = arith.constant 1.000000e+00 : f32
    %sub3A_196 = vector.broadcast %sub3A_195 : f32 to vector<192x1024xf32>
    %sub3A_197 = arith.subf %sub3A_196, %logistic3A_183 : vector<192x1024xf32>
    %mul3A_198 = arith.mulf %sub3A_197, %get3A_1 : vector<192x1024xf32>
    %add3A_199 = arith.addf %mul3A_194, %mul3A_198 : vector<192x1024xf32>
    %swap3A = arith.constant 0 : index
    %swap3A_200 = arith.constant 0 : index
    %swap3A_201 = vector.load %arg14[%swap3A, %swap3A_200] : memref<192x1024xf32, #tpu.memory_space<vmem>>, vector<192x1024xf32>
    tpu.vector_store %arg14[%swap3A, %swap3A_200], %add3A_199 {strides = array<i32>} : memref<192x1024xf32, #tpu.memory_space<vmem>>, vector<192x1024xf32>,
    return
  }
}

</mosaic_0001>

<sc_bundles>
// kernel: _run.4.cloned.1.call-start
scs
__scs_entry_jumppad:
0x0: {  	(pc) =	sbr.rel $0x88, $3  }
0x1: {  	(tag) =	ssettag $0x0;
	lr =	simm.s32 $0x1  }
0x2: {  	[smem:$0x3F93] =	sst lr;
	_ =	strace $0xD0000000  }
0x3: {  	_ = 	snop  }
0x4: {  	_ = 	snop  }
0x5: {  	_ = 	snop  }
0x6: {  	_ = 	snop  }
0x7: {  	_ = 	snop  }
__scs_overlays_trampoline_lowered:
0x8: {  	[smem:$0x3FA2] =	sst s0  }
0x9: {  	[smem:$0x3FA3] =	sst s1  }
0xa: {  	[smem:$0x3FA4] =	sst s2  }
0xb: {  	[smem:$0x3FA5] =	sst s3  }
0xc: {  	[smem:$0x3FA6] =	sst s4  }
0xd: {  	[smem:$0x3FA7] =	sst s5  }
0xe: {  	[smem:$0x3FA8] =	sst s6  }
0xf: {  	[smem:$0x3FA9] =	sst s7  }
0x10: {  	[smem:$0x3FAA] =	sst s8  }
0x11: {  	[smem:$0x3FAB] =	sst s9;
	s0 =	simm.s32 @!p0 $0x0  }
0x12: {  	s1 =	sld [smem:$0x3F91];
	s0 =	simm.s32 @p0 $0x1  }
0x13: {  	[smem:$0x3FAC] =	sst s0;
	s0 =	simm.s32 @!p1 $0x0  }
0x14: {  	s2 =	sld [smem:$0x3F90];
	s0 =	simm.s32 @p1 $0x1  }
0x15: {  	[smem:$0x3FAD] =	sst s0;
	s0 =	simm.s32 @!p2 $0x0  }
0x16: {  	s3 =	sld [smem:$0x3FDB];
	s0 =	simm.s32 @p2 $0x1  }
0x17: {  	s4 =	simm.s32 $0x1BF5;
	[smem:$0x3FAF] =	sst s0  }
0x18: {  	s0 =	sld [smem:$0x3F92];
	_ =	swait.ge [sflag:s4], $0x0  }
0x19: {  	s7 =	sld [smem:$0x3F93]  }
0x1a: {  	s8 =	sadd.s32 $0xFFFFE003, lr  }
0x1b: {  	s9 =	sadd.s32 $0xFFFFFEF7, lr;
	s5 =	simm.s32 $0xFFFFFFFF;
	p2 =	slt.u32 s8, $0xFFFFF086  }
0x1c: {  	p1 =	slt.u32 s9, $0xF7A;
	s5 =	simm.s32 @!p2 $0x0  }
0x1d: {  	s5 =	simm.s32 @p1 $0x1;
	p0 =	seq.s32 s7, s2  }
0x1e: {  	s7 =	smul.u32 @!p0 $0xF7A, s2;
	p2 =	seq.s32 @!p0 s5, $0x0  }
0x1f: {  	s9 =	smul.u32 $0xF7A, s1;
	s8 =	simm.s32 @!p0 $0x1BF5;
	p2 =	por !p2, p0  }
0x20: {  	[sflag:s8] =	ssyncset.s32 @!p0 $0xFFFFF086;
	s6 =	sadd.s32 @!p0 s3, s7;
	s7 =	simm.s32 @!p0 $0x108  }
0x21: {  	s3 =	sadd.s32 s3, s9;
	s6 =	sadd.s32 @!p0 $0x88, s6;
	s7 =	simm.s32 @p2 $0x1082  }
0x22: {  	[simem:s7], [sflag:s8] =	dma.local @!p0 [hbm:s6], $0xF7A  }
0x23: {  	s9 =	sor.u32 $0xD0000000, s2;
	s6 =	simm.s32 $0x108;
	_ =	swait.ge @!p0 [sflag:s8], $0x0  }
0x24: {  	s3 =	sadd.s32 $0x88, s3;
	s6 =	simm.s32 @!p1 $0x1082;
	[sflag:s4] =	ssyncset.s32 $0xFFFFF086  }
0x25: {  	[simem:s6], [sflag:s4] =	dma.local [hbm:s3], $0xF7A  }
0x26: {  	[smem:$0x3F93] =	sst s1;
	(tag) =	ssettag s2;
	_ =	strace s9  }
0x27: {  	s1 =	sld [smem:$0x3FA3]  }
0x28: {  	s2 =	sld [smem:$0x3FA4]  }
0x29: {  	s4 =	sld [smem:$0x3FA6]  }
0x2a: {  	p0 =	seq.s32 s5, $0x0;
	s5 =	sld [smem:$0x3FA7]  }
0x2b: {  	s6 =	sld [smem:$0x3FA8]  }
0x2c: {  	s7 =	sld [smem:$0x3FA9]  }
0x2d: {  	s3 =	simm.s32 $0x108;
	s8 =	sld [smem:$0x3FAA]  }
0x2e: {  	s3 =	simm.s32 @!p0 $0x1082;
	s9 =	sld [smem:$0x3FAB]  }
0x2f: {  	lr =	sadd.s32 s0, s3;
	s0 =	sld [smem:$0x3FA2]  }
0x30: {  	s3 =	sld [smem:$0x3FA5]  }
0x31: {  	[smem:$0x3FAE] =	sst s10  }
0x32: {  	s10 =	sld [smem:$0x3FAC];
	_ =	sdelay $0x3  }
0x33: {  	p0 =	seq.s32 s10, $0x1;
	s10 =	sld [smem:$0x3FAE];
	_ =	sdelay $0x3  }
0x34: {  	[smem:$0x3FAE] =	sst s10  }
0x35: {  	s10 =	sld [smem:$0x3FAD];
	_ =	sdelay $0x3  }
0x36: {  	p1 =	seq.s32 s10, $0x1;
	s10 =	sld [smem:$0x3FAE];
	_ =	sdelay $0x3  }
0x37: {  	[smem:$0x3FAE] =	sst s10  }
0x38: {  	s10 =	sld [smem:$0x3FAF]  }
0x39: {  	_ = 	snop;
	(pc) =	sbr.ind lr, $3  }
0x3a: {  	_ = 	snop  }
0x3b: {  	_ = 	snop  }
0x3c: {  	p2 =	seq.s32 s10, $0x1;
	s10 =	sld [smem:$0x3FAE]  }
0x3d: {  	_ =	shalt  }
0x3e: {  	_ =	shalt  }
0x3f: {  	_ =	shalt  }
0x40: {  	_ =	shalt  }
0x41: {  	_ =	shalt  }
0x42: {  	_ =	shalt  }
0x43: {  	_ =	shalt  }
0x44: {  	_ =	shalt  }
0x45: {  	_ =	shalt  }
0x46: {  	_ =	shalt  }
0x47: {  	_ =	shalt  }
0x48: {  	_ =	shalt  }
0x49: {  	_ =	shalt  }
0x4a: {  	_ =	shalt  }
0x4b: {  	_ =	shalt  }
0x4c: {  	_ =	shalt  }
0x4d: {  	_ =	shalt  }
0x4e: {  	_ =	shalt  }
0x4f: {  	_ =	shalt  }
0x50: {  	_ =	shalt  }
0x51: {  	_ =	shalt  }
0x52: {  	_ =	shalt  }
0x53: {  	_ =	shalt  }
0x54: {  	_ =	shalt  }
0x55: {  	_ =	shalt  }
0x56: {  	_ =	shalt  }
0x57: {  	_ =	shalt  }
0x58: {  	_ =	shalt  }
0x59: {  	_ =	shalt  }
0x5a: {  	_ =	shalt  }
0x5b: {  	_ =	shalt  }
0x5c: {  	_ =	shalt  }
0x5d: {  	_ =	shalt  }
0x5e: {  	_ =	shalt  }
0x5f: {  	_ =	shalt  }
0x60: {  	_ =	shalt  }
0x61: {  	_ =	shalt  }
0x62: {  	_ =	shalt  }
0x63: {  	_ =	shalt  }
0x64: {  	_ =	shalt  }
0x65: {  	_ =	shalt  }
0x66: {  	_ =	shalt  }
0x67: {  	_ =	shalt  }
0x68: {  	_ =	shalt  }
0x69: {  	_ =	shalt  }
0x6a: {  	_ =	shalt  }
0x6b: {  	_ =	shalt  }
0x6c: {  	_ =	shalt  }
0x6d: {  	_ =	shalt  }
0x6e: {  	_ =	shalt  }
0x6f: {  	_ =	shalt  }
0x70: {  	_ =	shalt  }
0x71: {  	_ =	shalt  }
0x72: {  	_ =	shalt  }
0x73: {  	_ =	shalt  }
0x74: {  	_ =	shalt  }
0x75: {  	_ =	shalt  }
0x76: {  	_ =	shalt  }
0x77: {  	_ =	shalt  }
0x78: {  	_ =	shalt  }
0x79: {  	_ =	shalt  }
0x7a: {  	_ =	shalt  }
0x7b: {  	_ =	shalt  }
0x7c: {  	_ =	shalt  }
0x7d: {  	_ =	shalt  }
0x7e: {  	_ =	shalt  }
0x7f: {  	_ =	shalt  }
0x80: {  	_ =	shalt  }
0x81: {  	_ =	shalt  }
0x82: {  	_ =	shalt  }
0x83: {  	_ =	shalt  }
0x84: {  	_ =	shalt  }
0x85: {  	_ =	shalt  }
0x86: {  	_ =	shalt  }
0x87: {  	_ =	shalt  }
.Lfunc_end0:
.L_simem_size_0:
called_computation_lowered:
.L_overlay_start_0:
0x88: {  	s2 =	sld [smem:$0x3FD9]  }
0x89: {  	s3 =	sld [smem:$0x3FFE];
	_ =	sdelay $0x1  }
0x8a: {  	s1 =	srdreg.scid  }
0x8b: {  	s0 =	sand.u32 $0x1, s1  }
0x8c: {  	s17 =	sshll.u32 s0, $0xA;
	s2 =	sadd.s32 s3, s2  }
0x8d: {  	s2 =	sadd.s32 s2, s17  }
0x8e: {  	[smem:$0x3FBA] =	sst s2  }
0x8f: {  	_ = 	snop  }
0x90: {  	s2 =	sld [smem:$0x3FC9]  }
0x91: {  	s18 =	sld [smem:$0x3FD0];
	(tm) =	ssettm $0x1  }
0x92: {  	s4 =	sld [smem:$0x3FFB];
	_ =	sdelay $0x3  }
0x93: {  	_ =	strace s4  }
0x94: {  	s4 =	sld [smem:$0x3FFC];
	_ =	sdelay $0x3  }
0x95: {  	_ =	strace s4  }
0x96: {  	s4 =	sld [smem:$0x3FFD];
	_ =	sdelay $0x3  }
0x97: {  	_ =	strace s4  }
0x98: {  	_ =	strace $0x8FFFFFFF  }
0x99: {  	s19 =	sld [smem:$0x3FDB];
	_ =	sdelay $0x1  }
0x9a: {  	s5 =	simm.s32 $_scs_section_size  }
0x9b: {  	s6 =	simm.s32 $_size__tile_overlayer_lowered;
	s7 =	simm.s32 $_tile_overlayer_lowered  }
0x9c: {  	s22 =	simm.s32 $0x1BFF;
	s21 =	sshll.u32 s7, $0x1;
	s4 =	sadd.s32 s5, s19  }
0x9d: {  	s8 =	simm.s32 $0x0;
	s20 =	sshll.u32 s6, $0x1;
	s6 =	sadd.s32 s21, s4  }
0x9e: {  	[timem:s8], [sflag:s22] =	dma.local [hbm:s6], s20  }
0x9f: {  	_ =	swait.ge [sflag:s22], s20  }
0xa0: {  	s5 =	ssub.s32 $0x0, s20;
	[sflag:s22] =	ssyncset.done $0x0  }
0xa1: {  	[sflag:s22] =	ssyncadd.s32 s5;
	_ =	sdelay $0x1  }
0xa2: {  	s23 =	simm.s32 $0x1B8B  }
0xa3: {  	_ =	swait.ge [sflag:s23], $0x1  }
0xa4: {  	[sflag:s23] =	ssyncset.done $0x0  }
0xa5: {  	s25 =	simm.s32 $0x1B8E;
	s24 =	sld [smem:$0x3FFE];
	[sflag:s23] =	ssyncadd.s32 $0xFFFFFFFF  }
0xa6: {  	s26 =	simm.s32 $execute0_lowered;
	[smem:$0x3FD2] =	sst s25  }
0xa7: {  	s6 =	sshll.u32 s26, $0x1;
	_ =	strace $0x80000046;
	[dreg:$0x1] =	wrdreg $0xFFFFFFFF  }
0xa8: {  	s28 =	simm.s32 $_size_execute0_lowered;
	s4 =	sadd.s32 s4, s6;
	[dreg:$0x0] =	wrdreg $0x0  }
0xa9: {  	s6 =	sshll.u32 s28, $0x1;
	[dreg:$0x2] =	wrdreg s4  }
0xaa: {  	[dreg:$0x3] =	wrdreg s6  }
0xab: {  	[dreg:$0x4] =	wrdreg $0xC0  }
0xac: {  	_ =	task [dreg:s8], $0x5FFFF  }
0xad: {  	[dreg:$0x1] =	wrdreg $0xFFFFFFFF  }
0xae: {  	[dreg:$0x0] =	wrdreg $0x60  }
0xaf: {  	[dreg:$0x2] =	wrdreg s2  }
0xb0: {  	[dreg:$0x3] =	wrdreg s24  }
0xb1: {  	[dreg:$0x4] =	wrdreg s18  }
0xb2: {  	[dreg:$0x5] =	wrdreg $0x9  }
0xb3: {  	_ =	task.clear_ibuf [dreg:s8], $0x6FFFF;
	_ =	strace $0x90000046  }
0xb4: {  	s29 =	simm.s32 $0x9;
	_ =	strace $0x80000048  }
0xb5: {  	_ =	swait.ge [sflag:s29], $0x1  }
0xb6: {  	[sflag:s29] =	ssyncadd.s32 $0xFFFFFFFF  }
0xb7: {  	_ =	strace $0x90000048  }
0xb8: {  	_ =	sfence  }
0xb9: {  	s30 =	sld [smem:$0x0];
	_ =	sdelay $0x2  }
0xba: {  	s31 =	sshll.u32 s1, $0xD;
	s1 =	sshrl.u32 s1, $0x2  }
0xbb: {  	s3 =	sand.u32 $0x4000, s31;
	s1 =	sadd.s32 s1, s30  }
0xbc: {  	s0 =	sor.u32 s3, s0;
	s1 =	sshll.u32 s1, $0x11  }
0xbd: {  	s0 =	sor.u32 s1, s0  }
0xbe: {  	s0 =	sadd.s32 $0x8F2B, s0  }
0xbf: {  	[sflag:s0] =	ssyncadd.remote.s32 $0x1  }
0xc0: {  	_ =	sfence.sel $0xFFFF  }
0xc1: {  	[dreg:$0x0] =	wrdreg $0xFFFFFFFF;
	(pc) =	sbr.abs _section_cstart, $3  }
0xc2: {  	[dreg:$0x1] =	wrdreg $0xFFFFFFFF  }
0xc3: {  	_ =	task.clear_ibuf [dreg:s8], $0x2FFFF;
	_ =	strace $0x9FFFFFFF  }
0xc4: {  	(tm) =	ssettm $0x7FFFFFFF  }
0xc5: {  	_ =	shalt  }
tec
execute0_lowered:
.L_overlay_start_1:
0x0: {  	(tag) =	ssettag $0x1  }
0x1: {  	s31 =	stileid.u32;
	s0 =	srdreg.scid  }
0x2: {  	s1 =	rddreg [dreg:$0x0];
	s3 =	sand.u32 $0x1, s0;
	s8 =	sshll.u32 s31, $0x1  }
0x3: {  	s6 =	rddreg [dreg:$0x1];
	s7 =	sor.u32 s3, s8  }
0x4: {  	s4 =	rddreg [dreg:$0x2];
	s2 =	simm.s32 $0x0;
	s5 =	sshll.u32 s7, $0x11  }
0x5: {  	[smem:$0x7FF] =	sst s2;
	s9 =	sadd.s32 s1, s5;
	s8 =	sor.u32 $0x1000, s5  }
0x6: {  	_ =	strace $0x80000047;
	[dreg:$0x4] =	wrdreg s9;
	s10 =	sadd.s32 s1, s8  }
0x7: {  	s12 =	sor.u32 $0x2000, s5;
	s11 =	sadd.s32 s4, s8;
	[dreg:$0x5] =	wrdreg s10  }
0x8: {  	s13 =	sadd.s32 s1, s12;
	[dreg:$0x6] =	wrdreg s11  }
0x9: {  	s15 =	sor.u32 $0x3000, s5;
	s14 =	sadd.s32 s4, s12;
	[dreg:$0x7] =	wrdreg s13  }
0xa: {  	s16 =	sadd.s32 s1, s15;
	[dreg:$0x8] =	wrdreg s14  }
0xb: {  	s18 =	sor.u32 $0x4000, s5;
	s17 =	sadd.s32 s4, s15;
	[dreg:$0x9] =	wrdreg s16  }
0xc: {  	s19 =	sadd.s32 s1, s18;
	[dreg:$0xa] =	wrdreg s17  }
0xd: {  	s21 =	sor.u32 $0x5000, s5;
	s20 =	sadd.s32 s4, s18;
	[dreg:$0xb] =	wrdreg s19  }
0xe: {  	s22 =	sadd.s32 s1, s21;
	[dreg:$0xc] =	wrdreg s20  }
0xf: {  	s24 =	sor.u32 $0x6000, s5;
	s23 =	sadd.s32 s4, s21;
	[dreg:$0xd] =	wrdreg s22  }
0x10: {  	s25 =	sadd.s32 s1, s24;
	[dreg:$0xe] =	wrdreg s23  }
0x11: {  	s29 =	sor.u32 $0x7000, s5;
	s26 =	sadd.s32 s4, s24;
	[dreg:$0xf] =	wrdreg s25  }
0x12: {  	s30 =	sadd.s32 s1, s29;
	[dreg:$0x10] =	wrdreg s26  }
0x13: {  	s8 =	sadd.s32 s4, s29;
	s9 =	sor.u32 $0x8000, s5;
	[dreg:$0x11] =	wrdreg s30  }
0x14: {  	[dreg:$0x12] =	wrdreg s8;
	s10 =	sadd.s32 s1, s9  }
0x15: {  	s12 =	sor.u32 $0x9000, s5;
	s11 =	sadd.s32 s4, s9;
	[dreg:$0x13] =	wrdreg s10  }
0x16: {  	s13 =	sadd.s32 s1, s12;
	[dreg:$0x14] =	wrdreg s11  }
0x17: {  	s15 =	sor.u32 $0xA000, s5;
	s14 =	sadd.s32 s4, s12;
	[dreg:$0x15] =	wrdreg s13  }
0x18: {  	s16 =	sadd.s32 s1, s15;
	[dreg:$0x16] =	wrdreg s14  }
0x19: {  	s18 =	sor.u32 $0xB000, s5;
	s17 =	sadd.s32 s4, s15;
	[dreg:$0x17] =	wrdreg s16  }
0x1a: {  	s19 =	sadd.s32 s1, s18;
	[dreg:$0x18] =	wrdreg s17  }
0x1b: {  	s21 =	sor.u32 $0xC000, s5;
	s20 =	sadd.s32 s4, s18;
	[dreg:$0x19] =	wrdreg s19  }
0x1c: {  	s22 =	sadd.s32 s1, s21;
	[dreg:$0x1a] =	wrdreg s20  }
0x1d: {  	s24 =	sor.u32 $0xD000, s5;
	s23 =	sadd.s32 s4, s21;
	[dreg:$0x1b] =	wrdreg s22  }
0x1e: {  	s3 =	ssub.s32 $0x2, s3;
	s25 =	sadd.s32 s1, s24;
	[dreg:$0x1c] =	wrdreg s23  }
0x1f: {  	s29 =	sor.u32 $0xE000, s5;
	s26 =	sadd.s32 s4, s24;
	[dreg:$0x1d] =	wrdreg s25  }
0x20: {  	s30 =	sadd.s32 s1, s29;
	s9 =	sadd.s32 s4, s29;
	[dreg:$0x1e] =	wrdreg s26  }
0x21: {  	s8 =	sor.u32 $0x15000, s5;
	[dreg:$0x1f] =	wrdreg s30;
	s10 =	sor.u32 $0xF000, s5  }
0x22: {  	[smem:$0x7F1] =	sst s9;
	s13 =	sor.u32 $0x10000, s5;
	s11 =	sadd.s32 s1, s10  }
0x23: {  	s16 =	sor.u32 $0x11000, s5;
	s12 =	sadd.s32 s4, s10;
	[smem:$0x7F2] =	sst s11  }
0x24: {  	s9 =	sshrl.u32 s31, $0x2;
	s14 =	sadd.s32 s1, s13;
	[smem:$0x7F3] =	sst s12  }
0x25: {  	s19 =	sor.u32 $0x12000, s5;
	s15 =	sadd.s32 s4, s13;
	[smem:$0x7F4] =	sst s14  }
0x26: {  	s22 =	sor.u32 $0x13000, s5;
	s17 =	sadd.s32 s1, s16;
	[smem:$0x7F5] =	sst s15  }
0x27: {  	s25 =	sor.u32 $0x14000, s5;
	s18 =	sadd.s32 s4, s16;
	[smem:$0x7F6] =	sst s17  }
0x28: {  	s30 =	sshrl.u32 s3, $0x1;
	s20 =	sadd.s32 s1, s19;
	[smem:$0x7F7] =	sst s18  }
0x29: {  	s28 =	sadd.s32 s1, s8;
	s21 =	sadd.s32 s4, s19;
	[smem:$0x7F8] =	sst s20  }
0x2a: {  	s9 =	smul.u32 $0x1800, s9;
	s23 =	sadd.s32 s1, s22;
	[smem:$0x7F9] =	sst s21  }
0x2b: {  	s24 =	sadd.s32 s4, s22;
	s26 =	sadd.s32 s1, s25;
	[smem:$0x7FA] =	sst s23  }
0x2c: {  	s30 =	ssub.s32 s3, s30;
	s10 =	sor.u32 $0x17000, s5;
	[smem:$0x7FB] =	sst s24  }
0x2d: {  	s13 =	sor.u32 $0x1A000, s5;
	s3 =	sor.u32 $0x1C000, s5;
	[smem:$0x7FC] =	sst s26  }
0x2e: {  	s26 =	sadd.s32 s4, s8;
	s23 =	sadd.s32 s1, s10;
	s22 =	sadd.s32 s4, s10  }
0x2f: {  	s11 =	sor.u32 $0x18000, s5;
	s12 =	sor.u32 $0x19000, s5;
	s17 =	sadd.s32 s1, s13  }
0x30: {  	s16 =	sadd.s32 s4, s13;
	s14 =	sor.u32 $0x1B000, s5;
	s13 =	sadd.s32 s1, s3  }
0x31: {  	s8 =	sor.u32 $0x1E000, s5;
	s29 =	sadd.s32 s9, s6;
	s6 =	sadd.s32 s4, s25  }
0x32: {  	s9 =	sor.u32 $0x16000, s5;
	s21 =	sadd.s32 s1, s11;
	s20 =	sadd.s32 s4, s11  }
0x33: {  	s19 =	sadd.s32 s1, s12;
	s18 =	sadd.s32 s4, s12;
	s15 =	sadd.s32 s1, s14  }
0x34: {  	s12 =	sadd.s32 s4, s3;
	s3 =	sadd.s32 s4, s5;
	s10 =	sadd.s32 s1, s8  }
0x35: {  	[smem:$0x7FD] =	sst s6;
	s25 =	sadd.s32 s1, s9;
	s6 =	sor.u32 $0x1D000, s5  }
0x36: {  	s24 =	sadd.s32 s4, s9;
	s5 =	sor.u32 $0x1F000, s5;
	s11 =	sadd.s32 s1, s6  }
0x37: {  	s9 =	sadd.s32 s4, s6;
	s6 =	sadd.s32 s1, s5;
	s1 =	smax.u32 s30, $0x1  }
0x38: {  	s1 =	sadd.s32 $0xFFFFFFFF, s1  }
0x39: {  	p2 =	sne.s32 s1, $0x0  }
.Ltmp0:
0x3a: {  	_ = 	snop;
	(pc) =	sbr.rel @!p2 .LBB2_1-.Ltmp0, $4  }
0x3b: {  	_ = 	snop  }
0x3c: {  	p1 =	por $0x0, $0x0;
	s0 =	rddreg [dreg:$0x4];
	s14 =	sadd.s32 s4, s14  }
0x3d: {  	s8 =	sadd.s32 s4, s8;
	s5 =	sadd.s32 s4, s5;
	s30 =	sand.u32 $0x7, s7  }
0x3e: {  	s4 =	sadd.s32 $0x1E00, s29;
	s7 =	simm.s32 $0x1;
	p0 =	sne.s32 s30, $0x0  }
0x3f: {  	[tilespmem:s2], [sflag:$0x1] =	stream.linear.gather [hbm4b:s0+s2], $0x8000, $0x38;
	[tilespmem:$0x14000] =	vst v63  }
0x40: {  	_ =	swait.ge [sflag:s7], $0x8000  }
0x41: {  	[sflag:s7] =	ssyncset.done $0x0  }
0x42: {  	[sflag:s7] =	ssyncadd.s32 $0xFFFF8000  }
0x43: {  	[hbm4b:s3+s2] =	stream.linear.scatter [tilespmem:s2], [sflag:$0x1], $0x8000, $0x38;
	[tilespmem:$0x14000] =	vst v63  }
0x44: {  	_ =	swait.ge [sflag:s7], $0x8000  }
0x45: {  	[sflag:s7] =	ssyncset.done $0x0  }
0x46: {  	s0 =	rddreg [dreg:$0x5];
	[sflag:s7] =	ssyncadd.s32 $0xFFFF8000  }
0x47: {  	[tilespmem:s2], [sflag:$0x1] =	stream.linear.gather [hbm4b:s0+s2], $0x8000, $0x38;
	[tilespmem:$0x14000] =	vst v63  }
0x48: {  	_ =	swait.ge [sflag:s7], $0x8000  }
0x49: {  	[sflag:s7] =	ssyncset.done $0x0  }
0x4a: {  	s0 =	rddreg [dreg:$0x6];
	[sflag:s7] =	ssyncadd.s32 $0xFFFF8000  }
0x4b: {  	[hbm4b:s0+s2] =	stream.linear.scatter [tilespmem:s2], [sflag:$0x1], $0x8000, $0x38;
	[tilespmem:$0x14000] =	vst v63  }
0x4c: {  	_ =	swait.ge [sflag:s7], $0x8000  }
0x4d: {  	[sflag:s7] =	ssyncset.done $0x0  }
0x4e: {  	s0 =	rddreg [dreg:$0x7];
	[sflag:s7] =	ssyncadd.s32 $0xFFFF8000  }
0x4f: {  	[tilespmem:s2], [sflag:$0x1] =	stream.linear.gather [hbm4b:s0+s2], $0x8000, $0x38;
	[tilespmem:$0x14000] =	vst v63  }
0x50: {  	_ =	swait.ge [sflag:s7], $0x8000  }
0x51: {  	[sflag:s7] =	ssyncset.done $0x0  }
0x52: {  	s0 =	rddreg [dreg:$0x8];
	[sflag:s7] =	ssyncadd.s32 $0xFFFF8000  }
0x53: {  	[hbm4b:s0+s2] =	stream.linear.scatter [tilespmem:s2], [sflag:$0x1], $0x8000, $0x38;
	[tilespmem:$0x14000] =	vst v63  }
0x54: {  	_ =	swait.ge [sflag:s7], $0x8000  }
0x55: {  	[sflag:s7] =	ssyncset.done $0x0  }
0x56: {  	s0 =	rddreg [dreg:$0x9];
	[sflag:s7] =	ssyncadd.s32 $0xFFFF8000  }
0x57: {  	[tilespmem:s2], [sflag:$0x1] =	stream.linear.gather [hbm4b:s0+s2], $0x8000, $0x38;
	[tilespmem:$0x14000] =	vst v63  }
0x58: {  	_ =	swait.ge [sflag:s7], $0x8000  }
0x59: {  	[sflag:s7] =	ssyncset.done $0x0  }
0x5a: {  	s0 =	rddreg [dreg:$0xa];
	[sflag:s7] =	ssyncadd.s32 $0xFFFF8000  }
0x5b: {  	[hbm4b:s0+s2] =	stream.linear.scatter [tilespmem:s2], [sflag:$0x1], $0x8000, $0x38;
	[tilespmem:$0x14000] =	vst v63  }
0x5c: {  	_ =	swait.ge [sflag:s7], $0x8000  }
0x5d: {  	[sflag:s7] =	ssyncset.done $0x0  }
0x5e: {  	s0 =	rddreg [dreg:$0xb];
	[sflag:s7] =	ssyncadd.s32 $0xFFFF8000  }
0x5f: {  	[tilespmem:s2], [sflag:$0x1] =	stream.linear.gather [hbm4b:s0+s2], $0x8000, $0x38;
	[tilespmem:$0x14000] =	vst v63  }
0x60: {  	_ =	swait.ge [sflag:s7], $0x8000  }
0x61: {  	[sflag:s7] =	ssyncset.done $0x0  }
0x62: {  	s0 =	rddreg [dreg:$0xc];
	[sflag:s7] =	ssyncadd.s32 $0xFFFF8000  }
0x63: {  	[hbm4b:s0+s2] =	stream.linear.scatter [tilespmem:s2], [sflag:$0x1], $0x8000, $0x38;
	[tilespmem:$0x14000] =	vst v63  }
0x64: {  	_ =	swait.ge [sflag:s7], $0x8000  }
0x65: {  	[sflag:s7] =	ssyncset.done $0x0  }
0x66: {  	s0 =	rddreg [dreg:$0xd];
	[sflag:s7] =	ssyncadd.s32 $0xFFFF8000  }
0x67: {  	[tilespmem:s2], [sflag:$0x1] =	stream.linear.gather [hbm4b:s0+s2], $0x8000, $0x38;
	[tilespmem:$0x14000] =	vst v63  }
0x68: {  	_ =	swait.ge [sflag:s7], $0x8000  }
0x69: {  	[sflag:s7] =	ssyncset.done $0x0  }
0x6a: {  	s0 =	rddreg [dreg:$0xe];
	[sflag:s7] =	ssyncadd.s32 $0xFFFF8000  }
0x6b: {  	[hbm4b:s0+s2] =	stream.linear.scatter [tilespmem:s2], [sflag:$0x1], $0x8000, $0x38;
	[tilespmem:$0x14000] =	vst v63  }
0x6c: {  	_ =	swait.ge [sflag:s7], $0x8000  }
0x6d: {  	[sflag:s7] =	ssyncset.done $0x0  }
0x6e: {  	s0 =	rddreg [dreg:$0xf];
	[sflag:s7] =	ssyncadd.s32 $0xFFFF8000  }
0x6f: {  	[tilespmem:s2], [sflag:$0x1] =	stream.linear.gather [hbm4b:s0+s2], $0x8000, $0x38;
	[tilespmem:$0x14000] =	vst v63  }
0x70: {  	_ =	swait.ge [sflag:s7], $0x8000  }
0x71: {  	[sflag:s7] =	ssyncset.done $0x0  }
0x72: {  	s0 =	rddreg [dreg:$0x10];
	[sflag:s7] =	ssyncadd.s32 $0xFFFF8000  }
0x73: {  	[hbm4b:s0+s2] =	stream.linear.scatter [tilespmem:s2], [sflag:$0x1], $0x8000, $0x38;
	[tilespmem:$0x14000] =	vst v63  }
0x74: {  	_ =	swait.ge [sflag:s7], $0x8000  }
0x75: {  	[sflag:s7] =	ssyncset.done $0x0  }
0x76: {  	s0 =	rddreg [dreg:$0x11];
	[sflag:s7] =	ssyncadd.s32 $0xFFFF8000  }
0x77: {  	[tilespmem:s2], [sflag:$0x1] =	stream.linear.gather [hbm4b:s0+s2], $0x8000, $0x38;
	[tilespmem:$0x14000] =	vst v63  }
0x78: {  	_ =	swait.ge [sflag:s7], $0x8000  }
0x79: {  	[sflag:s7] =	ssyncset.done $0x0  }
0x7a: {  	s0 =	rddreg [dreg:$0x12];
	[sflag:s7] =	ssyncadd.s32 $0xFFFF8000  }
0x7b: {  	[hbm4b:s0+s2] =	stream.linear.scatter [tilespmem:s2], [sflag:$0x1], $0x8000, $0x38;
	[tilespmem:$0x14000] =	vst v63  }
0x7c: {  	_ =	swait.ge [sflag:s7], $0x8000  }
0x7d: {  	[sflag:s7] =	ssyncset.done $0x0  }
0x7e: {  	s0 =	rddreg [dreg:$0x13];
	[sflag:s7] =	ssyncadd.s32 $0xFFFF8000  }
0x7f: {  	[tilespmem:s2], [sflag:$0x1] =	stream.linear.gather [hbm4b:s0+s2], $0x8000, $0x38;
	[tilespmem:$0x14000] =	vst v63  }
0x80: {  	_ =	swait.ge [sflag:s7], $0x8000  }
0x81: {  	[sflag:s7] =	ssyncset.done $0x0  }
0x82: {  	s0 =	rddreg [dreg:$0x14];
	[sflag:s7] =	ssyncadd.s32 $0xFFFF8000  }
0x83: {  	[hbm4b:s0+s2] =	stream.linear.scatter [tilespmem:s2], [sflag:$0x1], $0x8000, $0x38;
	[tilespmem:$0x14000] =	vst v63  }
0x84: {  	_ =	swait.ge [sflag:s7], $0x8000  }
0x85: {  	[sflag:s7] =	ssyncset.done $0x0  }
0x86: {  	s0 =	rddreg [dreg:$0x15];
	[sflag:s7] =	ssyncadd.s32 $0xFFFF8000  }
0x87: {  	[tilespmem:s2], [sflag:$0x1] =	stream.linear.gather [hbm4b:s0+s2], $0x8000, $0x38;
	[tilespmem:$0x14000] =	vst v63  }
0x88: {  	_ =	swait.ge [sflag:s7], $0x8000  }
0x89: {  	[sflag:s7] =	ssyncset.done $0x0  }
0x8a: {  	s0 =	rddreg [dreg:$0x16];
	[sflag:s7] =	ssyncadd.s32 $0xFFFF8000  }
0x8b: {  	[hbm4b:s0+s2] =	stream.linear.scatter [tilespmem:s2], [sflag:$0x1], $0x8000, $0x38;
	[tilespmem:$0x14000] =	vst v63  }
0x8c: {  	_ =	swait.ge [sflag:s7], $0x8000  }
0x8d: {  	[sflag:s7] =	ssyncset.done $0x0  }
0x8e: {  	s0 =	rddreg [dreg:$0x17];
	[sflag:s7] =	ssyncadd.s32 $0xFFFF8000  }
0x8f: {  	[tilespmem:s2], [sflag:$0x1] =	stream.linear.gather [hbm4b:s0+s2], $0x8000, $0x38;
	[tilespmem:$0x14000] =	vst v63  }
0x90: {  	_ =	swait.ge [sflag:s7], $0x8000  }
0x91: {  	[sflag:s7] =	ssyncset.done $0x0  }
0x92: {  	s0 =	rddreg [dreg:$0x18];
	[sflag:s7] =	ssyncadd.s32 $0xFFFF8000  }
0x93: {  	[hbm4b:s0+s2] =	stream.linear.scatter [tilespmem:s2], [sflag:$0x1], $0x8000, $0x38;
	[tilespmem:$0x14000] =	vst v63  }
0x94: {  	_ =	swait.ge [sflag:s7], $0x8000  }
0x95: {  	[sflag:s7] =	ssyncset.done $0x0  }
0x96: {  	s0 =	rddreg [dreg:$0x19];
	[sflag:s7] =	ssyncadd.s32 $0xFFFF8000  }
0x97: {  	[tilespmem:s2], [sflag:$0x1] =	stream.linear.gather [hbm4b:s0+s2], $0x8000, $0x38;
	[tilespmem:$0x14000] =	vst v63  }
0x98: {  	_ =	swait.ge [sflag:s7], $0x8000  }
0x99: {  	[sflag:s7] =	ssyncset.done $0x0  }
0x9a: {  	s0 =	rddreg [dreg:$0x1a];
	[sflag:s7] =	ssyncadd.s32 $0xFFFF8000  }
0x9b: {  	[hbm4b:s0+s2] =	stream.linear.scatter [tilespmem:s2], [sflag:$0x1], $0x8000, $0x38;
	[tilespmem:$0x14000] =	vst v63  }
0x9c: {  	_ =	swait.ge [sflag:s7], $0x8000  }
0x9d: {  	[sflag:s7] =	ssyncset.done $0x0  }
0x9e: {  	s0 =	rddreg [dreg:$0x1b];
	[sflag:s7] =	ssyncadd.s32 $0xFFFF8000  }
0x9f: {  	[tilespmem:s2], [sflag:$0x1] =	stream.linear.gather [hbm4b:s0+s2], $0x8000, $0x38;
	[tilespmem:$0x14000] =	vst v63  }
0xa0: {  	_ =	swait.ge [sflag:s7], $0x8000  }
0xa1: {  	[sflag:s7] =	ssyncset.done $0x0  }
0xa2: {  	s0 =	rddreg [dreg:$0x1c];
	[sflag:s7] =	ssyncadd.s32 $0xFFFF8000  }
0xa3: {  	[hbm4b:s0+s2] =	stream.linear.scatter [tilespmem:s2], [sflag:$0x1], $0x8000, $0x38;
	[tilespmem:$0x14000] =	vst v63  }
0xa4: {  	_ =	swait.ge [sflag:s7], $0x8000  }
0xa5: {  	[sflag:s7] =	ssyncset.done $0x0  }
0xa6: {  	s0 =	rddreg [dreg:$0x1d];
	[sflag:s7] =	ssyncadd.s32 $0xFFFF8000  }
0xa7: {  	[tilespmem:s2], [sflag:$0x1] =	stream.linear.gather [hbm4b:s0+s2], $0x8000, $0x38;
	[tilespmem:$0x14000] =	vst v63  }
0xa8: {  	_ =	swait.ge [sflag:s7], $0x8000  }
0xa9: {  	[sflag:s7] =	ssyncset.done $0x0  }
0xaa: {  	s0 =	rddreg [dreg:$0x1e];
	[sflag:s7] =	ssyncadd.s32 $0xFFFF8000  }
0xab: {  	[hbm4b:s0+s2] =	stream.linear.scatter [tilespmem:s2], [sflag:$0x1], $0x8000, $0x38;
	[tilespmem:$0x14000] =	vst v63  }
0xac: {  	_ =	swait.ge [sflag:s7], $0x8000  }
0xad: {  	[sflag:s7] =	ssyncset.done $0x0  }
0xae: {  	s0 =	rddreg [dreg:$0x1f];
	[sflag:s7] =	ssyncadd.s32 $0xFFFF8000  }
0xaf: {  	[tilespmem:s2], [sflag:$0x1] =	stream.linear.gather [hbm4b:s0+s2], $0x8000, $0x38;
	[tilespmem:$0x14000] =	vst v63  }
0xb0: {  	_ =	swait.ge [sflag:s7], $0x8000  }
0xb1: {  	s0 =	sld [smem:$0x7F1]  }
0xb2: {  	[sflag:s7] =	ssyncset.done $0x0  }
0xb3: {  	[sflag:s7] =	ssyncadd.s32 $0xFFFF8000  }
0xb4: {  	[hbm4b:s0+s2] =	stream.linear.scatter [tilespmem:s2], [sflag:$0x1], $0x8000, $0x38;
	[tilespmem:$0x14000] =	vst v63  }
0xb5: {  	_ =	swait.ge [sflag:s7], $0x8000  }
0xb6: {  	s0 =	sld [smem:$0x7F2]  }
0xb7: {  	[sflag:s7] =	ssyncset.done $0x0  }
0xb8: {  	[sflag:s7] =	ssyncadd.s32 $0xFFFF8000  }
0xb9: {  	[tilespmem:s2], [sflag:$0x1] =	stream.linear.gather [hbm4b:s0+s2], $0x8000, $0x38;
	[tilespmem:$0x14000] =	vst v63  }
0xba: {  	_ =	swait.ge [sflag:s7], $0x8000  }
0xbb: {  	s0 =	sld [smem:$0x7F3]  }
0xbc: {  	[sflag:s7] =	ssyncset.done $0x0  }
0xbd: {  	[sflag:s7] =	ssyncadd.s32 $0xFFFF8000  }
0xbe: {  	[hbm4b:s0+s2] =	stream.linear.scatter [tilespmem:s2], [sflag:$0x1], $0x8000, $0x38;
	[tilespmem:$0x14000] =	vst v63  }
0xbf: {  	_ =	swait.ge [sflag:s7], $0x8000  }
0xc0: {  	s0 =	sld [smem:$0x7F4]  }
0xc1: {  	[sflag:s7] =	ssyncset.done $0x0  }
0xc2: {  	[sflag:s7] =	ssyncadd.s32 $0xFFFF8000  }
0xc3: {  	[tilespmem:s2], [sflag:$0x1] =	stream.linear.gather [hbm4b:s0+s2], $0x8000, $0x38;
	[tilespmem:$0x14000] =	vst v63  }
0xc4: {  	_ =	swait.ge [sflag:s7], $0x8000  }
0xc5: {  	s0 =	sld [smem:$0x7F5]  }
0xc6: {  	[sflag:s7] =	ssyncset.done $0x0  }
0xc7: {  	[sflag:s7] =	ssyncadd.s32 $0xFFFF8000  }
0xc8: {  	[hbm4b:s0+s2] =	stream.linear.scatter [tilespmem:s2], [sflag:$0x1], $0x8000, $0x38;
	[tilespmem:$0x14000] =	vst v63  }
0xc9: {  	_ =	swait.ge [sflag:s7], $0x8000  }
0xca: {  	s0 =	sld [smem:$0x7F6]  }
0xcb: {  	[sflag:s7] =	ssyncset.done $0x0  }
0xcc: {  	[sflag:s7] =	ssyncadd.s32 $0xFFFF8000  }
0xcd: {  	[tilespmem:s2], [sflag:$0x1] =	stream.linear.gather [hbm4b:s0+s2], $0x8000, $0x38;
	[tilespmem:$0x14000] =	vst v63  }
0xce: {  	_ =	swait.ge [sflag:s7], $0x8000  }
0xcf: {  	s0 =	sld [smem:$0x7F7]  }
0xd0: {  	[sflag:s7] =	ssyncset.done $0x0  }
0xd1: {  	[sflag:s7] =	ssyncadd.s32 $0xFFFF8000  }
0xd2: {  	[hbm4b:s0+s2] =	stream.linear.scatter [tilespmem:s2], [sflag:$0x1], $0x8000, $0x38;
	[tilespmem:$0x14000] =	vst v63  }
0xd3: {  	_ =	swait.ge [sflag:s7], $0x8000  }
0xd4: {  	s0 =	sld [smem:$0x7F8]  }
0xd5: {  	[sflag:s7] =	ssyncset.done $0x0  }
0xd6: {  	[sflag:s7] =	ssyncadd.s32 $0xFFFF8000  }
0xd7: {  	[tilespmem:s2], [sflag:$0x1] =	stream.linear.gather [hbm4b:s0+s2], $0x8000, $0x38;
	[tilespmem:$0x14000] =	vst v63  }
0xd8: {  	_ =	swait.ge [sflag:s7], $0x8000  }
0xd9: {  	s0 =	sld [smem:$0x7F9]  }
0xda: {  	[sflag:s7] =	ssyncset.done $0x0  }
0xdb: {  	[sflag:s7] =	ssyncadd.s32 $0xFFFF8000  }
0xdc: {  	[hbm4b:s0+s2] =	stream.linear.scatter [tilespmem:s2], [sflag:$0x1], $0x8000, $0x38;
	[tilespmem:$0x14000] =	vst v63  }
0xdd: {  	_ =	swait.ge [sflag:s7], $0x8000  }
0xde: {  	s0 =	sld [smem:$0x7FA]  }
0xdf: {  	[sflag:s7] =	ssyncset.done $0x0  }
0xe0: {  	[sflag:s7] =	ssyncadd.s32 $0xFFFF8000  }
0xe1: {  	[tilespmem:s2], [sflag:$0x1] =	stream.linear.gather [hbm4b:s0+s2], $0x8000, $0x38;
	[tilespmem:$0x14000] =	vst v63  }
0xe2: {  	_ =	swait.ge [sflag:s7], $0x8000  }
0xe3: {  	s0 =	sld [smem:$0x7FB]  }
0xe4: {  	[sflag:s7] =	ssyncset.done $0x0  }
0xe5: {  	[sflag:s7] =	ssyncadd.s32 $0xFFFF8000  }
0xe6: {  	[hbm4b:s0+s2] =	stream.linear.scatter [tilespmem:s2], [sflag:$0x1], $0x8000, $0x38;
	[tilespmem:$0x14000] =	vst v63  }
0xe7: {  	_ =	swait.ge [sflag:s7], $0x8000  }
0xe8: {  	s0 =	sld [smem:$0x7FC]  }
0xe9: {  	[sflag:s7] =	ssyncset.done $0x0  }
0xea: {  	[sflag:s7] =	ssyncadd.s32 $0xFFFF8000  }
0xeb: {  	[tilespmem:s2], [sflag:$0x1] =	stream.linear.gather [hbm4b:s0+s2], $0x8000, $0x38;
	[tilespmem:$0x14000] =	vst v63  }
0xec: {  	_ =	swait.ge [sflag:s7], $0x8000  }
0xed: {  	s0 =	sld [smem:$0x7FD]  }
0xee: {  	[sflag:s7] =	ssyncset.done $0x0  }
0xef: {  	[sflag:s7] =	ssyncadd.s32 $0xFFFF8000  }
0xf0: {  	[hbm4b:s0+s2] =	stream.linear.scatter [tilespmem:s2], [sflag:$0x1], $0x8000, $0x38;
	[tilespmem:$0x14000] =	vst v63  }
0xf1: {  	_ =	swait.ge [sflag:s7], $0x8000  }
0xf2: {  	[sflag:s7] =	ssyncset.done $0x0  }
0xf3: {  	[sflag:s7] =	ssyncadd.s32 $0xFFFF8000  }
0xf4: {  	[tilespmem:s2], [sflag:$0x1] =	stream.linear.gather [hbm4b:s28+s2], $0x8000, $0x38;
	[tilespmem:$0x14000] =	vst v63  }
0xf5: {  	_ =	swait.ge [sflag:s7], $0x8000  }
0xf6: {  	[sflag:s7] =	ssyncset.done $0x0  }
0xf7: {  	[sflag:s7] =	ssyncadd.s32 $0xFFFF8000  }
0xf8: {  	[hbm4b:s26+s2] =	stream.linear.scatter [tilespmem:s2], [sflag:$0x1], $0x8000, $0x38;
	[tilespmem:$0x14000] =	vst v63  }
0xf9: {  	_ =	swait.ge [sflag:s7], $0x8000  }
0xfa: {  	[sflag:s7] =	ssyncset.done $0x0  }
0xfb: {  	[sflag:s7] =	ssyncadd.s32 $0xFFFF8000  }
0xfc: {  	[tilespmem:s2], [sflag:$0x1] =	stream.linear.gather [hbm4b:s25+s2], $0x8000, $0x38;
	[tilespmem:$0x14000] =	vst v63  }
0xfd: {  	_ =	swait.ge [sflag:s7], $0x8000  }
0xfe: {  	[sflag:s7] =	ssyncset.done $0x0  }
0xff: {  	[sflag:s7] =	ssyncadd.s32 $0xFFFF8000  }
0x100: {  	[hbm4b:s24+s2] =	stream.linear.scatter [tilespmem:s2], [sflag:$0x1], $0x8000, $0x38;
	[tilespmem:$0x14000] =	vst v63  }
0x101: {  	_ =	swait.ge [sflag:s7], $0x8000  }
0x102: {  	[sflag:s7] =	ssyncset.done $0x0  }
0x103: {  	[sflag:s7] =	ssyncadd.s32 $0xFFFF8000  }
0x104: {  	[tilespmem:s2], [sflag:$0x1] =	stream.linear.gather [hbm4b:s23+s2], $0x8000, $0x38;
	[tilespmem:$0x14000] =	vst v63  }
0x105: {  	_ =	swait.ge [sflag:s7], $0x8000  }
0x106: {  	[sflag:s7] =	ssyncset.done $0x0  }
0x107: {  	[sflag:s7] =	ssyncadd.s32 $0xFFFF8000  }
0x108: {  	[hbm4b:s22+s2] =	stream.linear.scatter [tilespmem:s2], [sflag:$0x1], $0x8000, $0x38;
	[tilespmem:$0x14000] =	vst v63  }
0x109: {  	_ =	swait.ge [sflag:s7], $0x8000  }
0x10a: {  	[sflag:s7] =	ssyncset.done $0x0  }
0x10b: {  	[sflag:s7] =	ssyncadd.s32 $0xFFFF8000  }
0x10c: {  	[tilespmem:s2], [sflag:$0x1] =	stream.linear.gather [hbm4b:s21+s2], $0x8000, $0x38;
	[tilespmem:$0x14000] =	vst v63  }
0x10d: {  	_ =	swait.ge [sflag:s7], $0x8000  }
0x10e: {  	[sflag:s7] =	ssyncset.done $0x0  }
0x10f: {  	[sflag:s7] =	ssyncadd.s32 $0xFFFF8000  }
0x110: {  	[hbm4b:s20+s2] =	stream.linear.scatter [tilespmem:s2], [sflag:$0x1], $0x8000, $0x38;
	[tilespmem:$0x14000] =	vst v63  }
0x111: {  	_ =	swait.ge [sflag:s7], $0x8000  }
0x112: {  	[sflag:s7] =	ssyncset.done $0x0  }
0x113: {  	[sflag:s7] =	ssyncadd.s32 $0xFFFF8000  }
0x114: {  	[tilespmem:s2], [sflag:$0x1] =	stream.linear.gather [hbm4b:s19+s2], $0x8000, $0x38;
	[tilespmem:$0x14000] =	vst v63  }
0x115: {  	_ =	swait.ge [sflag:s7], $0x8000  }
0x116: {  	[sflag:s7] =	ssyncset.done $0x0  }
0x117: {  	[sflag:s7] =	ssyncadd.s32 $0xFFFF8000  }
0x118: {  	[hbm4b:s18+s2] =	stream.linear.scatter [tilespmem:s2], [sflag:$0x1], $0x8000, $0x38;
	[tilespmem:$0x14000] =	vst v63  }
0x119: {  	_ =	swait.ge [sflag:s7], $0x8000  }
0x11a: {  	[sflag:s7] =	ssyncset.done $0x0  }
0x11b: {  	[sflag:s7] =	ssyncadd.s32 $0xFFFF8000  }
0x11c: {  	[tilespmem:s2], [sflag:$0x1] =	stream.linear.gather [hbm4b:s17+s2], $0x8000, $0x38;
	[tilespmem:$0x14000] =	vst v63  }
0x11d: {  	_ =	swait.ge [sflag:s7], $0x8000  }
0x11e: {  	[sflag:s7] =	ssyncset.done $0x0  }
0x11f: {  	[sflag:s7] =	ssyncadd.s32 $0xFFFF8000  }
0x120: {  	[hbm4b:s16+s2] =	stream.linear.scatter [tilespmem:s2], [sflag:$0x1], $0x8000, $0x38;
	[tilespmem:$0x14000] =	vst v63  }
0x121: {  	_ =	swait.ge [sflag:s7], $0x8000  }
0x122: {  	[sflag:s7] =	ssyncset.done $0x0  }
0x123: {  	[sflag:s7] =	ssyncadd.s32 $0xFFFF8000  }
0x124: {  	[tilespmem:s2], [sflag:$0x1] =	stream.linear.gather [hbm4b:s15+s2], $0x8000, $0x38;
	[tilespmem:$0x14000] =	vst v63  }
0x125: {  	_ =	swait.ge [sflag:s7], $0x8000  }
0x126: {  	[sflag:s7] =	ssyncset.done $0x0  }
0x127: {  	[sflag:s7] =	ssyncadd.s32 $0xFFFF8000  }
0x128: {  	[hbm4b:s14+s2] =	stream.linear.scatter [tilespmem:s2], [sflag:$0x1], $0x8000, $0x38;
	[tilespmem:$0x14000] =	vst v63  }
0x129: {  	_ =	swait.ge [sflag:s7], $0x8000  }
0x12a: {  	[sflag:s7] =	ssyncset.done $0x0  }
0x12b: {  	[sflag:s7] =	ssyncadd.s32 $0xFFFF8000  }
0x12c: {  	[tilespmem:s2], [sflag:$0x1] =	stream.linear.gather [hbm4b:s13+s2], $0x8000, $0x38;
	[tilespmem:$0x14000] =	vst v63  }
0x12d: {  	_ =	swait.ge [sflag:s7], $0x8000  }
0x12e: {  	[sflag:s7] =	ssyncset.done $0x0  }
0x12f: {  	[sflag:s7] =	ssyncadd.s32 $0xFFFF8000  }
0x130: {  	[hbm4b:s12+s2] =	stream.linear.scatter [tilespmem:s2], [sflag:$0x1], $0x8000, $0x38;
	[tilespmem:$0x14000] =	vst v63  }
0x131: {  	_ =	swait.ge [sflag:s7], $0x8000  }
0x132: {  	[sflag:s7] =	ssyncset.done $0x0  }
0x133: {  	[sflag:s7] =	ssyncadd.s32 $0xFFFF8000  }
0x134: {  	[tilespmem:s2], [sflag:$0x1] =	stream.linear.gather [hbm4b:s11+s2], $0x8000, $0x38;
	[tilespmem:$0x14000] =	vst v63  }
0x135: {  	_ =	swait.ge [sflag:s7], $0x8000  }
0x136: {  	[sflag:s7] =	ssyncset.done $0x0  }
0x137: {  	[sflag:s7] =	ssyncadd.s32 $0xFFFF8000  }
0x138: {  	[hbm4b:s9+s2] =	stream.linear.scatter [tilespmem:s2], [sflag:$0x1], $0x8000, $0x38;
	[tilespmem:$0x14000] =	vst v63  }
0x139: {  	_ =	swait.ge [sflag:s7], $0x8000  }
0x13a: {  	[sflag:s7] =	ssyncset.done $0x0  }
0x13b: {  	[sflag:s7] =	ssyncadd.s32 $0xFFFF8000  }
0x13c: {  	[tilespmem:s2], [sflag:$0x1] =	stream.linear.gather [hbm4b:s10+s2], $0x8000, $0x38;
	[tilespmem:$0x14000] =	vst v63  }
0x13d: {  	_ =	swait.ge [sflag:s7], $0x8000  }
0x13e: {  	[sflag:s7] =	ssyncset.done $0x0  }
0x13f: {  	[sflag:s7] =	ssyncadd.s32 $0xFFFF8000  }
0x140: {  	[hbm4b:s8+s2] =	stream.linear.scatter [tilespmem:s2], [sflag:$0x1], $0x8000, $0x38;
	[tilespmem:$0x14000] =	vst v63  }
0x141: {  	_ =	swait.ge [sflag:s7], $0x8000  }
0x142: {  	[sflag:s7] =	ssyncset.done $0x0  }
0x143: {  	[sflag:s7] =	ssyncadd.s32 $0xFFFF8000  }
0x144: {  	[tilespmem:s2], [sflag:$0x1] =	stream.linear.gather [hbm4b:s6+s2], $0x8000, $0x38;
	[tilespmem:$0x14000] =	vst v63  }
0x145: {  	_ =	swait.ge [sflag:s7], $0x8000  }
0x146: {  	[sflag:s7] =	ssyncset.done $0x0  }
0x147: {  	[sflag:s7] =	ssyncadd.s32 $0xFFFF8000  }
0x148: {  	[hbm4b:s5+s2] =	stream.linear.scatter [tilespmem:s2], [sflag:$0x1], $0x8000, $0x38;
	[tilespmem:$0x14000] =	vst v63  }
0x149: {  	_ =	swait.ge [sflag:s7], $0x8000  }
0x14a: {  	s29 =	simm.s32 @!p0 $0x1;
	s30 =	simm.s32 @!p0 $0x0;
	[sflag:s7] =	ssyncset.done $0x0  }
0x14b: {  	s31 =	simm.s32 @!p0 $0x8000;
	s1 =	sadd.s32 $0xFFFFFFFF, s1;
	[sflag:s7] =	ssyncadd.s32 $0xFFFF8000  }
0x14c: {  	[tilespmem:s31], [sflag:$0x1] =	stream.linear.gather @!p0 [hbm4b:s4+s30], $0xC000, $0x38;
	[tilespmem:$0x14000] =	vst v63  }
0x14d: {  	p2 =	sne.s32 s1, $0x0;
	_ =	swait.ge @!p0 [sflag:s29], $0xC000  }
.Ltmp1:
0x14e: {  	[sflag:s29] =	ssyncset.done @!p0 $0x0;
	(pc) =	sbr.rel @!p2 .LBB2_3-.Ltmp1, $4  }
0x14f: {  	[sflag:s29] =	ssyncadd.s32 @!p0 $0xFFFF4000  }
0x150: {  	[hbm4b:s3+s30] =	stream.linear.scatter @!p0 [tilespmem:s31], [sflag:$0x1], $0xC000, $0x38;
	[tilespmem:$0x14000] =	vst v63  }
0x151: {  	_ =	swait.ge @!p0 [sflag:s29], $0xC000  }
0x152: {  	p1 =	por $0x1, $0x1;
	s0 =	rddreg [dreg:$0x4];
	[sflag:s29] =	ssyncset.done @!p0 $0x0  }
.LBB2_4:
0x153: {  	[sflag:s29] =	ssyncadd.s32 @!p0 $0xFFFF4000  }
0x154: {  	[tilespmem:s2], [sflag:$0x1] =	stream.linear.gather [hbm4b:s0+s2], $0x8000, $0x38;
	[tilespmem:$0x14000] =	vst v63  }
0x155: {  	_ =	swait.ge [sflag:s7], $0x8000  }
0x156: {  	[sflag:s7] =	ssyncset.done $0x0  }
0x157: {  	[sflag:s7] =	ssyncadd.s32 $0xFFFF8000  }
0x158: {  	[hbm4b:s3+s2] =	stream.linear.scatter [tilespmem:s2], [sflag:$0x1], $0x8000, $0x38;
	[tilespmem:$0x14000] =	vst v63  }
0x159: {  	_ =	swait.ge [sflag:s7], $0x8000  }
0x15a: {  	[sflag:s7] =	ssyncset.done $0x0  }
0x15b: {  	s0 =	rddreg [dreg:$0x5];
	[sflag:s7] =	ssyncadd.s32 $0xFFFF8000  }
0x15c: {  	[tilespmem:s2], [sflag:$0x1] =	stream.linear.gather [hbm4b:s0+s2], $0x8000, $0x38;
	[tilespmem:$0x14000] =	vst v63  }
0x15d: {  	_ =	swait.ge [sflag:s7], $0x8000  }
0x15e: {  	[sflag:s7] =	ssyncset.done $0x0  }
0x15f: {  	s0 =	rddreg [dreg:$0x6];
	[sflag:s7] =	ssyncadd.s32 $0xFFFF8000  }
0x160: {  	[hbm4b:s0+s2] =	stream.linear.scatter [tilespmem:s2], [sflag:$0x1], $0x8000, $0x38;
	[tilespmem:$0x14000] =	vst v63  }
0x161: {  	_ =	swait.ge [sflag:s7], $0x8000  }
0x162: {  	[sflag:s7] =	ssyncset.done $0x0  }
0x163: {  	s0 =	rddreg [dreg:$0x7];
	[sflag:s7] =	ssyncadd.s32 $0xFFFF8000  }
0x164: {  	[tilespmem:s2], [sflag:$0x1] =	stream.linear.gather [hbm4b:s0+s2], $0x8000, $0x38;
	[tilespmem:$0x14000] =	vst v63  }
0x165: {  	_ =	swait.ge [sflag:s7], $0x8000  }
0x166: {  	[sflag:s7] =	ssyncset.done $0x0  }
0x167: {  	s0 =	rddreg [dreg:$0x8];
	[sflag:s7] =	ssyncadd.s32 $0xFFFF8000  }
0x168: {  	[hbm4b:s0+s2] =	stream.linear.scatter [tilespmem:s2], [sflag:$0x1], $0x8000, $0x38;
	[tilespmem:$0x14000] =	vst v63  }
0x169: {  	_ =	swait.ge [sflag:s7], $0x8000  }
0x16a: {  	[sflag:s7] =	ssyncset.done $0x0  }
0x16b: {  	s0 =	rddreg [dreg:$0x9];
	[sflag:s7] =	ssyncadd.s32 $0xFFFF8000  }
0x16c: {  	[tilespmem:s2], [sflag:$0x1] =	stream.linear.gather [hbm4b:s0+s2], $0x8000, $0x38;
	[tilespmem:$0x14000] =	vst v63  }
0x16d: {  	_ =	swait.ge [sflag:s7], $0x8000  }
0x16e: {  	[sflag:s7] =	ssyncset.done $0x0  }
0x16f: {  	s0 =	rddreg [dreg:$0xa];
	[sflag:s7] =	ssyncadd.s32 $0xFFFF8000  }
0x170: {  	[hbm4b:s0+s2] =	stream.linear.scatter [tilespmem:s2], [sflag:$0x1], $0x8000, $0x38;
	[tilespmem:$0x14000] =	vst v63  }
0x171: {  	_ =	swait.ge [sflag:s7], $0x8000  }
0x172: {  	[sflag:s7] =	ssyncset.done $0x0  }
0x173: {  	s0 =	rddreg [dreg:$0xb];
	[sflag:s7] =	ssyncadd.s32 $0xFFFF8000  }
0x174: {  	[tilespmem:s2], [sflag:$0x1] =	stream.linear.gather [hbm4b:s0+s2], $0x8000, $0x38;
	[tilespmem:$0x14000] =	vst v63  }
0x175: {  	_ =	swait.ge [sflag:s7], $0x8000  }
0x176: {  	[sflag:s7] =	ssyncset.done $0x0  }
0x177: {  	s0 =	rddreg [dreg:$0xc];
	[sflag:s7] =	ssyncadd.s32 $0xFFFF8000  }
0x178: {  	[hbm4b:s0+s2] =	stream.linear.scatter [tilespmem:s2], [sflag:$0x1], $0x8000, $0x38;
	[tilespmem:$0x14000] =	vst v63  }
0x179: {  	_ =	swait.ge [sflag:s7], $0x8000  }
0x17a: {  	[sflag:s7] =	ssyncset.done $0x0  }
0x17b: {  	s0 =	rddreg [dreg:$0xd];
	[sflag:s7] =	ssyncadd.s32 $0xFFFF8000  }
0x17c: {  	[tilespmem:s2], [sflag:$0x1] =	stream.linear.gather [hbm4b:s0+s2], $0x8000, $0x38;
	[tilespmem:$0x14000] =	vst v63  }
0x17d: {  	_ =	swait.ge [sflag:s7], $0x8000  }
0x17e: {  	[sflag:s7] =	ssyncset.done $0x0  }
0x17f: {  	s0 =	rddreg [dreg:$0xe];
	[sflag:s7] =	ssyncadd.s32 $0xFFFF8000  }
0x180: {  	[hbm4b:s0+s2] =	stream.linear.scatter [tilespmem:s2], [sflag:$0x1], $0x8000, $0x38;
	[tilespmem:$0x14000] =	vst v63  }
0x181: {  	_ =	swait.ge [sflag:s7], $0x8000  }
0x182: {  	[sflag:s7] =	ssyncset.done $0x0  }
0x183: {  	s0 =	rddreg [dreg:$0xf];
	[sflag:s7] =	ssyncadd.s32 $0xFFFF8000  }
0x184: {  	[tilespmem:s2], [sflag:$0x1] =	stream.linear.gather [hbm4b:s0+s2], $0x8000, $0x38;
	[tilespmem:$0x14000] =	vst v63  }
0x185: {  	_ =	swait.ge [sflag:s7], $0x8000  }
0x186: {  	[sflag:s7] =	ssyncset.done $0x0  }
0x187: {  	s0 =	rddreg [dreg:$0x10];
	[sflag:s7] =	ssyncadd.s32 $0xFFFF8000  }
0x188: {  	[hbm4b:s0+s2] =	stream.linear.scatter [tilespmem:s2], [sflag:$0x1], $0x8000, $0x38;
	[tilespmem:$0x14000] =	vst v63  }
0x189: {  	_ =	swait.ge [sflag:s7], $0x8000  }
0x18a: {  	[sflag:s7] =	ssyncset.done $0x0  }
0x18b: {  	s0 =	rddreg [dreg:$0x11];
	[sflag:s7] =	ssyncadd.s32 $0xFFFF8000  }
0x18c: {  	[tilespmem:s2], [sflag:$0x1] =	stream.linear.gather [hbm4b:s0+s2], $0x8000, $0x38;
	[tilespmem:$0x14000] =	vst v63  }
0x18d: {  	_ =	swait.ge [sflag:s7], $0x8000  }
0x18e: {  	[sflag:s7] =	ssyncset.done $0x0  }
0x18f: {  	s0 =	rddreg [dreg:$0x12];
	[sflag:s7] =	ssyncadd.s32 $0xFFFF8000  }
0x190: {  	[hbm4b:s0+s2] =	stream.linear.scatter [tilespmem:s2], [sflag:$0x1], $0x8000, $0x38;
	[tilespmem:$0x14000] =	vst v63  }
0x191: {  	_ =	swait.ge [sflag:s7], $0x8000  }
0x192: {  	[sflag:s7] =	ssyncset.done $0x0  }
0x193: {  	s0 =	rddreg [dreg:$0x13];
	[sflag:s7] =	ssyncadd.s32 $0xFFFF8000  }
0x194: {  	[tilespmem:s2], [sflag:$0x1] =	stream.linear.gather [hbm4b:s0+s2], $0x8000, $0x38;
	[tilespmem:$0x14000] =	vst v63  }
0x195: {  	_ =	swait.ge [sflag:s7], $0x8000  }
0x196: {  	[sflag:s7] =	ssyncset.done $0x0  }
0x197: {  	s0 =	rddreg [dreg:$0x14];
	[sflag:s7] =	ssyncadd.s32 $0xFFFF8000  }
0x198: {  	[hbm4b:s0+s2] =	stream.linear.scatter [tilespmem:s2], [sflag:$0x1], $0x8000, $0x38;
	[tilespmem:$0x14000] =	vst v63  }
0x199: {  	_ =	swait.ge [sflag:s7], $0x8000  }
0x19a: {  	[sflag:s7] =	ssyncset.done $0x0  }
0x19b: {  	s0 =	rddreg [dreg:$0x15];
	[sflag:s7] =	ssyncadd.s32 $0xFFFF8000  }
0x19c: {  	[tilespmem:s2], [sflag:$0x1] =	stream.linear.gather [hbm4b:s0+s2], $0x8000, $0x38;
	[tilespmem:$0x14000] =	vst v63  }
0x19d: {  	_ =	swait.ge [sflag:s7], $0x8000  }
0x19e: {  	[sflag:s7] =	ssyncset.done $0x0  }
0x19f: {  	s0 =	rddreg [dreg:$0x16];
	[sflag:s7] =	ssyncadd.s32 $0xFFFF8000  }
0x1a0: {  	[hbm4b:s0+s2] =	stream.linear.scatter [tilespmem:s2], [sflag:$0x1], $0x8000, $0x38;
	[tilespmem:$0x14000] =	vst v63  }
0x1a1: {  	_ =	swait.ge [sflag:s7], $0x8000  }
0x1a2: {  	[sflag:s7] =	ssyncset.done $0x0  }
0x1a3: {  	s0 =	rddreg [dreg:$0x17];
	[sflag:s7] =	ssyncadd.s32 $0xFFFF8000  }
0x1a4: {  	[tilespmem:s2], [sflag:$0x1] =	stream.linear.gather [hbm4b:s0+s2], $0x8000, $0x38;
	[tilespmem:$0x14000] =	vst v63  }
0x1a5: {  	_ =	swait.ge [sflag:s7], $0x8000  }
0x1a6: {  	[sflag:s7] =	ssyncset.done $0x0  }
0x1a7: {  	s0 =	rddreg [dreg:$0x18];
	[sflag:s7] =	ssyncadd.s32 $0xFFFF8000  }
0x1a8: {  	[hbm4b:s0+s2] =	stream.linear.scatter [tilespmem:s2], [sflag:$0x1], $0x8000, $0x38;
	[tilespmem:$0x14000] =	vst v63  }
0x1a9: {  	_ =	swait.ge [sflag:s7], $0x8000  }
0x1aa: {  	[sflag:s7] =	ssyncset.done $0x0  }
0x1ab: {  	s0 =	rddreg [dreg:$0x19];
	[sflag:s7] =	ssyncadd.s32 $0xFFFF8000  }
0x1ac: {  	[tilespmem:s2], [sflag:$0x1] =	stream.linear.gather [hbm4b:s0+s2], $0x8000, $0x38;
	[tilespmem:$0x14000] =	vst v63  }
0x1ad: {  	_ =	swait.ge [sflag:s7], $0x8000  }
0x1ae: {  	[sflag:s7] =	ssyncset.done $0x0  }
0x1af: {  	s0 =	rddreg [dreg:$0x1a];
	[sflag:s7] =	ssyncadd.s32 $0xFFFF8000  }
0x1b0: {  	[hbm4b:s0+s2] =	stream.linear.scatter [tilespmem:s2], [sflag:$0x1], $0x8000, $0x38;
	[tilespmem:$0x14000] =	vst v63  }
0x1b1: {  	_ =	swait.ge [sflag:s7], $0x8000  }
0x1b2: {  	[sflag:s7] =	ssyncset.done $0x0  }
0x1b3: {  	s0 =	rddreg [dreg:$0x1b];
	[sflag:s7] =	ssyncadd.s32 $0xFFFF8000  }
0x1b4: {  	[tilespmem:s2], [sflag:$0x1] =	stream.linear.gather [hbm4b:s0+s2], $0x8000, $0x38;
	[tilespmem:$0x14000] =	vst v63  }
0x1b5: {  	_ =	swait.ge [sflag:s7], $0x8000  }
0x1b6: {  	[sflag:s7] =	ssyncset.done $0x0  }
0x1b7: {  	s0 =	rddreg [dreg:$0x1c];
	[sflag:s7] =	ssyncadd.s32 $0xFFFF8000  }
0x1b8: {  	[hbm4b:s0+s2] =	stream.linear.scatter [tilespmem:s2], [sflag:$0x1], $0x8000, $0x38;
	[tilespmem:$0x14000] =	vst v63  }
0x1b9: {  	_ =	swait.ge [sflag:s7], $0x8000  }
0x1ba: {  	[sflag:s7] =	ssyncset.done $0x0  }
0x1bb: {  	s0 =	rddreg [dreg:$0x1d];
	[sflag:s7] =	ssyncadd.s32 $0xFFFF8000  }
0x1bc: {  	[tilespmem:s2], [sflag:$0x1] =	stream.linear.gather [hbm4b:s0+s2], $0x8000, $0x38;
	[tilespmem:$0x14000] =	vst v63  }
0x1bd: {  	_ =	swait.ge [sflag:s7], $0x8000  }
0x1be: {  	[sflag:s7] =	ssyncset.done $0x0  }
0x1bf: {  	s0 =	rddreg [dreg:$0x1e];
	[sflag:s7] =	ssyncadd.s32 $0xFFFF8000  }
0x1c0: {  	[hbm4b:s0+s2] =	stream.linear.scatter [tilespmem:s2], [sflag:$0x1], $0x8000, $0x38;
	[tilespmem:$0x14000] =	vst v63  }
0x1c1: {  	_ =	swait.ge [sflag:s7], $0x8000  }
0x1c2: {  	[sflag:s7] =	ssyncset.done $0x0  }
0x1c3: {  	s0 =	rddreg [dreg:$0x1f];
	[sflag:s7] =	ssyncadd.s32 $0xFFFF8000  }
0x1c4: {  	[tilespmem:s2], [sflag:$0x1] =	stream.linear.gather [hbm4b:s0+s2], $0x8000, $0x38;
	[tilespmem:$0x14000] =	vst v63  }
0x1c5: {  	_ =	swait.ge [sflag:s7], $0x8000  }
0x1c6: {  	s0 =	sld [smem:$0x7F1]  }
0x1c7: {  	[sflag:s7] =	ssyncset.done $0x0  }
0x1c8: {  	[sflag:s7] =	ssyncadd.s32 $0xFFFF8000  }
0x1c9: {  	[hbm4b:s0+s2] =	stream.linear.scatter [tilespmem:s2], [sflag:$0x1], $0x8000, $0x38;
	[tilespmem:$0x14000] =	vst v63  }
0x1ca: {  	_ =	swait.ge [sflag:s7], $0x8000  }
0x1cb: {  	s0 =	sld [smem:$0x7F2]  }
0x1cc: {  	[sflag:s7] =	ssyncset.done $0x0  }
0x1cd: {  	[sflag:s7] =	ssyncadd.s32 $0xFFFF8000  }
0x1ce: {  	[tilespmem:s2], [sflag:$0x1] =	stream.linear.gather [hbm4b:s0+s2], $0x8000, $0x38;
	[tilespmem:$0x14000] =	vst v63  }
0x1cf: {  	_ =	swait.ge [sflag:s7], $0x8000  }
0x1d0: {  	s0 =	sld [smem:$0x7F3]  }
0x1d1: {  	[sflag:s7] =	ssyncset.done $0x0  }
0x1d2: {  	[sflag:s7] =	ssyncadd.s32 $0xFFFF8000  }
0x1d3: {  	[hbm4b:s0+s2] =	stream.linear.scatter [tilespmem:s2], [sflag:$0x1], $0x8000, $0x38;
	[tilespmem:$0x14000] =	vst v63  }
0x1d4: {  	_ =	swait.ge [sflag:s7], $0x8000  }
0x1d5: {  	s0 =	sld [smem:$0x7F4]  }
0x1d6: {  	[sflag:s7] =	ssyncset.done $0x0  }
0x1d7: {  	[sflag:s7] =	ssyncadd.s32 $0xFFFF8000  }
0x1d8: {  	[tilespmem:s2], [sflag:$0x1] =	stream.linear.gather [hbm4b:s0+s2], $0x8000, $0x38;
	[tilespmem:$0x14000] =	vst v63  }
0x1d9: {  	_ =	swait.ge [sflag:s7], $0x8000  }
0x1da: {  	s0 =	sld [smem:$0x7F5]  }
0x1db: {  	[sflag:s7] =	ssyncset.done $0x0  }
0x1dc: {  	[sflag:s7] =	ssyncadd.s32 $0xFFFF8000  }
0x1dd: {  	[hbm4b:s0+s2] =	stream.linear.scatter [tilespmem:s2], [sflag:$0x1], $0x8000, $0x38;
	[tilespmem:$0x14000] =	vst v63  }
0x1de: {  	_ =	swait.ge [sflag:s7], $0x8000  }
0x1df: {  	s0 =	sld [smem:$0x7F6]  }
0x1e0: {  	[sflag:s7] =	ssyncset.done $0x0  }
0x1e1: {  	[sflag:s7] =	ssyncadd.s32 $0xFFFF8000  }
0x1e2: {  	[tilespmem:s2], [sflag:$0x1] =	stream.linear.gather [hbm4b:s0+s2], $0x8000, $0x38;
	[tilespmem:$0x14000] =	vst v63  }
0x1e3: {  	_ =	swait.ge [sflag:s7], $0x8000  }
0x1e4: {  	s0 =	sld [smem:$0x7F7]  }
0x1e5: {  	[sflag:s7] =	ssyncset.done $0x0  }
0x1e6: {  	[sflag:s7] =	ssyncadd.s32 $0xFFFF8000  }
0x1e7: {  	[hbm4b:s0+s2] =	stream.linear.scatter [tilespmem:s2], [sflag:$0x1], $0x8000, $0x38;
	[tilespmem:$0x14000] =	vst v63  }
0x1e8: {  	_ =	swait.ge [sflag:s7], $0x8000  }
0x1e9: {  	s0 =	sld [smem:$0x7F8]  }
0x1ea: {  	[sflag:s7] =	ssyncset.done $0x0  }
0x1eb: {  	[sflag:s7] =	ssyncadd.s32 $0xFFFF8000  }
0x1ec: {  	[tilespmem:s2], [sflag:$0x1] =	stream.linear.gather [hbm4b:s0+s2], $0x8000, $0x38;
	[tilespmem:$0x14000] =	vst v63  }
0x1ed: {  	_ =	swait.ge [sflag:s7], $0x8000  }
0x1ee: {  	s0 =	sld [smem:$0x7F9]  }
0x1ef: {  	[sflag:s7] =	ssyncset.done $0x0  }
0x1f0: {  	[sflag:s7] =	ssyncadd.s32 $0xFFFF8000  }
0x1f1: {  	[hbm4b:s0+s2] =	stream.linear.scatter [tilespmem:s2], [sflag:$0x1], $0x8000, $0x38;
	[tilespmem:$0x14000] =	vst v63  }
0x1f2: {  	_ =	swait.ge [sflag:s7], $0x8000  }
0x1f3: {  	s0 =	sld [smem:$0x7FA]  }
0x1f4: {  	[sflag:s7] =	ssyncset.done $0x0  }
0x1f5: {  	[sflag:s7] =	ssyncadd.s32 $0xFFFF8000  }
0x1f6: {  	[tilespmem:s2], [sflag:$0x1] =	stream.linear.gather [hbm4b:s0+s2], $0x8000, $0x38;
	[tilespmem:$0x14000] =	vst v63  }
0x1f7: {  	_ =	swait.ge [sflag:s7], $0x8000  }
0x1f8: {  	s0 =	sld [smem:$0x7FB]  }
0x1f9: {  	[sflag:s7] =	ssyncset.done $0x0  }
0x1fa: {  	[sflag:s7] =	ssyncadd.s32 $0xFFFF8000  }
0x1fb: {  	[hbm4b:s0+s2] =	stream.linear.scatter [tilespmem:s2], [sflag:$0x1], $0x8000, $0x38;
	[tilespmem:$0x14000] =	vst v63  }
0x1fc: {  	_ =	swait.ge [sflag:s7], $0x8000  }
0x1fd: {  	s0 =	sld [smem:$0x7FC]  }
0x1fe: {  	[sflag:s7] =	ssyncset.done $0x0  }
0x1ff: {  	[sflag:s7] =	ssyncadd.s32 $0xFFFF8000  }
0x200: {  	[tilespmem:s2], [sflag:$0x1] =	stream.linear.gather [hbm4b:s0+s2], $0x8000, $0x38;
	[tilespmem:$0x14000] =	vst v63  }
0x201: {  	_ =	swait.ge [sflag:s7], $0x8000  }
0x202: {  	s0 =	sld [smem:$0x7FD]  }
0x203: {  	[sflag:s7] =	ssyncset.done $0x0  }
0x204: {  	[sflag:s7] =	ssyncadd.s32 $0xFFFF8000  }
0x205: {  	[hbm4b:s0+s2] =	stream.linear.scatter [tilespmem:s2], [sflag:$0x1], $0x8000, $0x38;
	[tilespmem:$0x14000] =	vst v63  }
0x206: {  	_ =	swait.ge [sflag:s7], $0x8000  }
0x207: {  	[sflag:s7] =	ssyncset.done $0x0  }
0x208: {  	[sflag:s7] =	ssyncadd.s32 $0xFFFF8000  }
0x209: {  	[tilespmem:s2], [sflag:$0x1] =	stream.linear.gather [hbm4b:s28+s2], $0x8000, $0x38;
	[tilespmem:$0x14000] =	vst v63  }
0x20a: {  	_ =	swait.ge [sflag:s7], $0x8000  }
0x20b: {  	[sflag:s7] =	ssyncset.done $0x0  }
0x20c: {  	[sflag:s7] =	ssyncadd.s32 $0xFFFF8000  }
0x20d: {  	[hbm4b:s26+s2] =	stream.linear.scatter [tilespmem:s2], [sflag:$0x1], $0x8000, $0x38;
	[tilespmem:$0x14000] =	vst v63  }
0x20e: {  	_ =	swait.ge [sflag:s7], $0x8000  }
0x20f: {  	[sflag:s7] =	ssyncset.done $0x0  }
0x210: {  	[sflag:s7] =	ssyncadd.s32 $0xFFFF8000  }
0x211: {  	[tilespmem:s2], [sflag:$0x1] =	stream.linear.gather [hbm4b:s25+s2], $0x8000, $0x38;
	[tilespmem:$0x14000] =	vst v63  }
0x212: {  	_ =	swait.ge [sflag:s7], $0x8000  }
0x213: {  	[sflag:s7] =	ssyncset.done $0x0  }
0x214: {  	[sflag:s7] =	ssyncadd.s32 $0xFFFF8000  }
0x215: {  	[hbm4b:s24+s2] =	stream.linear.scatter [tilespmem:s2], [sflag:$0x1], $0x8000, $0x38;
	[tilespmem:$0x14000] =	vst v63  }
0x216: {  	_ =	swait.ge [sflag:s7], $0x8000  }
0x217: {  	[sflag:s7] =	ssyncset.done $0x0  }
0x218: {  	[sflag:s7] =	ssyncadd.s32 $0xFFFF8000  }
0x219: {  	[tilespmem:s2], [sflag:$0x1] =	stream.linear.gather [hbm4b:s23+s2], $0x8000, $0x38;
	[tilespmem:$0x14000] =	vst v63  }
0x21a: {  	_ =	swait.ge [sflag:s7], $0x8000  }
0x21b: {  	[sflag:s7] =	ssyncset.done $0x0  }
0x21c: {  	[sflag:s7] =	ssyncadd.s32 $0xFFFF8000  }
0x21d: {  	[hbm4b:s22+s2] =	stream.linear.scatter [tilespmem:s2], [sflag:$0x1], $0x8000, $0x38;
	[tilespmem:$0x14000] =	vst v63  }
0x21e: {  	_ =	swait.ge [sflag:s7], $0x8000  }
0x21f: {  	[sflag:s7] =	ssyncset.done $0x0  }
0x220: {  	[sflag:s7] =	ssyncadd.s32 $0xFFFF8000  }
0x221: {  	[tilespmem:s2], [sflag:$0x1] =	stream.linear.gather [hbm4b:s21+s2], $0x8000, $0x38;
	[tilespmem:$0x14000] =	vst v63  }
0x222: {  	_ =	swait.ge [sflag:s7], $0x8000  }
0x223: {  	[sflag:s7] =	ssyncset.done $0x0  }
0x224: {  	[sflag:s7] =	ssyncadd.s32 $0xFFFF8000  }
0x225: {  	[hbm4b:s20+s2] =	stream.linear.scatter [tilespmem:s2], [sflag:$0x1], $0x8000, $0x38;
	[tilespmem:$0x14000] =	vst v63  }
0x226: {  	_ =	swait.ge [sflag:s7], $0x8000  }
0x227: {  	[sflag:s7] =	ssyncset.done $0x0  }
0x228: {  	[sflag:s7] =	ssyncadd.s32 $0xFFFF8000  }
0x229: {  	[tilespmem:s2], [sflag:$0x1] =	stream.linear.gather [hbm4b:s19+s2], $0x8000, $0x38;
	[tilespmem:$0x14000] =	vst v63  }
0x22a: {  	_ =	swait.ge [sflag:s7], $0x8000  }
0x22b: {  	[sflag:s7] =	ssyncset.done $0x0  }
0x22c: {  	[sflag:s7] =	ssyncadd.s32 $0xFFFF8000  }
0x22d: {  	[hbm4b:s18+s2] =	stream.linear.scatter [tilespmem:s2], [sflag:$0x1], $0x8000, $0x38;
	[tilespmem:$0x14000] =	vst v63  }
0x22e: {  	_ =	swait.ge [sflag:s7], $0x8000  }
0x22f: {  	[sflag:s7] =	ssyncset.done $0x0  }
0x230: {  	[sflag:s7] =	ssyncadd.s32 $0xFFFF8000  }
0x231: {  	[tilespmem:s2], [sflag:$0x1] =	stream.linear.gather [hbm4b:s17+s2], $0x8000, $0x38;
	[tilespmem:$0x14000] =	vst v63  }
0x232: {  	_ =	swait.ge [sflag:s7], $0x8000  }
0x233: {  	[sflag:s7] =	ssyncset.done $0x0  }
0x234: {  	[sflag:s7] =	ssyncadd.s32 $0xFFFF8000  }
0x235: {  	[hbm4b:s16+s2] =	stream.linear.scatter [tilespmem:s2], [sflag:$0x1], $0x8000, $0x38;
	[tilespmem:$0x14000] =	vst v63  }
0x236: {  	_ =	swait.ge [sflag:s7], $0x8000  }
0x237: {  	[sflag:s7] =	ssyncset.done $0x0  }
0x238: {  	[sflag:s7] =	ssyncadd.s32 $0xFFFF8000  }
0x239: {  	[tilespmem:s2], [sflag:$0x1] =	stream.linear.gather [hbm4b:s15+s2], $0x8000, $0x38;
	[tilespmem:$0x14000] =	vst v63  }
0x23a: {  	_ =	swait.ge [sflag:s7], $0x8000  }
0x23b: {  	[sflag:s7] =	ssyncset.done $0x0  }
0x23c: {  	[sflag:s7] =	ssyncadd.s32 $0xFFFF8000  }
0x23d: {  	[hbm4b:s14+s2] =	stream.linear.scatter [tilespmem:s2], [sflag:$0x1], $0x8000, $0x38;
	[tilespmem:$0x14000] =	vst v63  }
0x23e: {  	_ =	swait.ge [sflag:s7], $0x8000  }
0x23f: {  	[sflag:s7] =	ssyncset.done $0x0  }
0x240: {  	[sflag:s7] =	ssyncadd.s32 $0xFFFF8000  }
0x241: {  	[tilespmem:s2], [sflag:$0x1] =	stream.linear.gather [hbm4b:s13+s2], $0x8000, $0x38;
	[tilespmem:$0x14000] =	vst v63  }
0x242: {  	_ =	swait.ge [sflag:s7], $0x8000  }
0x243: {  	[sflag:s7] =	ssyncset.done $0x0  }
0x244: {  	[sflag:s7] =	ssyncadd.s32 $0xFFFF8000  }
0x245: {  	[hbm4b:s12+s2] =	stream.linear.scatter [tilespmem:s2], [sflag:$0x1], $0x8000, $0x38;
	[tilespmem:$0x14000] =	vst v63  }
0x246: {  	_ =	swait.ge [sflag:s7], $0x8000  }
0x247: {  	[sflag:s7] =	ssyncset.done $0x0  }
0x248: {  	[sflag:s7] =	ssyncadd.s32 $0xFFFF8000  }
0x249: {  	[tilespmem:s2], [sflag:$0x1] =	stream.linear.gather [hbm4b:s11+s2], $0x8000, $0x38;
	[tilespmem:$0x14000] =	vst v63  }
0x24a: {  	_ =	swait.ge [sflag:s7], $0x8000  }
0x24b: {  	[sflag:s7] =	ssyncset.done $0x0  }
0x24c: {  	[sflag:s7] =	ssyncadd.s32 $0xFFFF8000  }
0x24d: {  	[hbm4b:s9+s2] =	stream.linear.scatter [tilespmem:s2], [sflag:$0x1], $0x8000, $0x38;
	[tilespmem:$0x14000] =	vst v63  }
0x24e: {  	_ =	swait.ge [sflag:s7], $0x8000  }
0x24f: {  	[sflag:s7] =	ssyncset.done $0x0  }
0x250: {  	[sflag:s7] =	ssyncadd.s32 $0xFFFF8000  }
0x251: {  	[tilespmem:s2], [sflag:$0x1] =	stream.linear.gather [hbm4b:s10+s2], $0x8000, $0x38;
	[tilespmem:$0x14000] =	vst v63  }
0x252: {  	_ =	swait.ge [sflag:s7], $0x8000  }
0x253: {  	[sflag:s7] =	ssyncset.done $0x0  }
0x254: {  	[sflag:s7] =	ssyncadd.s32 $0xFFFF8000  }
0x255: {  	[hbm4b:s8+s2] =	stream.linear.scatter [tilespmem:s2], [sflag:$0x1], $0x8000, $0x38;
	[tilespmem:$0x14000] =	vst v63  }
0x256: {  	_ =	swait.ge [sflag:s7], $0x8000  }
0x257: {  	[sflag:s7] =	ssyncset.done $0x0  }
0x258: {  	[sflag:s7] =	ssyncadd.s32 $0xFFFF8000  }
0x259: {  	[tilespmem:s2], [sflag:$0x1] =	stream.linear.gather [hbm4b:s6+s2], $0x8000, $0x38;
	[tilespmem:$0x14000] =	vst v63  }
0x25a: {  	_ =	swait.ge [sflag:s7], $0x8000  }
0x25b: {  	[sflag:s7] =	ssyncset.done $0x0  }
0x25c: {  	[sflag:s7] =	ssyncadd.s32 $0xFFFF8000  }
0x25d: {  	[hbm4b:s5+s2] =	stream.linear.scatter [tilespmem:s2], [sflag:$0x1], $0x8000, $0x38;
	[tilespmem:$0x14000] =	vst v63  }
0x25e: {  	_ =	swait.ge [sflag:s7], $0x8000  }
0x25f: {  	[sflag:s7] =	ssyncset.done $0x0  }
0x260: {  	s1 =	sadd.s32 $0xFFFFFFFF, s1;
	[sflag:s7] =	ssyncadd.s32 $0xFFFF8000  }
0x261: {  	[tilespmem:s31], [sflag:$0x1] =	stream.linear.gather @!p0 [hbm4b:s4+s30], $0xC000, $0x38;
	[tilespmem:$0x14000] =	vst v63  }
0x262: {  	p2 =	sne.s32 s1, $0x0;
	_ =	swait.ge @!p0 [sflag:s29], $0xC000  }
.Ltmp2:
0x263: {  	[sflag:s29] =	ssyncset.done @!p0 $0x0;
	(pc) =	sbr.rel @p2 .LBB2_4-.Ltmp2, $4  }
0x264: {  	[sflag:s29] =	ssyncadd.s32 @!p0 $0xFFFF4000  }
0x265: {  	[hbm4b:s3+s30] =	stream.linear.scatter @!p0 [tilespmem:s31], [sflag:$0x1], $0xC000, $0x38;
	[tilespmem:$0x14000] =	vst v63  }
0x266: {  	_ =	swait.ge @!p0 [sflag:s29], $0xC000  }
0x267: {  	s0 =	rddreg [dreg:$0x4];
	[sflag:s29] =	ssyncset.done @!p0 $0x0  }
0x268: {  	s31 =	stileid.u32  }
.LBB2_6:
0x269: {  	p1 =	por p0, !p1  }
0x26a: {  	[sflag:s29] =	ssyncadd.s32 @!p1 $0xFFFF4000  }
0x26b: {  	[tilespmem:s2], [sflag:$0x1] =	stream.linear.gather [hbm4b:s0+s2], $0x8000, $0x38;
	[tilespmem:$0x14000] =	vst v63  }
0x26c: {  	_ =	swait.ge [sflag:s7], $0x8000  }
0x26d: {  	[sflag:s7] =	ssyncset.done $0x0  }
0x26e: {  	[sflag:s7] =	ssyncadd.s32 $0xFFFF8000  }
0x26f: {  	[hbm4b:s3+s2] =	stream.linear.scatter [tilespmem:s2], [sflag:$0x1], $0x8000, $0x38;
	[tilespmem:$0x14000] =	vst v63  }
0x270: {  	_ =	swait.ge [sflag:s7], $0x8000  }
0x271: {  	[sflag:s7] =	ssyncset.done $0x0  }
0x272: {  	s30 =	rddreg [dreg:$0x5];
	[sflag:s7] =	ssyncadd.s32 $0xFFFF8000  }
0x273: {  	[tilespmem:s2], [sflag:$0x1] =	stream.linear.gather [hbm4b:s30+s2], $0x8000, $0x38;
	[tilespmem:$0x14000] =	vst v63  }
0x274: {  	_ =	swait.ge [sflag:s7], $0x8000  }
0x275: {  	[sflag:s7] =	ssyncset.done $0x0  }
0x276: {  	s1 =	rddreg [dreg:$0x6];
	[sflag:s7] =	ssyncadd.s32 $0xFFFF8000  }
0x277: {  	[hbm4b:s1+s2] =	stream.linear.scatter [tilespmem:s2], [sflag:$0x1], $0x8000, $0x38;
	[tilespmem:$0x14000] =	vst v63  }
0x278: {  	_ =	swait.ge [sflag:s7], $0x8000  }
0x279: {  	[sflag:s7] =	ssyncset.done $0x0  }
0x27a: {  	s29 =	rddreg [dreg:$0x7];
	[sflag:s7] =	ssyncadd.s32 $0xFFFF8000  }
0x27b: {  	[tilespmem:s2], [sflag:$0x1] =	stream.linear.gather [hbm4b:s29+s2], $0x8000, $0x38;
	[tilespmem:$0x14000] =	vst v63  }
0x27c: {  	_ =	swait.ge [sflag:s7], $0x8000  }
0x27d: {  	[sflag:s7] =	ssyncset.done $0x0  }
0x27e: {  	s30 =	rddreg [dreg:$0x8];
	[sflag:s7] =	ssyncadd.s32 $0xFFFF8000  }
0x27f: {  	[hbm4b:s30+s2] =	stream.linear.scatter [tilespmem:s2], [sflag:$0x1], $0x8000, $0x38;
	[tilespmem:$0x14000] =	vst v63  }
0x280: {  	_ =	swait.ge [sflag:s7], $0x8000  }
0x281: {  	[sflag:s7] =	ssyncset.done $0x0  }
0x282: {  	s1 =	rddreg [dreg:$0x9];
	[sflag:s7] =	ssyncadd.s32 $0xFFFF8000  }
0x283: {  	[tilespmem:s2], [sflag:$0x1] =	stream.linear.gather [hbm4b:s1+s2], $0x8000, $0x38;
	[tilespmem:$0x14000] =	vst v63  }
0x284: {  	_ =	swait.ge [sflag:s7], $0x8000  }
0x285: {  	[sflag:s7] =	ssyncset.done $0x0  }
0x286: {  	s29 =	rddreg [dreg:$0xa];
	[sflag:s7] =	ssyncadd.s32 $0xFFFF8000  }
0x287: {  	[hbm4b:s29+s2] =	stream.linear.scatter [tilespmem:s2], [sflag:$0x1], $0x8000, $0x38;
	[tilespmem:$0x14000] =	vst v63  }
0x288: {  	_ =	swait.ge [sflag:s7], $0x8000  }
0x289: {  	[sflag:s7] =	ssyncset.done $0x0  }
0x28a: {  	s30 =	rddreg [dreg:$0xb];
	[sflag:s7] =	ssyncadd.s32 $0xFFFF8000  }
0x28b: {  	[tilespmem:s2], [sflag:$0x1] =	stream.linear.gather [hbm4b:s30+s2], $0x8000, $0x38;
	[tilespmem:$0x14000] =	vst v63  }
0x28c: {  	_ =	swait.ge [sflag:s7], $0x8000  }
0x28d: {  	[sflag:s7] =	ssyncset.done $0x0  }
0x28e: {  	s1 =	rddreg [dreg:$0xc];
	[sflag:s7] =	ssyncadd.s32 $0xFFFF8000  }
0x28f: {  	[hbm4b:s1+s2] =	stream.linear.scatter [tilespmem:s2], [sflag:$0x1], $0x8000, $0x38;
	[tilespmem:$0x14000] =	vst v63  }
0x290: {  	_ =	swait.ge [sflag:s7], $0x8000  }
0x291: {  	[sflag:s7] =	ssyncset.done $0x0  }
0x292: {  	s29 =	rddreg [dreg:$0xd];
	[sflag:s7] =	ssyncadd.s32 $0xFFFF8000  }
0x293: {  	[tilespmem:s2], [sflag:$0x1] =	stream.linear.gather [hbm4b:s29+s2], $0x8000, $0x38;
	[tilespmem:$0x14000] =	vst v63  }
0x294: {  	_ =	swait.ge [sflag:s7], $0x8000  }
0x295: {  	[sflag:s7] =	ssyncset.done $0x0  }
0x296: {  	s30 =	rddreg [dreg:$0xe];
	[sflag:s7] =	ssyncadd.s32 $0xFFFF8000  }
0x297: {  	[hbm4b:s30+s2] =	stream.linear.scatter [tilespmem:s2], [sflag:$0x1], $0x8000, $0x38;
	[tilespmem:$0x14000] =	vst v63  }
0x298: {  	_ =	swait.ge [sflag:s7], $0x8000  }
0x299: {  	[sflag:s7] =	ssyncset.done $0x0  }
0x29a: {  	s1 =	rddreg [dreg:$0xf];
	[sflag:s7] =	ssyncadd.s32 $0xFFFF8000  }
0x29b: {  	[tilespmem:s2], [sflag:$0x1] =	stream.linear.gather [hbm4b:s1+s2], $0x8000, $0x38;
	[tilespmem:$0x14000] =	vst v63  }
0x29c: {  	_ =	swait.ge [sflag:s7], $0x8000  }
0x29d: {  	[sflag:s7] =	ssyncset.done $0x0  }
0x29e: {  	s29 =	rddreg [dreg:$0x10];
	[sflag:s7] =	ssyncadd.s32 $0xFFFF8000  }
0x29f: {  	[hbm4b:s29+s2] =	stream.linear.scatter [tilespmem:s2], [sflag:$0x1], $0x8000, $0x38;
	[tilespmem:$0x14000] =	vst v63  }
0x2a0: {  	_ =	swait.ge [sflag:s7], $0x8000  }
0x2a1: {  	[sflag:s7] =	ssyncset.done $0x0  }
0x2a2: {  	s30 =	rddreg [dreg:$0x11];
	[sflag:s7] =	ssyncadd.s32 $0xFFFF8000  }
0x2a3: {  	[tilespmem:s2], [sflag:$0x1] =	stream.linear.gather [hbm4b:s30+s2], $0x8000, $0x38;
	[tilespmem:$0x14000] =	vst v63  }
0x2a4: {  	_ =	swait.ge [sflag:s7], $0x8000  }
0x2a5: {  	[sflag:s7] =	ssyncset.done $0x0  }
0x2a6: {  	s1 =	rddreg [dreg:$0x12];
	[sflag:s7] =	ssyncadd.s32 $0xFFFF8000  }
0x2a7: {  	[hbm4b:s1+s2] =	stream.linear.scatter [tilespmem:s2], [sflag:$0x1], $0x8000, $0x38;
	[tilespmem:$0x14000] =	vst v63  }
0x2a8: {  	_ =	swait.ge [sflag:s7], $0x8000  }
0x2a9: {  	[sflag:s7] =	ssyncset.done $0x0  }
0x2aa: {  	s29 =	rddreg [dreg:$0x13];
	[sflag:s7] =	ssyncadd.s32 $0xFFFF8000  }
0x2ab: {  	[tilespmem:s2], [sflag:$0x1] =	stream.linear.gather [hbm4b:s29+s2], $0x8000, $0x38;
	[tilespmem:$0x14000] =	vst v63  }
0x2ac: {  	_ =	swait.ge [sflag:s7], $0x8000  }
0x2ad: {  	[sflag:s7] =	ssyncset.done $0x0  }
0x2ae: {  	s30 =	rddreg [dreg:$0x14];
	[sflag:s7] =	ssyncadd.s32 $0xFFFF8000  }
0x2af: {  	[hbm4b:s30+s2] =	stream.linear.scatter [tilespmem:s2], [sflag:$0x1], $0x8000, $0x38;
	[tilespmem:$0x14000] =	vst v63  }
0x2b0: {  	_ =	swait.ge [sflag:s7], $0x8000  }
0x2b1: {  	[sflag:s7] =	ssyncset.done $0x0  }
0x2b2: {  	s1 =	rddreg [dreg:$0x15];
	[sflag:s7] =	ssyncadd.s32 $0xFFFF8000  }
0x2b3: {  	[tilespmem:s2], [sflag:$0x1] =	stream.linear.gather [hbm4b:s1+s2], $0x8000, $0x38;
	[tilespmem:$0x14000] =	vst v63  }
0x2b4: {  	_ =	swait.ge [sflag:s7], $0x8000  }
0x2b5: {  	[sflag:s7] =	ssyncset.done $0x0  }
0x2b6: {  	s29 =	rddreg [dreg:$0x16];
	[sflag:s7] =	ssyncadd.s32 $0xFFFF8000  }
0x2b7: {  	[hbm4b:s29+s2] =	stream.linear.scatter [tilespmem:s2], [sflag:$0x1], $0x8000, $0x38;
	[tilespmem:$0x14000] =	vst v63  }
0x2b8: {  	_ =	swait.ge [sflag:s7], $0x8000  }
0x2b9: {  	[sflag:s7] =	ssyncset.done $0x0  }
0x2ba: {  	s30 =	rddreg [dreg:$0x17];
	[sflag:s7] =	ssyncadd.s32 $0xFFFF8000  }
0x2bb: {  	[tilespmem:s2], [sflag:$0x1] =	stream.linear.gather [hbm4b:s30+s2], $0x8000, $0x38;
	[tilespmem:$0x14000] =	vst v63  }
0x2bc: {  	_ =	swait.ge [sflag:s7], $0x8000  }
0x2bd: {  	[sflag:s7] =	ssyncset.done $0x0  }
0x2be: {  	s1 =	rddreg [dreg:$0x18];
	[sflag:s7] =	ssyncadd.s32 $0xFFFF8000  }
0x2bf: {  	[hbm4b:s1+s2] =	stream.linear.scatter [tilespmem:s2], [sflag:$0x1], $0x8000, $0x38;
	[tilespmem:$0x14000] =	vst v63  }
0x2c0: {  	_ =	swait.ge [sflag:s7], $0x8000  }
0x2c1: {  	[sflag:s7] =	ssyncset.done $0x0  }
0x2c2: {  	s29 =	rddreg [dreg:$0x19];
	[sflag:s7] =	ssyncadd.s32 $0xFFFF8000  }
0x2c3: {  	[tilespmem:s2], [sflag:$0x1] =	stream.linear.gather [hbm4b:s29+s2], $0x8000, $0x38;
	[tilespmem:$0x14000] =	vst v63  }
0x2c4: {  	_ =	swait.ge [sflag:s7], $0x8000  }
0x2c5: {  	[sflag:s7] =	ssyncset.done $0x0  }
0x2c6: {  	s30 =	rddreg [dreg:$0x1a];
	[sflag:s7] =	ssyncadd.s32 $0xFFFF8000  }
0x2c7: {  	[hbm4b:s30+s2] =	stream.linear.scatter [tilespmem:s2], [sflag:$0x1], $0x8000, $0x38;
	[tilespmem:$0x14000] =	vst v63  }
0x2c8: {  	_ =	swait.ge [sflag:s7], $0x8000  }
0x2c9: {  	[sflag:s7] =	ssyncset.done $0x0  }
0x2ca: {  	s1 =	rddreg [dreg:$0x1b];
	[sflag:s7] =	ssyncadd.s32 $0xFFFF8000  }
0x2cb: {  	[tilespmem:s2], [sflag:$0x1] =	stream.linear.gather [hbm4b:s1+s2], $0x8000, $0x38;
	[tilespmem:$0x14000] =	vst v63  }
0x2cc: {  	_ =	swait.ge [sflag:s7], $0x8000  }
0x2cd: {  	[sflag:s7] =	ssyncset.done $0x0  }
0x2ce: {  	s29 =	rddreg [dreg:$0x1c];
	[sflag:s7] =	ssyncadd.s32 $0xFFFF8000  }
0x2cf: {  	[hbm4b:s29+s2] =	stream.linear.scatter [tilespmem:s2], [sflag:$0x1], $0x8000, $0x38;
	[tilespmem:$0x14000] =	vst v63  }
0x2d0: {  	_ =	swait.ge [sflag:s7], $0x8000  }
0x2d1: {  	[sflag:s7] =	ssyncset.done $0x0  }
0x2d2: {  	s30 =	rddreg [dreg:$0x1d];
	[sflag:s7] =	ssyncadd.s32 $0xFFFF8000  }
0x2d3: {  	[tilespmem:s2], [sflag:$0x1] =	stream.linear.gather [hbm4b:s30+s2], $0x8000, $0x38;
	[tilespmem:$0x14000] =	vst v63  }
0x2d4: {  	_ =	swait.ge [sflag:s7], $0x8000  }
0x2d5: {  	[sflag:s7] =	ssyncset.done $0x0  }
0x2d6: {  	s1 =	rddreg [dreg:$0x1e];
	[sflag:s7] =	ssyncadd.s32 $0xFFFF8000  }
0x2d7: {  	[hbm4b:s1+s2] =	stream.linear.scatter [tilespmem:s2], [sflag:$0x1], $0x8000, $0x38;
	[tilespmem:$0x14000] =	vst v63  }
0x2d8: {  	_ =	swait.ge [sflag:s7], $0x8000  }
0x2d9: {  	[sflag:s7] =	ssyncset.done $0x0  }
0x2da: {  	s29 =	rddreg [dreg:$0x1f];
	[sflag:s7] =	ssyncadd.s32 $0xFFFF8000  }
0x2db: {  	[tilespmem:s2], [sflag:$0x1] =	stream.linear.gather [hbm4b:s29+s2], $0x8000, $0x38;
	[tilespmem:$0x14000] =	vst v63  }
0x2dc: {  	_ =	swait.ge [sflag:s7], $0x8000  }
0x2dd: {  	s30 =	sld [smem:$0x7F1]  }
0x2de: {  	[sflag:s7] =	ssyncset.done $0x0  }
0x2df: {  	[sflag:s7] =	ssyncadd.s32 $0xFFFF8000  }
0x2e0: {  	[hbm4b:s30+s2] =	stream.linear.scatter [tilespmem:s2], [sflag:$0x1], $0x8000, $0x38;
	[tilespmem:$0x14000] =	vst v63  }
0x2e1: {  	_ =	swait.ge [sflag:s7], $0x8000  }
0x2e2: {  	s1 =	sld [smem:$0x7F2]  }
0x2e3: {  	[sflag:s7] =	ssyncset.done $0x0  }
0x2e4: {  	[sflag:s7] =	ssyncadd.s32 $0xFFFF8000  }
0x2e5: {  	[tilespmem:s2], [sflag:$0x1] =	stream.linear.gather [hbm4b:s1+s2], $0x8000, $0x38;
	[tilespmem:$0x14000] =	vst v63  }
0x2e6: {  	_ =	swait.ge [sflag:s7], $0x8000  }
0x2e7: {  	s29 =	sld [smem:$0x7F3]  }
0x2e8: {  	[sflag:s7] =	ssyncset.done $0x0  }
0x2e9: {  	[sflag:s7] =	ssyncadd.s32 $0xFFFF8000  }
0x2ea: {  	[hbm4b:s29+s2] =	stream.linear.scatter [tilespmem:s2], [sflag:$0x1], $0x8000, $0x38;
	[tilespmem:$0x14000] =	vst v63  }
0x2eb: {  	_ =	swait.ge [sflag:s7], $0x8000  }
0x2ec: {  	s30 =	sld [smem:$0x7F4]  }
0x2ed: {  	[sflag:s7] =	ssyncset.done $0x0  }
0x2ee: {  	[sflag:s7] =	ssyncadd.s32 $0xFFFF8000  }
0x2ef: {  	[tilespmem:s2], [sflag:$0x1] =	stream.linear.gather [hbm4b:s30+s2], $0x8000, $0x38;
	[tilespmem:$0x14000] =	vst v63  }
0x2f0: {  	_ =	swait.ge [sflag:s7], $0x8000  }
0x2f1: {  	s1 =	sld [smem:$0x7F5]  }
0x2f2: {  	[sflag:s7] =	ssyncset.done $0x0  }
0x2f3: {  	[sflag:s7] =	ssyncadd.s32 $0xFFFF8000  }
0x2f4: {  	[hbm4b:s1+s2] =	stream.linear.scatter [tilespmem:s2], [sflag:$0x1], $0x8000, $0x38;
	[tilespmem:$0x14000] =	vst v63  }
0x2f5: {  	_ =	swait.ge [sflag:s7], $0x8000  }
0x2f6: {  	s29 =	sld [smem:$0x7F6]  }
0x2f7: {  	[sflag:s7] =	ssyncset.done $0x0  }
0x2f8: {  	[sflag:s7] =	ssyncadd.s32 $0xFFFF8000  }
0x2f9: {  	[tilespmem:s2], [sflag:$0x1] =	stream.linear.gather [hbm4b:s29+s2], $0x8000, $0x38;
	[tilespmem:$0x14000] =	vst v63  }
0x2fa: {  	_ =	swait.ge [sflag:s7], $0x8000  }
0x2fb: {  	s30 =	sld [smem:$0x7F7]  }
0x2fc: {  	[sflag:s7] =	ssyncset.done $0x0  }
0x2fd: {  	[sflag:s7] =	ssyncadd.s32 $0xFFFF8000  }
0x2fe: {  	[hbm4b:s30+s2] =	stream.linear.scatter [tilespmem:s2], [sflag:$0x1], $0x8000, $0x38;
	[tilespmem:$0x14000] =	vst v63  }
0x2ff: {  	_ =	swait.ge [sflag:s7], $0x8000  }
0x300: {  	s1 =	sld [smem:$0x7F8]  }
0x301: {  	[sflag:s7] =	ssyncset.done $0x0  }
0x302: {  	[sflag:s7] =	ssyncadd.s32 $0xFFFF8000  }
0x303: {  	[tilespmem:s2], [sflag:$0x1] =	stream.linear.gather [hbm4b:s1+s2], $0x8000, $0x38;
	[tilespmem:$0x14000] =	vst v63  }
0x304: {  	_ =	swait.ge [sflag:s7], $0x8000  }
0x305: {  	s29 =	sld [smem:$0x7F9]  }
0x306: {  	[sflag:s7] =	ssyncset.done $0x0  }
0x307: {  	[sflag:s7] =	ssyncadd.s32 $0xFFFF8000  }
0x308: {  	[hbm4b:s29+s2] =	stream.linear.scatter [tilespmem:s2], [sflag:$0x1], $0x8000, $0x38;
	[tilespmem:$0x14000] =	vst v63  }
0x309: {  	_ =	swait.ge [sflag:s7], $0x8000  }
0x30a: {  	s30 =	sld [smem:$0x7FA]  }
0x30b: {  	[sflag:s7] =	ssyncset.done $0x0  }
0x30c: {  	[sflag:s7] =	ssyncadd.s32 $0xFFFF8000  }
0x30d: {  	[tilespmem:s2], [sflag:$0x1] =	stream.linear.gather [hbm4b:s30+s2], $0x8000, $0x38;
	[tilespmem:$0x14000] =	vst v63  }
0x30e: {  	_ =	swait.ge [sflag:s7], $0x8000  }
0x30f: {  	s1 =	sld [smem:$0x7FB]  }
0x310: {  	[sflag:s7] =	ssyncset.done $0x0  }
0x311: {  	[sflag:s7] =	ssyncadd.s32 $0xFFFF8000  }
0x312: {  	[hbm4b:s1+s2] =	stream.linear.scatter [tilespmem:s2], [sflag:$0x1], $0x8000, $0x38;
	[tilespmem:$0x14000] =	vst v63  }
0x313: {  	_ =	swait.ge [sflag:s7], $0x8000  }
0x314: {  	s29 =	sld [smem:$0x7FC]  }
0x315: {  	[sflag:s7] =	ssyncset.done $0x0  }
0x316: {  	[sflag:s7] =	ssyncadd.s32 $0xFFFF8000  }
0x317: {  	[tilespmem:s2], [sflag:$0x1] =	stream.linear.gather [hbm4b:s29+s2], $0x8000, $0x38;
	[tilespmem:$0x14000] =	vst v63  }
0x318: {  	_ =	swait.ge [sflag:s7], $0x8000  }
0x319: {  	s30 =	sld [smem:$0x7FD]  }
0x31a: {  	[sflag:s7] =	ssyncset.done $0x0  }
0x31b: {  	[sflag:s7] =	ssyncadd.s32 $0xFFFF8000  }
0x31c: {  	[hbm4b:s30+s2] =	stream.linear.scatter [tilespmem:s2], [sflag:$0x1], $0x8000, $0x38;
	[tilespmem:$0x14000] =	vst v63  }
0x31d: {  	_ =	swait.ge [sflag:s7], $0x8000  }
0x31e: {  	[sflag:s7] =	ssyncset.done $0x0  }
0x31f: {  	[sflag:s7] =	ssyncadd.s32 $0xFFFF8000  }
0x320: {  	[tilespmem:s2], [sflag:$0x1] =	stream.linear.gather [hbm4b:s28+s2], $0x8000, $0x38;
	[tilespmem:$0x14000] =	vst v63  }
0x321: {  	_ =	swait.ge [sflag:s7], $0x8000  }
0x322: {  	[sflag:s7] =	ssyncset.done $0x0  }
0x323: {  	[sflag:s7] =	ssyncadd.s32 $0xFFFF8000  }
0x324: {  	[hbm4b:s26+s2] =	stream.linear.scatter [tilespmem:s2], [sflag:$0x1], $0x8000, $0x38;
	[tilespmem:$0x14000] =	vst v63  }
0x325: {  	_ =	swait.ge [sflag:s7], $0x8000  }
0x326: {  	[sflag:s7] =	ssyncset.done $0x0  }
0x327: {  	[sflag:s7] =	ssyncadd.s32 $0xFFFF8000  }
0x328: {  	[tilespmem:s2], [sflag:$0x1] =	stream.linear.gather [hbm4b:s25+s2], $0x8000, $0x38;
	[tilespmem:$0x14000] =	vst v63  }
0x329: {  	_ =	swait.ge [sflag:s7], $0x8000  }
0x32a: {  	[sflag:s7] =	ssyncset.done $0x0  }
0x32b: {  	[sflag:s7] =	ssyncadd.s32 $0xFFFF8000  }
0x32c: {  	[hbm4b:s24+s2] =	stream.linear.scatter [tilespmem:s2], [sflag:$0x1], $0x8000, $0x38;
	[tilespmem:$0x14000] =	vst v63  }
0x32d: {  	_ =	swait.ge [sflag:s7], $0x8000  }
0x32e: {  	[sflag:s7] =	ssyncset.done $0x0  }
0x32f: {  	[sflag:s7] =	ssyncadd.s32 $0xFFFF8000  }
0x330: {  	[tilespmem:s2], [sflag:$0x1] =	stream.linear.gather [hbm4b:s23+s2], $0x8000, $0x38;
	[tilespmem:$0x14000] =	vst v63  }
0x331: {  	_ =	swait.ge [sflag:s7], $0x8000  }
0x332: {  	[sflag:s7] =	ssyncset.done $0x0  }
0x333: {  	[sflag:s7] =	ssyncadd.s32 $0xFFFF8000  }
0x334: {  	[hbm4b:s22+s2] =	stream.linear.scatter [tilespmem:s2], [sflag:$0x1], $0x8000, $0x38;
	[tilespmem:$0x14000] =	vst v63  }
0x335: {  	_ =	swait.ge [sflag:s7], $0x8000  }
0x336: {  	[sflag:s7] =	ssyncset.done $0x0  }
0x337: {  	[sflag:s7] =	ssyncadd.s32 $0xFFFF8000  }
0x338: {  	[tilespmem:s2], [sflag:$0x1] =	stream.linear.gather [hbm4b:s21+s2], $0x8000, $0x38;
	[tilespmem:$0x14000] =	vst v63  }
0x339: {  	_ =	swait.ge [sflag:s7], $0x8000  }
0x33a: {  	[sflag:s7] =	ssyncset.done $0x0  }
0x33b: {  	[sflag:s7] =	ssyncadd.s32 $0xFFFF8000  }
0x33c: {  	[hbm4b:s20+s2] =	stream.linear.scatter [tilespmem:s2], [sflag:$0x1], $0x8000, $0x38;
	[tilespmem:$0x14000] =	vst v63  }
0x33d: {  	_ =	swait.ge [sflag:s7], $0x8000  }
0x33e: {  	[sflag:s7] =	ssyncset.done $0x0  }
0x33f: {  	[sflag:s7] =	ssyncadd.s32 $0xFFFF8000  }
0x340: {  	[tilespmem:s2], [sflag:$0x1] =	stream.linear.gather [hbm4b:s19+s2], $0x8000, $0x38;
	[tilespmem:$0x14000] =	vst v63  }
0x341: {  	_ =	swait.ge [sflag:s7], $0x8000  }
0x342: {  	[sflag:s7] =	ssyncset.done $0x0  }
0x343: {  	[sflag:s7] =	ssyncadd.s32 $0xFFFF8000  }
0x344: {  	[hbm4b:s18+s2] =	stream.linear.scatter [tilespmem:s2], [sflag:$0x1], $0x8000, $0x38;
	[tilespmem:$0x14000] =	vst v63  }
0x345: {  	_ =	swait.ge [sflag:s7], $0x8000  }
0x346: {  	[sflag:s7] =	ssyncset.done $0x0  }
0x347: {  	[sflag:s7] =	ssyncadd.s32 $0xFFFF8000  }
0x348: {  	[tilespmem:s2], [sflag:$0x1] =	stream.linear.gather [hbm4b:s17+s2], $0x8000, $0x38;
	[tilespmem:$0x14000] =	vst v63  }
0x349: {  	_ =	swait.ge [sflag:s7], $0x8000  }
0x34a: {  	[sflag:s7] =	ssyncset.done $0x0  }
0x34b: {  	[sflag:s7] =	ssyncadd.s32 $0xFFFF8000  }
0x34c: {  	[hbm4b:s16+s2] =	stream.linear.scatter [tilespmem:s2], [sflag:$0x1], $0x8000, $0x38;
	[tilespmem:$0x14000] =	vst v63  }
0x34d: {  	_ =	swait.ge [sflag:s7], $0x8000  }
0x34e: {  	[sflag:s7] =	ssyncset.done $0x0  }
0x34f: {  	[sflag:s7] =	ssyncadd.s32 $0xFFFF8000  }
0x350: {  	[tilespmem:s2], [sflag:$0x1] =	stream.linear.gather [hbm4b:s15+s2], $0x8000, $0x38;
	[tilespmem:$0x14000] =	vst v63  }
0x351: {  	_ =	swait.ge [sflag:s7], $0x8000  }
0x352: {  	[sflag:s7] =	ssyncset.done $0x0  }
0x353: {  	[sflag:s7] =	ssyncadd.s32 $0xFFFF8000  }
0x354: {  	[hbm4b:s14+s2] =	stream.linear.scatter [tilespmem:s2], [sflag:$0x1], $0x8000, $0x38;
	[tilespmem:$0x14000] =	vst v63  }
0x355: {  	_ =	swait.ge [sflag:s7], $0x8000  }
0x356: {  	[sflag:s7] =	ssyncset.done $0x0  }
0x357: {  	[sflag:s7] =	ssyncadd.s32 $0xFFFF8000  }
0x358: {  	[tilespmem:s2], [sflag:$0x1] =	stream.linear.gather [hbm4b:s13+s2], $0x8000, $0x38;
	[tilespmem:$0x14000] =	vst v63  }
0x359: {  	_ =	swait.ge [sflag:s7], $0x8000  }
0x35a: {  	[sflag:s7] =	ssyncset.done $0x0  }
0x35b: {  	[sflag:s7] =	ssyncadd.s32 $0xFFFF8000  }
0x35c: {  	[hbm4b:s12+s2] =	stream.linear.scatter [tilespmem:s2], [sflag:$0x1], $0x8000, $0x38;
	[tilespmem:$0x14000] =	vst v63  }
0x35d: {  	_ =	swait.ge [sflag:s7], $0x8000  }
0x35e: {  	[sflag:s7] =	ssyncset.done $0x0  }
0x35f: {  	[sflag:s7] =	ssyncadd.s32 $0xFFFF8000  }
0x360: {  	[tilespmem:s2], [sflag:$0x1] =	stream.linear.gather [hbm4b:s11+s2], $0x8000, $0x38;
	[tilespmem:$0x14000] =	vst v63  }
0x361: {  	_ =	swait.ge [sflag:s7], $0x8000  }
0x362: {  	[sflag:s7] =	ssyncset.done $0x0  }
0x363: {  	[sflag:s7] =	ssyncadd.s32 $0xFFFF8000  }
0x364: {  	[hbm4b:s9+s2] =	stream.linear.scatter [tilespmem:s2], [sflag:$0x1], $0x8000, $0x38;
	[tilespmem:$0x14000] =	vst v63  }
0x365: {  	_ =	swait.ge [sflag:s7], $0x8000  }
0x366: {  	[sflag:s7] =	ssyncset.done $0x0  }
0x367: {  	[sflag:s7] =	ssyncadd.s32 $0xFFFF8000  }
0x368: {  	[tilespmem:s2], [sflag:$0x1] =	stream.linear.gather [hbm4b:s10+s2], $0x8000, $0x38;
	[tilespmem:$0x14000] =	vst v63  }
0x369: {  	_ =	swait.ge [sflag:s7], $0x8000  }
0x36a: {  	[sflag:s7] =	ssyncset.done $0x0  }
0x36b: {  	[sflag:s7] =	ssyncadd.s32 $0xFFFF8000  }
0x36c: {  	[hbm4b:s8+s2] =	stream.linear.scatter [tilespmem:s2], [sflag:$0x1], $0x8000, $0x38;
	[tilespmem:$0x14000] =	vst v63  }
0x36d: {  	_ =	swait.ge [sflag:s7], $0x8000  }
0x36e: {  	[sflag:s7] =	ssyncset.done $0x0  }
0x36f: {  	[sflag:s7] =	ssyncadd.s32 $0xFFFF8000  }
0x370: {  	[tilespmem:s2], [sflag:$0x1] =	stream.linear.gather [hbm4b:s6+s2], $0x8000, $0x38;
	[tilespmem:$0x14000] =	vst v63  }
0x371: {  	_ =	swait.ge [sflag:s7], $0x8000  }
0x372: {  	[sflag:s7] =	ssyncset.done $0x0  }
0x373: {  	[sflag:s7] =	ssyncadd.s32 $0xFFFF8000  }
0x374: {  	[hbm4b:s5+s2] =	stream.linear.scatter [tilespmem:s2], [sflag:$0x1], $0x8000, $0x38;
	[tilespmem:$0x14000] =	vst v63  }
0x375: {  	_ =	swait.ge [sflag:s7], $0x8000  }
0x376: {  	s0 =	simm.s32 @!p0 $0x0;
	[sflag:s7] =	ssyncset.done $0x0  }
0x377: {  	s1 =	simm.s32 @!p0 $0x8000;
	s2 =	simm.s32 @!p0 $0x1;
	[sflag:s7] =	ssyncadd.s32 $0xFFFF8000  }
0x378: {  	[tilespmem:s1], [sflag:$0x1] =	stream.linear.gather @!p0 [hbm4b:s4+s0], $0xC000, $0x38;
	[tilespmem:$0x14000] =	vst v63  }
0x379: {  	_ =	swait.ge @!p0 [sflag:s2], $0xC000  }
0x37a: {  	[sflag:s2] =	ssyncset.done @!p0 $0x0  }
0x37b: {  	[sflag:s2] =	ssyncadd.s32 @!p0 $0xFFFF4000  }
0x37c: {  	[hbm4b:s3+s0] =	stream.linear.scatter @!p0 [tilespmem:s1], [sflag:$0x1], $0xC000, $0x38;
	[tilespmem:$0x14000] =	vst v63  }
0x37d: {  	_ =	swait.ge @!p0 [sflag:s2], $0xC000  }
0x37e: {  	[sflag:s2] =	ssyncset.done @!p0 $0x0  }
0x37f: {  	[sflag:s2] =	ssyncadd.s32 @!p0 $0xFFFF4000  }
0x380: {  	_ =	sfence.sel $0x180000  }
0x381: {  	[bflag:$0x0] =	sbarrier.arrive $0xFFFF  }
0x382: {  	_ =	strace $0x90000047  }
0x383: {  	[bflag:$0x2] =	sbarrier.arrive $0xFFFF  }
0x384: {  	p0 =	sne.s32 s31, $0x0;
	s0 =	rddreg [dreg:$0x3]  }
0x385: {  	s0 =	sadd.s32 @!p0 $0x100000, s0  }
0x386: {  	[sflag:s0] =	ssyncadd.tile.s32 @!p0 $0x1;
	_ =	shalt  }
.LBB2_1:
.Ltmp3:
0x387: {  	(pc) =	sbr.rel .LBB2_6-.Ltmp3, $2  }
0x388: {  	_ =	sdelay $0x2  }
0x389: {  	_ = 	snop  }
.LBB2_3:
.Ltmp4:
0x38a: {  	(pc) =	sbr.rel .LBB2_6-.Ltmp4, $2  }
0x38b: {  	_ =	sdelay $0x2  }
0x38c: {  	s31 =	stileid.u32  }
.Lfunc_end2:
_tile_overlayer_lowered:
.L_overlay_start_2:
0x38d: {  	(tag) =	ssettag $0x2  }
0x38e: {  	s0 =	rddreg [dreg:$0x0];
	s2 =	stileid.u32  }
0x38f: {  	s1 =	rddreg [dreg:$0x1];
	p0 =	sne.s32 s2, $0x0  }
0x390: {  	s3 =	rddreg [dreg:$0x2];
	[bflag:$0x3] =	sbarrier.arrive $0xFFFF;
	s2 =	simm.s32 @!p0 $0x1C01  }
0x391: {  	[timem:s3], [sflag:s2] =	dma.local @!p0 [hbm:s0], s1  }
0x392: {  	s0 =	simm.s32 @!p0 $0x1  }
0x393: {  	_ =	swait.ge @!p0 [sflag:s0], s1  }
0x394: {  	s1 =	ssub.s32 @!p0 $0x0, s1;
	[sflag:s0] =	ssyncset.done @!p0 $0x0  }
0x395: {  	[sflag:s0] =	ssyncadd.s32 @!p0 s1  }
0x396: {  	[bflag:$0x3] =	sbarrier.arrive $0xFFFF  }
0x397: {  	_ =	shalt  }

</sc_bundles>
